<compile_context>
chip_gen: v7x
topology: tpu7x:2x2x1
jax: 0.10.2.dev20260603
libtpu: 0.0.44.dev20260713+nightly
codegen_flags: <defaults>
</compile_context>

<pallas_src>
import functools

import jax
import jax.numpy as jnp
from jax import lax
from jax.experimental import pallas as pl
from jax.experimental.pallas import tpu as pltpu
from jax.experimental.pallas import tpu_sc as plsc

N = 10000
E = 320000
D = 128

NC = 2
NS = 16
NW = NC * NS
EW = E // NW
B = 80
NB = EW // B
CH = 80
NCH = N // CH
NV = EW // 16

_BLK = 2048
_GRID = -(-N // _BLK)
NP = _GRID * _BLK

_mesh = plsc.VectorSubcoreMesh(core_axis_name="c", subcore_axis_name="s")


@functools.partial(
    pl.kernel,
    out_type=(
        jax.ShapeDtypeStruct((_GRID, NW, _BLK), jnp.float32),
        jax.ShapeDtypeStruct((_GRID, NW, _BLK), jnp.float32),
    ),
    mesh=_mesh,
    scratch_types=[
        pltpu.VMEM((EW,), jnp.int32),
        pltpu.VMEM((EW,), jnp.int32),
        pltpu.VMEM((NP,), jnp.float32),
        pltpu.VMEM((NP,), jnp.float32),
    ],
    compiler_params=pltpu.CompilerParams(needs_layout_passes=False),
)
def _sc_degrees(src_hbm, dst_hbm, do_out, di_out, ib_s, ib_d, hist_o, hist_i):
    c = lax.axis_index("c")
    s = lax.axis_index("s")
    w = s * NC + c

    pltpu.sync_copy(src_hbm.at[pl.ds(w * EW, EW)], ib_s)
    pltpu.sync_copy(dst_hbm.at[pl.ds(w * EW, EW)], ib_d)

    def zb(i, _):
        hist_o[pl.ds(i * 16, 16)] = jnp.zeros((16,), jnp.float32)
        hist_i[pl.ds(i * 16, 16)] = jnp.zeros((16,), jnp.float32)
        return 0
    lax.fori_loop(0, NP // 16, zb, 0)

    def hb(i, _):
        idx = ib_s[pl.ds(i * 16, 16)]
        cnt, last = plsc.scan_count(idx)
        plsc.addupdate_scatter(hist_o, [idx], cnt.astype(jnp.float32),
                               mask=last)
        idx2 = ib_d[pl.ds(i * 16, 16)]
        cnt2, last2 = plsc.scan_count(idx2)
        plsc.addupdate_scatter(hist_i, [idx2], cnt2.astype(jnp.float32),
                               mask=last2)
        return 0
    lax.fori_loop(0, NV, hb, 0)

    for g in range(_GRID):
        pltpu.sync_copy(hist_o.at[pl.ds(g * _BLK, _BLK)], do_out.at[g, w])
        pltpu.sync_copy(hist_i.at[pl.ds(g * _BLK, _BLK)], di_out.at[g, w])


@functools.partial(
    pl.kernel,
    out_type=jax.ShapeDtypeStruct((NC, N, D), jnp.float32),
    mesh=_mesh,
    scratch_types=[
        pltpu.VMEM((EW,), jnp.int32),
        pltpu.VMEM((NB, B), jnp.int32),
        pltpu.VMEM((B, D), jnp.float32),
        pltpu.VMEM((B, D), jnp.float32),
        pltpu.VMEM_SHARED((N, D), jnp.float32),
        pltpu.SemaphoreType.DMA,
        pltpu.SemaphoreType.DMA,
        pltpu.SemaphoreType.DMA,
        pltpu.SemaphoreType.DMA,
        pltpu.SemaphoreType.DMA,
        pltpu.SemaphoreType.DMA,
    ],
)
def _sc_propagate(m_hbm, src_hbm, dst_hbm, part_out, idx_s, idx_d, rows0,
                  rows1, acc, gsem0, gsem0b, gsem1, gsem1b, ssem0, ssem1):
    c = lax.axis_index("c")
    s = lax.axis_index("s")
    w = s * NC + c

    pltpu.sync_copy(src_hbm.at[pl.ds(w * EW, EW)], idx_s)
    pltpu.sync_copy(dst_hbm.at[w], idx_d)

    def zv_all(t, _):
        i = t // (D // 16)
        j = t % (D // 16)
        rows0[i, pl.ds(j * 16, 16)] = jnp.zeros((16,), jnp.float32)
        return 0
    lax.fori_loop(0, CH * (D // 16), zv_all, 0)

    def zbody(t, _):
        k = s + t * NS
        @pl.when(k < NCH)
        def _():
            pltpu.sync_copy(rows0.at[pl.ds(0, CH)], acc.at[pl.ds(k * CH, CH)])
        return 0
    lax.fori_loop(0, (NCH + NS - 1) // NS, zbody, 0)
    plsc.subcore_barrier()

    HB = B // 2

    def _gather(j, buf, semA, semB, start):
        iA = idx_s.at[pl.ds(j * B, HB)]
        iB = idx_s.at[pl.ds(j * B + HB, HB)]
        bA = buf.at[pl.ds(0, HB)]
        bB = buf.at[pl.ds(HB, HB)]
        if start:
            pltpu.async_copy(m_hbm.at[iA], bA, semA)
            pltpu.async_copy(m_hbm.at[iB], bB, semB)
        else:
            pltpu.make_async_copy(m_hbm.at[iA], bA, semA).wait()
            pltpu.make_async_copy(m_hbm.at[iB], bB, semB).wait()

    _gather(0, rows0, gsem0, gsem0b, True)

    def body(i, _):
        j0 = 2 * i
        j1 = 2 * i + 1
        _gather(j0, rows0, gsem0, gsem0b, False)
        pltpu.async_copy(rows0, acc.at[idx_d.at[j0]], ssem0, add=True)

        @pl.when(i > 0)
        def _():
            pltpu.make_async_copy(rows1, acc.at[idx_d.at[j1 - 2]],
                                  ssem1).wait()

        _gather(j1, rows1, gsem1, gsem1b, True)
        _gather(j1, rows1, gsem1, gsem1b, False)
        pltpu.async_copy(rows1, acc.at[idx_d.at[j1]], ssem1, add=True)
        pltpu.make_async_copy(rows0, acc.at[idx_d.at[j0]], ssem0).wait()

        @pl.when(j0 + 2 < NB)
        def _():
            _gather(j0 + 2, rows0, gsem0, gsem0b, True)

        return 0

    lax.fori_loop(0, NB // 2, body, 0)
    if NB % 2:
        jt = NB - 1
        _gather(jt, rows0, gsem0, gsem0b, False)
        pltpu.async_copy(rows0, acc.at[idx_d.at[jt]], ssem0, add=True)
        pltpu.make_async_copy(rows0, acc.at[idx_d.at[jt]], ssem0).wait()
    pltpu.make_async_copy(rows1, acc.at[idx_d.at[NB - 2]], ssem1).wait()
    plsc.subcore_barrier()

    def dbody(t, _):
        k = s + t * NS
        @pl.when(k < NCH)
        def _():
            r = k * CH
            pltpu.sync_copy(acc.at[pl.ds(r, CH)], rows0.at[pl.ds(0, CH)])
            pltpu.sync_copy(rows0.at[pl.ds(0, CH)], part_out.at[c, pl.ds(r, CH)])
        return 0
    lax.fori_loop(0, (NCH + NS - 1) // NS, dbody, 0)


def _norm(deg):
    return jnp.where(deg > 0, lax.rsqrt(deg), 0.0)


def _dense1_body(dop_ref, x_ref, m1_ref):
    deg = jnp.sum(dop_ref[0], axis=0)
    m1_ref[...] = x_ref[...] * _norm(deg)[:, None]


def _dense2_body(part_ref, dip_ref, dop_ref, w_ref, b_ref, m2_ref):
    agg = part_ref[0] + part_ref[1]
    nd = _norm(jnp.sum(dip_ref[0], axis=0))
    h = jnp.dot(agg * nd[:, None], w_ref[...],
                preferred_element_type=jnp.float32) + b_ref[...]
    h = jnp.maximum(h, 0.0)
    ns = _norm(jnp.sum(dop_ref[0], axis=0))
    m2_ref[...] = h * ns[:, None]


def _dense3_body(part_ref, dip_ref, w_ref, b_ref, out_ref):
    agg = part_ref[0] + part_ref[1]
    nd = _norm(jnp.sum(dip_ref[0], axis=0))
    h = jnp.dot(agg * nd[:, None], w_ref[...],
                preferred_element_type=jnp.float32) + b_ref[...]
    out_ref[...] = jnp.maximum(h, 0.0)


_deg_spec = pl.BlockSpec((1, NW, _BLK), lambda i: (i, 0, 0))
_row_spec = pl.BlockSpec((_BLK, D), lambda i: (i, 0))
_part_spec = pl.BlockSpec((NC, _BLK, D), lambda i: (0, i, 0))
_w_spec = pl.BlockSpec((D, D), lambda i: (0, 0))
_b_spec = pl.BlockSpec((1, D), lambda i: (0, 0))

_dense1 = pl.pallas_call(
    _dense1_body,
    grid=(_GRID,),
    in_specs=[_deg_spec, _row_spec],
    out_specs=_row_spec,
    out_shape=jax.ShapeDtypeStruct((N, D), jnp.float32),
)

_dense2 = pl.pallas_call(
    _dense2_body,
    grid=(_GRID,),
    in_specs=[_part_spec, _deg_spec, _deg_spec, _w_spec, _b_spec],
    out_specs=_row_spec,
    out_shape=jax.ShapeDtypeStruct((N, D), jnp.float32),
)

_dense3 = pl.pallas_call(
    _dense3_body,
    grid=(_GRID,),
    in_specs=[_part_spec, _deg_spec, _w_spec, _b_spec],
    out_specs=_row_spec,
    out_shape=jax.ShapeDtypeStruct((N, D), jnp.float32),
)


def kernel(features, edge_index, W1, b1, W2, b2):
    src_flat = edge_index[0]
    dst_flat = edge_index[1]
    dst = dst_flat.reshape(NW, NB, B)
    b1r = b1.reshape(1, D)
    b2r = b2.reshape(1, D)

    dop, dip = _sc_degrees(src_flat, dst_flat)
    m1 = _dense1(dop, features)
    part1 = _sc_propagate(m1, src_flat, dst)
    m2 = _dense2(part1, dip, dop, W1, b1r)
    part2 = _sc_propagate(m2, src_flat, dst)
    h2 = _dense3(part2, dip, W2, b2r)
    return h2

# --- scband reference (transcript-rebuilt; emitter-appended) ---
"""Pipeline reference for scband-gnn-47579647705406 (READ-ONLY COPY).

The authoritative reference and input builder live on the scoring server;
editing this copy changes nothing except your own understanding.
"""

import jax, jax.numpy as jnp
import numpy as np

N = 10000
E = 320000
D = 128
H = 128

def setup_inputs(seed: int = 0) -> dict:
    key = jax.random.key(seed)
    k1, k2, k3, k4 = jax.random.split(key, 4)
    features = jax.random.normal(k1, (N, D), dtype=jnp.float32)
    edge_index = jax.random.randint(k2, (2, E), 0, N).astype(jnp.int32)
    W1 = jax.random.normal(k3, (D, H), dtype=jnp.float32) * (1.0 / np.sqrt(D))
    b1 = jnp.zeros((H,), dtype=jnp.float32)
    W2 = jax.random.normal(k4, (H, H), dtype=jnp.float32) * (1.0 / np.sqrt(H))
    b2 = jnp.zeros((H,), dtype=jnp.float32)
    return {"features": features, "edge_index": edge_index, "W1": W1, "b1": b1, "W2": W2, "b2": b2}

def _graph_conv(x, src, dst, W, b):
    # DGL GraphConv with norm='both': D_out^{-1/2} A D_in^{-1/2} X W + b, then activation
    ones = jnp.ones((src.shape[0],), dtype=x.dtype)
    deg_out = jax.ops.segment_sum(ones, src, num_segments=N)
    deg_in = jax.ops.segment_sum(ones, dst, num_segments=N)
    norm_src = jnp.where(deg_out > 0, deg_out ** -0.5, 0.0)
    norm_dst = jnp.where(deg_in > 0, deg_in ** -0.5, 0.0)
    m = x * norm_src[:, None]
    msg = jnp.take(m, src, axis=0)
    agg = jax.ops.segment_sum(msg, dst, num_segments=N)
    agg = agg * norm_dst[:, None]
    h = agg @ W + b
    return jax.nn.relu(h)

def reference(features, edge_index, W1, b1, W2, b2):
    # forward(g, features): 2 GraphConv layers with relu; dropout p=0.0 (identity)
    src = edge_index[0]
    dst = edge_index[1]
    h = _graph_conv(features, src, dst, W1, b1)
    h = _graph_conv(h, src, dst, W2, b2)
    # calc_mad=False -> outputs list is empty; return final node embeddings
    return h

if __name__ == "__main__":
    import jax
    _d = setup_inputs()
    print(jax.jit(kernel)(*tuple(_d.values())))

</pallas_src>

<mosaic_0001>
#map = affine_map<(d0, d1) -> (0, 0)>
#map1 = affine_map<(d0, d1) -> (0)>
#map2 = affine_map<(d0, d1) -> (0, 0, 0)>
module attributes {stable_mosaic.version = 14 : i64} {
  func.func @_sc_propagate(%arg0: i32, %arg1: i32, %arg2: memref<10000x128xf32, #tpu.memory_space<hbm>>, %arg3: memref<320000xi32, #tpu.memory_space<hbm>>, %arg4: memref<32x125x80xi32, #tpu.memory_space<hbm>>, %arg5: memref<2x10000x128xf32, #tpu.memory_space<hbm>>, %arg6: memref<10000xi32, #tpu.memory_space<vmem>>, %arg7: memref<125x80xi32, #tpu.memory_space<vmem>>, %arg8: memref<80x128xf32, #tpu.memory_space<vmem>>, %arg9: memref<80x128xf32, #tpu.memory_space<vmem>>, %arg10: memref<10000x128xf32, #tpu.memory_space<vmem_shared>>, %arg11: memref<!tpu.dma_semaphore, #tpu.memory_space<semaphore_mem>>, %arg12: memref<!tpu.dma_semaphore, #tpu.memory_space<semaphore_mem>>, %arg13: memref<!tpu.dma_semaphore, #tpu.memory_space<semaphore_mem>>, %arg14: memref<!tpu.dma_semaphore, #tpu.memory_space<semaphore_mem>>, %arg15: memref<!tpu.dma_semaphore, #tpu.memory_space<semaphore_mem>>, %arg16: memref<!tpu.dma_semaphore, #tpu.memory_space<semaphore_mem>>) attributes {dimension_semantics = [#tpu.dimension_semantics<core_parallel>, #tpu.dimension_semantics<subcore_parallel>], iteration_bounds = array<i64: 2, 16>, scalar_prefetch = 0 : i64, scratch_operands = 11 : i64, tpu.core_type = #tpu.core_type<sc_vector_subcore>, window_params = [{transform_indices = #map}, {transform_indices = #map1}, {transform_indices = #map2}, {transform_indices = #map2}]} {
    %mul3A = arith.constant 2 : i32
    %mul3A_0 = arith.muli %arg1, %mul3A : i32
    %add3A = arith.addi %mul3A_0, %arg0 : i32
    %mul3A_1 = arith.constant 10000 : i32
    %mul3A_2 = arith.muli %add3A, %mul3A_1 : i32
    "tpu.region"() ({
      %run_scoped3A = tpu.sem_alloc : memref<!tpu.dma_semaphore, #tpu.memory_space<semaphore_mem>>
      %dma_start3A_82 = tpu.memref_slice %arg3[%mul3A_2] : memref<320000xi32, #tpu.memory_space<hbm>> -> memref<10000xi32, #tpu.memory_space<hbm>>
      %dma_start3A_83 = tpu.memref_slice %arg3[%mul3A_2] : memref<320000xi32, #tpu.memory_space<hbm>> -> memref<10000xi32, #tpu.memory_space<hbm>>
      tpu.enqueue_dma source(%dma_start3A_83 : memref<10000xi32, #tpu.memory_space<hbm>>) target(%arg6 : memref<10000xi32, #tpu.memory_space<vmem>>) target_semaphore(%run_scoped3A : memref<!tpu.dma_semaphore, #tpu.memory_space<semaphore_mem>>)
      %dma_wait3A_84 = tpu.memref_slice %arg3[%mul3A_2] : memref<320000xi32, #tpu.memory_space<hbm>> -> memref<10000xi32, #tpu.memory_space<hbm>>
      %dma_wait3A_85 = tpu.memref_slice %arg3[%mul3A_2] : memref<320000xi32, #tpu.memory_space<hbm>> -> memref<10000xi32, #tpu.memory_space<hbm>>
      tpu.wait_dma2 semaphore(%run_scoped3A : memref<!tpu.dma_semaphore, #tpu.memory_space<semaphore_mem>>) src(%dma_wait3A_85 : memref<10000xi32, #tpu.memory_space<hbm>>) dst(%arg6 : memref<10000xi32, #tpu.memory_space<vmem>>)
      tpu.yield
    }) : () -> ()
    "tpu.region"() ({
      %run_scoped3A = tpu.sem_alloc : memref<!tpu.dma_semaphore, #tpu.memory_space<semaphore_mem>>
      %dma_start3A_82 = arith.constant 0 : i32
      %dma_start3A_83 = arith.constant 0 : i32
      %dma_start3A_84 = tpu.memref_slice %arg4[%add3A, %dma_start3A_82, %dma_start3A_83] : memref<32x125x80xi32, #tpu.memory_space<hbm>> -> memref<1x125x80xi32, #tpu.memory_space<hbm>>
      %dma_start3A_85 = tpu.memref_squeeze %dma_start3A_84 : memref<1x125x80xi32, #tpu.memory_space<hbm>> -> memref<125x80xi32, #tpu.memory_space<hbm>>
      %dma_start3A_86 = arith.constant 0 : i32
      %dma_start3A_87 = arith.constant 0 : i32
      %dma_start3A_88 = tpu.memref_slice %arg4[%add3A, %dma_start3A_86, %dma_start3A_87] : memref<32x125x80xi32, #tpu.memory_space<hbm>> -> memref<1x125x80xi32, #tpu.memory_space<hbm>>
      %dma_start3A_89 = tpu.memref_squeeze %dma_start3A_88 : memref<1x125x80xi32, #tpu.memory_space<hbm>> -> memref<125x80xi32, #tpu.memory_space<hbm>>
      tpu.enqueue_dma source(%dma_start3A_89 : memref<125x80xi32, #tpu.memory_space<hbm>>) target(%arg7 : memref<125x80xi32, #tpu.memory_space<vmem>>) target_semaphore(%run_scoped3A : memref<!tpu.dma_semaphore, #tpu.memory_space<semaphore_mem>>)
      %dma_wait3A_90 = arith.constant 0 : i32
      %dma_wait3A_91 = arith.constant 0 : i32
      %dma_wait3A_92 = tpu.memref_slice %arg4[%add3A, %dma_wait3A_90, %dma_wait3A_91] : memref<32x125x80xi32, #tpu.memory_space<hbm>> -> memref<1x125x80xi32, #tpu.memory_space<hbm>>
      %dma_wait3A_93 = tpu.memref_squeeze %dma_wait3A_92 : memref<1x125x80xi32, #tpu.memory_space<hbm>> -> memref<125x80xi32, #tpu.memory_space<hbm>>
      %dma_wait3A_94 = arith.constant 0 : i32
      %dma_wait3A_95 = arith.constant 0 : i32
      %dma_wait3A_96 = tpu.memref_slice %arg4[%add3A, %dma_wait3A_94, %dma_wait3A_95] : memref<32x125x80xi32, #tpu.memory_space<hbm>> -> memref<1x125x80xi32, #tpu.memory_space<hbm>>
      %dma_wait3A_97 = tpu.memref_squeeze %dma_wait3A_96 : memref<1x125x80xi32, #tpu.memory_space<hbm>> -> memref<125x80xi32, #tpu.memory_space<hbm>>
      tpu.wait_dma2 semaphore(%run_scoped3A : memref<!tpu.dma_semaphore, #tpu.memory_space<semaphore_mem>>) src(%dma_wait3A_97 : memref<125x80xi32, #tpu.memory_space<hbm>>) dst(%arg7 : memref<125x80xi32, #tpu.memory_space<vmem>>)
      tpu.yield
    }) : () -> ()
    %scan3A = arith.constant 0 : i32
    %scan3A_3 = arith.constant 0 : i32
    %scan3A_4 = arith.constant 640 : i32
    %scan3A_5 = arith.addi %scan3A_3, %scan3A_4 : i32
    %scan3A_6 = arith.constant 1 : i32
    %scan3A_7 = scf.for %scan3A_82 = %scan3A_3 to %scan3A_5 step %scan3A_6 iter_args(%scan3A_83 = %scan3A) -> (i32)  : i32 {
      %jit3A = arith.constant 8 : i32
      %div3A = arith.divsi %scan3A_82, %jit3A : i32
      %sign3A = arith.constant 0 : i32
      %sign3A_84 = arith.cmpi sgt, %scan3A_82, %sign3A : i32
      %sign3A_85 = arith.extui %sign3A_84 : i1 to i32
      %sign3A_86 = arith.constant 0 : i32
      %sign3A_87 = arith.cmpi slt, %scan3A_82, %sign3A_86 : i32
      %sign3A_88 = arith.extui %sign3A_87 : i1 to i32
      %sign3A_89 = arith.subi %sign3A_85, %sign3A_88 : i32
      %sign3A_90 = arith.constant 0 : i32
      %sign3A_91 = arith.cmpi sgt, %jit3A, %sign3A_90 : i32
      %sign3A_92 = arith.extui %sign3A_91 : i1 to i32
      %sign3A_93 = arith.constant 0 : i32
      %sign3A_94 = arith.cmpi slt, %jit3A, %sign3A_93 : i32
      %sign3A_95 = arith.extui %sign3A_94 : i1 to i32
      %sign3A_96 = arith.subi %sign3A_92, %sign3A_95 : i32
      %ne3A = arith.cmpi ne, %sign3A_89, %sign3A_96 : i32
      %rem3A = arith.remsi %scan3A_82, %jit3A : i32
      %ne3A_97 = arith.constant 0 : i32
      %ne3A_98 = arith.cmpi ne, %rem3A, %ne3A_97 : i32
      %and3A = arith.andi %ne3A, %ne3A_98 : i1
      %sub3A = arith.constant 1 : i32
      %sub3A_99 = arith.subi %div3A, %sub3A : i32
      %select_n3A = arith.select %and3A, %sub3A_99, %div3A : i32
      %jit3A_100 = arith.constant 8 : i32
      %eq3A = arith.constant 0 : i32
      %eq3A_101 = arith.cmpi eq, %jit3A_100, %eq3A : i32
      %jit3A_102 = arith.constant 1 : i32
      %select_n3A_103 = arith.select %eq3A_101, %jit3A_102, %jit3A_100 : i32
      %rem3A_104 = arith.remsi %scan3A_82, %select_n3A_103 : i32
      %ne3A_105 = arith.constant 0 : i32
      %ne3A_106 = arith.cmpi ne, %rem3A_104, %ne3A_105 : i32
      %lt3A = arith.constant 0 : i32
      %lt3A_107 = arith.cmpi slt, %rem3A_104, %lt3A : i32
      %lt3A_108 = arith.constant 0 : i32
      %lt3A_109 = arith.cmpi slt, %select_n3A_103, %lt3A_108 : i32
      %ne3A_110 = arith.xori %lt3A_107, %lt3A_109 : i1
      %and3A_111 = arith.andi %ne3A_110, %ne3A_106 : i1
      %add3A_112 = arith.addi %rem3A_104, %select_n3A_103 : i32
      %select_n3A_113 = arith.select %and3A_111, %add3A_112, %rem3A_104 : i32
      %broadcast_in_dim3A = arith.constant 0.000000e+00 : f32
      %broadcast_in_dim3A_114 = vector.broadcast %broadcast_in_dim3A : f32 to vector<16xf32>
      %mul3A_115 = arith.constant 16 : i32
      %mul3A_116 = arith.muli %select_n3A_113, %mul3A_115 : i32
      %swap3A = arith.index_cast %select_n3A : i32 to index
      %swap3A_117 = arith.index_cast %mul3A_116 : i32 to index
      %swap3A_118 = tpu.vector_load %arg8[%swap3A, %swap3A_117] {strides = array<i32>} : memref<80x128xf32, #tpu.memory_space<vmem>>, vector<1x16xf32>,
      %swap3A_119 = vector.shape_cast %swap3A_118 : vector<1x16xf32> to vector<16xf32>
      %swap3A_120 = vector.shape_cast %broadcast_in_dim3A_114 : vector<16xf32> to vector<1x16xf32>
      tpu.vector_store %arg8[%swap3A, %swap3A_117], %swap3A_120 {strides = array<i32>} : memref<80x128xf32, #tpu.memory_space<vmem>>, vector<1x16xf32>,
      %scan3A_121 = arith.constant 0 : i32
      scf.yield %scan3A_121 : i32
    }
    %scan3A_8 = arith.constant 640 : i32
    %scan3A_9 = arith.constant 0 : i32
    %scan3A_10 = arith.constant 0 : i32
    %scan3A_11 = arith.constant 8 : i32
    %scan3A_12 = arith.addi %scan3A_10, %scan3A_11 : i32
    %scan3A_13 = arith.constant 1 : i32
    %scan3A_14 = scf.for %scan3A_82 = %scan3A_10 to %scan3A_12 step %scan3A_13 iter_args(%scan3A_83 = %scan3A_9) -> (i32)  : i32 {
      %mul3A_84 = arith.constant 16 : i32
      %mul3A_85 = arith.muli %scan3A_82, %mul3A_84 : i32
      %add3A_86 = arith.addi %arg1, %mul3A_85 : i32
      %lt3A = arith.constant 125 : i32
      %lt3A_87 = arith.cmpi slt, %add3A_86, %lt3A : i32
      %convert_element_type3A = arith.extui %lt3A_87 : i1 to i32
      %cond3A = arith.constant 0 : i32
      %cond3A_88 = arith.cmpi ne, %convert_element_type3A, %cond3A : i32
      scf.if %cond3A_88 {
        %mul3A_90 = arith.constant 80 : i32
        %mul3A_91 = arith.muli %add3A_86, %mul3A_90 : i32
        "tpu.region"() ({
          %run_scoped3A = tpu.sem_alloc : memref<!tpu.dma_semaphore, #tpu.memory_space<semaphore_mem>>
          %dma_start3A_92 = arith.constant 0 : i32
          %dma_start3A_93 = arith.constant 0 : i32
          %dma_start3A_94 = tpu.memref_slice %arg8[%dma_start3A_92, %dma_start3A_93] : memref<80x128xf32, #tpu.memory_space<vmem>> -> memref<80x128xf32, #tpu.memory_space<vmem>>
          %dma_start3A_95 = arith.constant 0 : i32
          %dma_start3A_96 = tpu.memref_slice %arg10[%mul3A_91, %dma_start3A_95] : memref<10000x128xf32, #tpu.memory_space<vmem_shared>> -> memref<80x128xf32, #tpu.memory_space<vmem_shared>>
          %dma_start3A_97 = arith.constant 0 : i32
          %dma_start3A_98 = tpu.memref_slice %arg10[%mul3A_91, %dma_start3A_97] : memref<10000x128xf32, #tpu.memory_space<vmem_shared>> -> memref<80x128xf32, #tpu.memory_space<vmem_shared>>
          %dma_start3A_99 = arith.constant 0 : i32
          %dma_start3A_100 = arith.constant 0 : i32
          %dma_start3A_101 = tpu.memref_slice %arg8[%dma_start3A_99, %dma_start3A_100] : memref<80x128xf32, #tpu.memory_space<vmem>> -> memref<80x128xf32, #tpu.memory_space<vmem>>
          tpu.enqueue_dma source(%dma_start3A_101 : memref<80x128xf32, #tpu.memory_space<vmem>>) target(%dma_start3A_98 : memref<80x128xf32, #tpu.memory_space<vmem_shared>>) target_semaphore(%run_scoped3A : memref<!tpu.dma_semaphore, #tpu.memory_space<semaphore_mem>>)
          %dma_wait3A_102 = arith.constant 0 : i32
          %dma_wait3A_103 = arith.constant 0 : i32
          %dma_wait3A_104 = tpu.memref_slice %arg8[%dma_wait3A_102, %dma_wait3A_103] : memref<80x128xf32, #tpu.memory_space<vmem>> -> memref<80x128xf32, #tpu.memory_space<vmem>>
          %dma_wait3A_105 = arith.constant 0 : i32
          %dma_wait3A_106 = tpu.memref_slice %arg10[%mul3A_91, %dma_wait3A_105] : memref<10000x128xf32, #tpu.memory_space<vmem_shared>> -> memref<80x128xf32, #tpu.memory_space<vmem_shared>>
          %dma_wait3A_107 = arith.constant 0 : i32
          %dma_wait3A_108 = tpu.memref_slice %arg10[%mul3A_91, %dma_wait3A_107] : memref<10000x128xf32, #tpu.memory_space<vmem_shared>> -> memref<80x128xf32, #tpu.memory_space<vmem_shared>>
          %dma_wait3A_109 = arith.constant 0 : i32
          %dma_wait3A_110 = arith.constant 0 : i32
          %dma_wait3A_111 = tpu.memref_slice %arg8[%dma_wait3A_109, %dma_wait3A_110] : memref<80x128xf32, #tpu.memory_space<vmem>> -> memref<80x128xf32, #tpu.memory_space<vmem>>
          tpu.wait_dma2 semaphore(%run_scoped3A : memref<!tpu.dma_semaphore, #tpu.memory_space<semaphore_mem>>) src(%dma_wait3A_111 : memref<80x128xf32, #tpu.memory_space<vmem>>) dst(%dma_wait3A_108 : memref<80x128xf32, #tpu.memory_space<vmem_shared>>)
          tpu.yield
        }) : () -> ()
      } else {
      }
      %scan3A_89 = arith.constant 0 : i32
      scf.yield %scan3A_89 : i32
    }
    %scan3A_15 = arith.constant 8 : i32
    %barrier3A = arith.constant 0 : index
    tpu.barrier barrier_id(%barrier3A)
    %dma_start3A = arith.constant 0 : i32
    %dma_start3A_16 = arith.constant 0 : i32
    %dma_start3A_17 = tpu.memref_slice %arg8[%dma_start3A, %dma_start3A_16] : memref<80x128xf32, #tpu.memory_space<vmem>> -> memref<40x128xf32, #tpu.memory_space<vmem>>
    %dma_start3A_18 = arith.constant 0 : i32
    %dma_start3A_19 = tpu.memref_slice %arg6[%dma_start3A_18] : memref<10000xi32, #tpu.memory_space<vmem>> -> memref<40xi32, #tpu.memory_space<vmem>>
    %dma_start3A_20 = arith.constant 0 : i32
    %dma_start3A_21 = arith.constant 0 : i32
    %dma_start3A_22 = tpu.memref_slice %arg2[%dma_start3A_20, %dma_start3A_21] : memref<10000x128xf32, #tpu.memory_space<hbm>> -> memref<10000x128xf32, #tpu.memory_space<hbm>>
    tpu.enqueue_indirect_dma source(%dma_start3A_22 : memref<10000x128xf32, #tpu.memory_space<hbm>>) target(%dma_start3A_17 : memref<40x128xf32, #tpu.memory_space<vmem>>) offsets(%dma_start3A_19 : memref<40xi32, #tpu.memory_space<vmem>>) semaphore(%arg11 : memref<!tpu.dma_semaphore, #tpu.memory_space<semaphore_mem>>)
    %dma_start3A_23 = arith.constant 40 : i32
    %dma_start3A_24 = arith.constant 0 : i32
    %dma_start3A_25 = tpu.memref_slice %arg8[%dma_start3A_23, %dma_start3A_24] : memref<80x128xf32, #tpu.memory_space<vmem>> -> memref<40x128xf32, #tpu.memory_space<vmem>>
    %dma_start3A_26 = arith.constant 40 : i32
    %dma_start3A_27 = tpu.memref_slice %arg6[%dma_start3A_26] : memref<10000xi32, #tpu.memory_space<vmem>> -> memref<40xi32, #tpu.memory_space<vmem>>
    %dma_start3A_28 = arith.constant 0 : i32
    %dma_start3A_29 = arith.constant 0 : i32
    %dma_start3A_30 = tpu.memref_slice %arg2[%dma_start3A_28, %dma_start3A_29] : memref<10000x128xf32, #tpu.memory_space<hbm>> -> memref<10000x128xf32, #tpu.memory_space<hbm>>
    tpu.enqueue_indirect_dma source(%dma_start3A_30 : memref<10000x128xf32, #tpu.memory_space<hbm>>) target(%dma_start3A_25 : memref<40x128xf32, #tpu.memory_space<vmem>>) offsets(%dma_start3A_27 : memref<40xi32, #tpu.memory_space<vmem>>) semaphore(%arg12 : memref<!tpu.dma_semaphore, #tpu.memory_space<semaphore_mem>>)
    %scan3A_31 = arith.constant 0 : i32
    %scan3A_32 = arith.constant 0 : i32
    %scan3A_33 = arith.constant 62 : i32
    %scan3A_34 = arith.addi %scan3A_32, %scan3A_33 : i32
    %scan3A_35 = arith.constant 1 : i32
    %scan3A_36 = scf.for %scan3A_82 = %scan3A_32 to %scan3A_34 step %scan3A_35 iter_args(%scan3A_83 = %scan3A_31) -> (i32)  : i32 {
      %mul3A_84 = arith.constant 2 : i32
      %mul3A_85 = arith.muli %mul3A_84, %scan3A_82 : i32
      %mul3A_86 = arith.constant 2 : i32
      %mul3A_87 = arith.muli %mul3A_86, %scan3A_82 : i32
      %add3A_88 = arith.constant 1 : i32
      %add3A_89 = arith.addi %mul3A_87, %add3A_88 : i32
      %mul3A_90 = arith.constant 80 : i32
      %mul3A_91 = arith.muli %mul3A_85, %mul3A_90 : i32
      %mul3A_92 = arith.constant 80 : i32
      %mul3A_93 = arith.muli %mul3A_85, %mul3A_92 : i32
      %add3A_94 = arith.constant 40 : i32
      %add3A_95 = arith.addi %mul3A_93, %add3A_94 : i32
      %dma_wait3A_96 = arith.constant 0 : i32
      %dma_wait3A_97 = arith.constant 0 : i32
      %dma_wait3A_98 = tpu.memref_slice %arg8[%dma_wait3A_96, %dma_wait3A_97] : memref<80x128xf32, #tpu.memory_space<vmem>> -> memref<40x128xf32, #tpu.memory_space<vmem>>
      %dma_wait3A_99 = tpu.memref_slice %arg6[%mul3A_91] : memref<10000xi32, #tpu.memory_space<vmem>> -> memref<40xi32, #tpu.memory_space<vmem>>
      %dma_wait3A_100 = arith.constant 0 : i32
      %dma_wait3A_101 = arith.constant 0 : i32
      %dma_wait3A_102 = tpu.memref_slice %arg2[%dma_wait3A_100, %dma_wait3A_101] : memref<10000x128xf32, #tpu.memory_space<hbm>> -> memref<10000x128xf32, #tpu.memory_space<hbm>>
      tpu.wait_indirect_dma semaphore(%arg11 : memref<!tpu.dma_semaphore, #tpu.memory_space<semaphore_mem>>) src(%dma_wait3A_102 : memref<10000x128xf32, #tpu.memory_space<hbm>>) dst(%dma_wait3A_98 : memref<40x128xf32, #tpu.memory_space<vmem>>)
      %dma_wait3A_103 = arith.constant 40 : i32
      %dma_wait3A_104 = arith.constant 0 : i32
      %dma_wait3A_105 = tpu.memref_slice %arg8[%dma_wait3A_103, %dma_wait3A_104] : memref<80x128xf32, #tpu.memory_space<vmem>> -> memref<40x128xf32, #tpu.memory_space<vmem>>
      %dma_wait3A_106 = tpu.memref_slice %arg6[%add3A_95] : memref<10000xi32, #tpu.memory_space<vmem>> -> memref<40xi32, #tpu.memory_space<vmem>>
      %dma_wait3A_107 = arith.constant 0 : i32
      %dma_wait3A_108 = arith.constant 0 : i32
      %dma_wait3A_109 = tpu.memref_slice %arg2[%dma_wait3A_107, %dma_wait3A_108] : memref<10000x128xf32, #tpu.memory_space<hbm>> -> memref<10000x128xf32, #tpu.memory_space<hbm>>
      tpu.wait_indirect_dma semaphore(%arg12 : memref<!tpu.dma_semaphore, #tpu.memory_space<semaphore_mem>>) src(%dma_wait3A_109 : memref<10000x128xf32, #tpu.memory_space<hbm>>) dst(%dma_wait3A_105 : memref<40x128xf32, #tpu.memory_space<vmem>>)
      %dma_start3A_110 = arith.constant 0 : i32
      %dma_start3A_111 = tpu.memref_slice %arg7[%mul3A_85, %dma_start3A_110] : memref<125x80xi32, #tpu.memory_space<vmem>> -> memref<1x80xi32, #tpu.memory_space<vmem>>
      %dma_start3A_112 = tpu.memref_squeeze %dma_start3A_111 : memref<1x80xi32, #tpu.memory_space<vmem>> -> memref<80xi32, #tpu.memory_space<vmem>>
      %dma_start3A_113 = arith.constant 0 : i32
      %dma_start3A_114 = arith.constant 0 : i32
      %dma_start3A_115 = tpu.memref_slice %arg10[%dma_start3A_113, %dma_start3A_114] : memref<10000x128xf32, #tpu.memory_space<vmem_shared>> -> memref<10000x128xf32, #tpu.memory_space<vmem_shared>>
      tpu.enqueue_indirect_dma source(%arg8 : memref<80x128xf32, #tpu.memory_space<vmem>>) target(%dma_start3A_115 : memref<10000x128xf32, #tpu.memory_space<vmem_shared>>) offsets(%dma_start3A_112 : memref<80xi32, #tpu.memory_space<vmem>>) semaphore(%arg15 : memref<!tpu.dma_semaphore, #tpu.memory_space<semaphore_mem>>) {add = true}
      %gt3A = arith.constant 0 : i32
      %gt3A_116 = arith.cmpi sgt, %scan3A_82, %gt3A : i32
      %convert_element_type3A = arith.extui %gt3A_116 : i1 to i32
      %cond3A = arith.constant 0 : i32
      %cond3A_117 = arith.cmpi ne, %convert_element_type3A, %cond3A : i32
      scf.if %cond3A_117 {
        %sub3A = arith.constant 2 : i32
        %sub3A_177 = arith.subi %add3A_89, %sub3A : i32
        %dma_wait3A_178 = arith.constant 0 : i32
        %dma_wait3A_179 = tpu.memref_slice %arg7[%sub3A_177, %dma_wait3A_178] : memref<125x80xi32, #tpu.memory_space<vmem>> -> memref<1x80xi32, #tpu.memory_space<vmem>>
        %dma_wait3A_180 = tpu.memref_squeeze %dma_wait3A_179 : memref<1x80xi32, #tpu.memory_space<vmem>> -> memref<80xi32, #tpu.memory_space<vmem>>
        %dma_wait3A_181 = arith.constant 0 : i32
        %dma_wait3A_182 = arith.constant 0 : i32
        %dma_wait3A_183 = tpu.memref_slice %arg10[%dma_wait3A_181, %dma_wait3A_182] : memref<10000x128xf32, #tpu.memory_space<vmem_shared>> -> memref<10000x128xf32, #tpu.memory_space<vmem_shared>>
        tpu.wait_indirect_dma semaphore(%arg16 : memref<!tpu.dma_semaphore, #tpu.memory_space<semaphore_mem>>) src(%arg9 : memref<80x128xf32, #tpu.memory_space<vmem>>) dst(%dma_wait3A_183 : memref<10000x128xf32, #tpu.memory_space<vmem_shared>>)
      } else {
      }
      %mul3A_118 = arith.constant 80 : i32
      %mul3A_119 = arith.muli %add3A_89, %mul3A_118 : i32
      %mul3A_120 = arith.constant 80 : i32
      %mul3A_121 = arith.muli %add3A_89, %mul3A_120 : i32
      %add3A_122 = arith.constant 40 : i32
      %add3A_123 = arith.addi %mul3A_121, %add3A_122 : i32
      %dma_start3A_124 = arith.constant 0 : i32
      %dma_start3A_125 = arith.constant 0 : i32
      %dma_start3A_126 = tpu.memref_slice %arg9[%dma_start3A_124, %dma_start3A_125] : memref<80x128xf32, #tpu.memory_space<vmem>> -> memref<40x128xf32, #tpu.memory_space<vmem>>
      %dma_start3A_127 = tpu.memref_slice %arg6[%mul3A_119] : memref<10000xi32, #tpu.memory_space<vmem>> -> memref<40xi32, #tpu.memory_space<vmem>>
      %dma_start3A_128 = arith.constant 0 : i32
      %dma_start3A_129 = arith.constant 0 : i32
      %dma_start3A_130 = tpu.memref_slice %arg2[%dma_start3A_128, %dma_start3A_129] : memref<10000x128xf32, #tpu.memory_space<hbm>> -> memref<10000x128xf32, #tpu.memory_space<hbm>>
      tpu.enqueue_indirect_dma source(%dma_start3A_130 : memref<10000x128xf32, #tpu.memory_space<hbm>>) target(%dma_start3A_126 : memref<40x128xf32, #tpu.memory_space<vmem>>) offsets(%dma_start3A_127 : memref<40xi32, #tpu.memory_space<vmem>>) semaphore(%arg13 : memref<!tpu.dma_semaphore, #tpu.memory_space<semaphore_mem>>)
      %dma_start3A_131 = arith.constant 40 : i32
      %dma_start3A_132 = arith.constant 0 : i32
      %dma_start3A_133 = tpu.memref_slice %arg9[%dma_start3A_131, %dma_start3A_132] : memref<80x128xf32, #tpu.memory_space<vmem>> -> memref<40x128xf32, #tpu.memory_space<vmem>>
      %dma_start3A_134 = tpu.memref_slice %arg6[%add3A_123] : memref<10000xi32, #tpu.memory_space<vmem>> -> memref<40xi32, #tpu.memory_space<vmem>>
      %dma_start3A_135 = arith.constant 0 : i32
      %dma_start3A_136 = arith.constant 0 : i32
      %dma_start3A_137 = tpu.memref_slice %arg2[%dma_start3A_135, %dma_start3A_136] : memref<10000x128xf32, #tpu.memory_space<hbm>> -> memref<10000x128xf32, #tpu.memory_space<hbm>>
      tpu.enqueue_indirect_dma source(%dma_start3A_137 : memref<10000x128xf32, #tpu.memory_space<hbm>>) target(%dma_start3A_133 : memref<40x128xf32, #tpu.memory_space<vmem>>) offsets(%dma_start3A_134 : memref<40xi32, #tpu.memory_space<vmem>>) semaphore(%arg14 : memref<!tpu.dma_semaphore, #tpu.memory_space<semaphore_mem>>)
      %mul3A_138 = arith.constant 80 : i32
      %mul3A_139 = arith.muli %add3A_89, %mul3A_138 : i32
      %mul3A_140 = arith.constant 80 : i32
      %mul3A_141 = arith.muli %add3A_89, %mul3A_140 : i32
      %add3A_142 = arith.constant 40 : i32
      %add3A_143 = arith.addi %mul3A_141, %add3A_142 : i32
      %dma_wait3A_144 = arith.constant 0 : i32
      %dma_wait3A_145 = arith.constant 0 : i32
      %dma_wait3A_146 = tpu.memref_slice %arg9[%dma_wait3A_144, %dma_wait3A_145] : memref<80x128xf32, #tpu.memory_space<vmem>> -> memref<40x128xf32, #tpu.memory_space<vmem>>
      %dma_wait3A_147 = tpu.memref_slice %arg6[%mul3A_139] : memref<10000xi32, #tpu.memory_space<vmem>> -> memref<40xi32, #tpu.memory_space<vmem>>
      %dma_wait3A_148 = arith.constant 0 : i32
      %dma_wait3A_149 = arith.constant 0 : i32
      %dma_wait3A_150 = tpu.memref_slice %arg2[%dma_wait3A_148, %dma_wait3A_149] : memref<10000x128xf32, #tpu.memory_space<hbm>> -> memref<10000x128xf32, #tpu.memory_space<hbm>>
      tpu.wait_indirect_dma semaphore(%arg13 : memref<!tpu.dma_semaphore, #tpu.memory_space<semaphore_mem>>) src(%dma_wait3A_150 : memref<10000x128xf32, #tpu.memory_space<hbm>>) dst(%dma_wait3A_146 : memref<40x128xf32, #tpu.memory_space<vmem>>)
      %dma_wait3A_151 = arith.constant 40 : i32
      %dma_wait3A_152 = arith.constant 0 : i32
      %dma_wait3A_153 = tpu.memref_slice %arg9[%dma_wait3A_151, %dma_wait3A_152] : memref<80x128xf32, #tpu.memory_space<vmem>> -> memref<40x128xf32, #tpu.memory_space<vmem>>
      %dma_wait3A_154 = tpu.memref_slice %arg6[%add3A_143] : memref<10000xi32, #tpu.memory_space<vmem>> -> memref<40xi32, #tpu.memory_space<vmem>>
      %dma_wait3A_155 = arith.constant 0 : i32
      %dma_wait3A_156 = arith.constant 0 : i32
      %dma_wait3A_157 = tpu.memref_slice %arg2[%dma_wait3A_155, %dma_wait3A_156] : memref<10000x128xf32, #tpu.memory_space<hbm>> -> memref<10000x128xf32, #tpu.memory_space<hbm>>
      tpu.wait_indirect_dma semaphore(%arg14 : memref<!tpu.dma_semaphore, #tpu.memory_space<semaphore_mem>>) src(%dma_wait3A_157 : memref<10000x128xf32, #tpu.memory_space<hbm>>) dst(%dma_wait3A_153 : memref<40x128xf32, #tpu.memory_space<vmem>>)
      %dma_start3A_158 = arith.constant 0 : i32
      %dma_start3A_159 = tpu.memref_slice %arg7[%add3A_89, %dma_start3A_158] : memref<125x80xi32, #tpu.memory_space<vmem>> -> memref<1x80xi32, #tpu.memory_space<vmem>>
      %dma_start3A_160 = tpu.memref_squeeze %dma_start3A_159 : memref<1x80xi32, #tpu.memory_space<vmem>> -> memref<80xi32, #tpu.memory_space<vmem>>
      %dma_start3A_161 = arith.constant 0 : i32
      %dma_start3A_162 = arith.constant 0 : i32
      %dma_start3A_163 = tpu.memref_slice %arg10[%dma_start3A_161, %dma_start3A_162] : memref<10000x128xf32, #tpu.memory_space<vmem_shared>> -> memref<10000x128xf32, #tpu.memory_space<vmem_shared>>
      tpu.enqueue_indirect_dma source(%arg9 : memref<80x128xf32, #tpu.memory_space<vmem>>) target(%dma_start3A_163 : memref<10000x128xf32, #tpu.memory_space<vmem_shared>>) offsets(%dma_start3A_160 : memref<80xi32, #tpu.memory_space<vmem>>) semaphore(%arg16 : memref<!tpu.dma_semaphore, #tpu.memory_space<semaphore_mem>>) {add = true}
      %dma_wait3A_164 = arith.constant 0 : i32
      %dma_wait3A_165 = tpu.memref_slice %arg7[%mul3A_85, %dma_wait3A_164] : memref<125x80xi32, #tpu.memory_space<vmem>> -> memref<1x80xi32, #tpu.memory_space<vmem>>
      %dma_wait3A_166 = tpu.memref_squeeze %dma_wait3A_165 : memref<1x80xi32, #tpu.memory_space<vmem>> -> memref<80xi32, #tpu.memory_space<vmem>>
      %dma_wait3A_167 = arith.constant 0 : i32
      %dma_wait3A_168 = arith.constant 0 : i32
      %dma_wait3A_169 = tpu.memref_slice %arg10[%dma_wait3A_167, %dma_wait3A_168] : memref<10000x128xf32, #tpu.memory_space<vmem_shared>> -> memref<10000x128xf32, #tpu.memory_space<vmem_shared>>
      tpu.wait_indirect_dma semaphore(%arg15 : memref<!tpu.dma_semaphore, #tpu.memory_space<semaphore_mem>>) src(%arg8 : memref<80x128xf32, #tpu.memory_space<vmem>>) dst(%dma_wait3A_169 : memref<10000x128xf32, #tpu.memory_space<vmem_shared>>)
      %add3A_170 = arith.constant 2 : i32
      %add3A_171 = arith.addi %mul3A_85, %add3A_170 : i32
      %lt3A = arith.constant 125 : i32
      %lt3A_172 = arith.cmpi slt, %add3A_171, %lt3A : i32
      %convert_element_type3A_173 = arith.extui %lt3A_172 : i1 to i32
      %cond3A_174 = arith.constant 0 : i32
      %cond3A_175 = arith.cmpi ne, %convert_element_type3A_173, %cond3A_174 : i32
      scf.if %cond3A_175 {
        %add3A_177 = arith.constant 2 : i32
        %add3A_178 = arith.addi %mul3A_85, %add3A_177 : i32
        %mul3A_179 = arith.constant 80 : i32
        %mul3A_180 = arith.muli %add3A_178, %mul3A_179 : i32
        %mul3A_181 = arith.constant 80 : i32
        %mul3A_182 = arith.muli %add3A_178, %mul3A_181 : i32
        %add3A_183 = arith.constant 40 : i32
        %add3A_184 = arith.addi %mul3A_182, %add3A_183 : i32
        %dma_start3A_185 = arith.constant 0 : i32
        %dma_start3A_186 = arith.constant 0 : i32
        %dma_start3A_187 = tpu.memref_slice %arg8[%dma_start3A_185, %dma_start3A_186] : memref<80x128xf32, #tpu.memory_space<vmem>> -> memref<40x128xf32, #tpu.memory_space<vmem>>
        %dma_start3A_188 = tpu.memref_slice %arg6[%mul3A_180] : memref<10000xi32, #tpu.memory_space<vmem>> -> memref<40xi32, #tpu.memory_space<vmem>>
        %dma_start3A_189 = arith.constant 0 : i32
        %dma_start3A_190 = arith.constant 0 : i32
        %dma_start3A_191 = tpu.memref_slice %arg2[%dma_start3A_189, %dma_start3A_190] : memref<10000x128xf32, #tpu.memory_space<hbm>> -> memref<10000x128xf32, #tpu.memory_space<hbm>>
        tpu.enqueue_indirect_dma source(%dma_start3A_191 : memref<10000x128xf32, #tpu.memory_space<hbm>>) target(%dma_start3A_187 : memref<40x128xf32, #tpu.memory_space<vmem>>) offsets(%dma_start3A_188 : memref<40xi32, #tpu.memory_space<vmem>>) semaphore(%arg11 : memref<!tpu.dma_semaphore, #tpu.memory_space<semaphore_mem>>)
        %dma_start3A_192 = arith.constant 40 : i32
        %dma_start3A_193 = arith.constant 0 : i32
        %dma_start3A_194 = tpu.memref_slice %arg8[%dma_start3A_192, %dma_start3A_193] : memref<80x128xf32, #tpu.memory_space<vmem>> -> memref<40x128xf32, #tpu.memory_space<vmem>>
        %dma_start3A_195 = tpu.memref_slice %arg6[%add3A_184] : memref<10000xi32, #tpu.memory_space<vmem>> -> memref<40xi32, #tpu.memory_space<vmem>>
        %dma_start3A_196 = arith.constant 0 : i32
        %dma_start3A_197 = arith.constant 0 : i32
        %dma_start3A_198 = tpu.memref_slice %arg2[%dma_start3A_196, %dma_start3A_197] : memref<10000x128xf32, #tpu.memory_space<hbm>> -> memref<10000x128xf32, #tpu.memory_space<hbm>>
        tpu.enqueue_indirect_dma source(%dma_start3A_198 : memref<10000x128xf32, #tpu.memory_space<hbm>>) target(%dma_start3A_194 : memref<40x128xf32, #tpu.memory_space<vmem>>) offsets(%dma_start3A_195 : memref<40xi32, #tpu.memory_space<vmem>>) semaphore(%arg12 : memref<!tpu.dma_semaphore, #tpu.memory_space<semaphore_mem>>)
      } else {
      }
      %scan3A_176 = arith.constant 0 : i32
      scf.yield %scan3A_176 : i32
    }
    %scan3A_37 = arith.constant 62 : i32
    %dma_wait3A = arith.constant 0 : i32
    %dma_wait3A_38 = arith.constant 0 : i32
    %dma_wait3A_39 = tpu.memref_slice %arg8[%dma_wait3A, %dma_wait3A_38] : memref<80x128xf32, #tpu.memory_space<vmem>> -> memref<40x128xf32, #tpu.memory_space<vmem>>
    %dma_wait3A_40 = arith.constant 9920 : i32
    %dma_wait3A_41 = tpu.memref_slice %arg6[%dma_wait3A_40] : memref<10000xi32, #tpu.memory_space<vmem>> -> memref<40xi32, #tpu.memory_space<vmem>>
    %dma_wait3A_42 = arith.constant 0 : i32
    %dma_wait3A_43 = arith.constant 0 : i32
    %dma_wait3A_44 = tpu.memref_slice %arg2[%dma_wait3A_42, %dma_wait3A_43] : memref<10000x128xf32, #tpu.memory_space<hbm>> -> memref<10000x128xf32, #tpu.memory_space<hbm>>
    tpu.wait_indirect_dma semaphore(%arg11 : memref<!tpu.dma_semaphore, #tpu.memory_space<semaphore_mem>>) src(%dma_wait3A_44 : memref<10000x128xf32, #tpu.memory_space<hbm>>) dst(%dma_wait3A_39 : memref<40x128xf32, #tpu.memory_space<vmem>>)
    %dma_wait3A_45 = arith.constant 40 : i32
    %dma_wait3A_46 = arith.constant 0 : i32
    %dma_wait3A_47 = tpu.memref_slice %arg8[%dma_wait3A_45, %dma_wait3A_46] : memref<80x128xf32, #tpu.memory_space<vmem>> -> memref<40x128xf32, #tpu.memory_space<vmem>>
    %dma_wait3A_48 = arith.constant 9960 : i32
    %dma_wait3A_49 = tpu.memref_slice %arg6[%dma_wait3A_48] : memref<10000xi32, #tpu.memory_space<vmem>> -> memref<40xi32, #tpu.memory_space<vmem>>
    %dma_wait3A_50 = arith.constant 0 : i32
    %dma_wait3A_51 = arith.constant 0 : i32
    %dma_wait3A_52 = tpu.memref_slice %arg2[%dma_wait3A_50, %dma_wait3A_51] : memref<10000x128xf32, #tpu.memory_space<hbm>> -> memref<10000x128xf32, #tpu.memory_space<hbm>>
    tpu.wait_indirect_dma semaphore(%arg12 : memref<!tpu.dma_semaphore, #tpu.memory_space<semaphore_mem>>) src(%dma_wait3A_52 : memref<10000x128xf32, #tpu.memory_space<hbm>>) dst(%dma_wait3A_47 : memref<40x128xf32, #tpu.memory_space<vmem>>)
    %dma_start3A_53 = arith.constant 124 : i32
    %dma_start3A_54 = arith.constant 0 : i32
    %dma_start3A_55 = tpu.memref_slice %arg7[%dma_start3A_53, %dma_start3A_54] : memref<125x80xi32, #tpu.memory_space<vmem>> -> memref<1x80xi32, #tpu.memory_space<vmem>>
    %dma_start3A_56 = tpu.memref_squeeze %dma_start3A_55 : memref<1x80xi32, #tpu.memory_space<vmem>> -> memref<80xi32, #tpu.memory_space<vmem>>
    %dma_start3A_57 = arith.constant 0 : i32
    %dma_start3A_58 = arith.constant 0 : i32
    %dma_start3A_59 = tpu.memref_slice %arg10[%dma_start3A_57, %dma_start3A_58] : memref<10000x128xf32, #tpu.memory_space<vmem_shared>> -> memref<10000x128xf32, #tpu.memory_space<vmem_shared>>
    tpu.enqueue_indirect_dma source(%arg8 : memref<80x128xf32, #tpu.memory_space<vmem>>) target(%dma_start3A_59 : memref<10000x128xf32, #tpu.memory_space<vmem_shared>>) offsets(%dma_start3A_56 : memref<80xi32, #tpu.memory_space<vmem>>) semaphore(%arg15 : memref<!tpu.dma_semaphore, #tpu.memory_space<semaphore_mem>>) {add = true}
    %dma_wait3A_60 = arith.constant 124 : i32
    %dma_wait3A_61 = arith.constant 0 : i32
    %dma_wait3A_62 = tpu.memref_slice %arg7[%dma_wait3A_60, %dma_wait3A_61] : memref<125x80xi32, #tpu.memory_space<vmem>> -> memref<1x80xi32, #tpu.memory_space<vmem>>
    %dma_wait3A_63 = tpu.memref_squeeze %dma_wait3A_62 : memref<1x80xi32, #tpu.memory_space<vmem>> -> memref<80xi32, #tpu.memory_space<vmem>>
    %dma_wait3A_64 = arith.constant 0 : i32
    %dma_wait3A_65 = arith.constant 0 : i32
    %dma_wait3A_66 = tpu.memref_slice %arg10[%dma_wait3A_64, %dma_wait3A_65] : memref<10000x128xf32, #tpu.memory_space<vmem_shared>> -> memref<10000x128xf32, #tpu.memory_space<vmem_shared>>
    tpu.wait_indirect_dma semaphore(%arg15 : memref<!tpu.dma_semaphore, #tpu.memory_space<semaphore_mem>>) src(%arg8 : memref<80x128xf32, #tpu.memory_space<vmem>>) dst(%dma_wait3A_66 : memref<10000x128xf32, #tpu.memory_space<vmem_shared>>)
    %dma_wait3A_67 = arith.constant 123 : i32
    %dma_wait3A_68 = arith.constant 0 : i32
    %dma_wait3A_69 = tpu.memref_slice %arg7[%dma_wait3A_67, %dma_wait3A_68] : memref<125x80xi32, #tpu.memory_space<vmem>> -> memref<1x80xi32, #tpu.memory_space<vmem>>
    %dma_wait3A_70 = tpu.memref_squeeze %dma_wait3A_69 : memref<1x80xi32, #tpu.memory_space<vmem>> -> memref<80xi32, #tpu.memory_space<vmem>>
    %dma_wait3A_71 = arith.constant 0 : i32
    %dma_wait3A_72 = arith.constant 0 : i32
    %dma_wait3A_73 = tpu.memref_slice %arg10[%dma_wait3A_71, %dma_wait3A_72] : memref<10000x128xf32, #tpu.memory_space<vmem_shared>> -> memref<10000x128xf32, #tpu.memory_space<vmem_shared>>
    tpu.wait_indirect_dma semaphore(%arg16 : memref<!tpu.dma_semaphore, #tpu.memory_space<semaphore_mem>>) src(%arg9 : memref<80x128xf32, #tpu.memory_space<vmem>>) dst(%dma_wait3A_73 : memref<10000x128xf32, #tpu.memory_space<vmem_shared>>)
    %barrier3A_74 = arith.constant 0 : index
    tpu.barrier barrier_id(%barrier3A_74)
    %scan3A_75 = arith.constant 0 : i32
    %scan3A_76 = arith.constant 0 : i32
    %scan3A_77 = arith.constant 8 : i32
    %scan3A_78 = arith.addi %scan3A_76, %scan3A_77 : i32
    %scan3A_79 = arith.constant 1 : i32
    %scan3A_80 = scf.for %scan3A_82 = %scan3A_76 to %scan3A_78 step %scan3A_79 iter_args(%scan3A_83 = %scan3A_75) -> (i32)  : i32 {
      %mul3A_84 = arith.constant 16 : i32
      %mul3A_85 = arith.muli %scan3A_82, %mul3A_84 : i32
      %add3A_86 = arith.addi %arg1, %mul3A_85 : i32
      %lt3A = arith.constant 125 : i32
      %lt3A_87 = arith.cmpi slt, %add3A_86, %lt3A : i32
      %convert_element_type3A = arith.extui %lt3A_87 : i1 to i32
      %cond3A = arith.constant 0 : i32
      %cond3A_88 = arith.cmpi ne, %convert_element_type3A, %cond3A : i32
      scf.if %cond3A_88 {
        %mul3A_90 = arith.constant 80 : i32
        %mul3A_91 = arith.muli %add3A_86, %mul3A_90 : i32
        "tpu.region"() ({
          %run_scoped3A = tpu.sem_alloc : memref<!tpu.dma_semaphore, #tpu.memory_space<semaphore_mem>>
          %dma_start3A_92 = arith.constant 0 : i32
          %dma_start3A_93 = arith.constant 0 : i32
          %dma_start3A_94 = tpu.memref_slice %arg8[%dma_start3A_92, %dma_start3A_93] : memref<80x128xf32, #tpu.memory_space<vmem>> -> memref<80x128xf32, #tpu.memory_space<vmem>>
          %dma_start3A_95 = arith.constant 0 : i32
          %dma_start3A_96 = tpu.memref_slice %arg10[%mul3A_91, %dma_start3A_95] : memref<10000x128xf32, #tpu.memory_space<vmem_shared>> -> memref<80x128xf32, #tpu.memory_space<vmem_shared>>
          %dma_start3A_97 = arith.constant 0 : i32
          %dma_start3A_98 = arith.constant 0 : i32
          %dma_start3A_99 = tpu.memref_slice %arg8[%dma_start3A_97, %dma_start3A_98] : memref<80x128xf32, #tpu.memory_space<vmem>> -> memref<80x128xf32, #tpu.memory_space<vmem>>
          %dma_start3A_100 = arith.constant 0 : i32
          %dma_start3A_101 = tpu.memref_slice %arg10[%mul3A_91, %dma_start3A_100] : memref<10000x128xf32, #tpu.memory_space<vmem_shared>> -> memref<80x128xf32, #tpu.memory_space<vmem_shared>>
          tpu.enqueue_dma source(%dma_start3A_101 : memref<80x128xf32, #tpu.memory_space<vmem_shared>>) target(%dma_start3A_99 : memref<80x128xf32, #tpu.memory_space<vmem>>) target_semaphore(%run_scoped3A : memref<!tpu.dma_semaphore, #tpu.memory_space<semaphore_mem>>)
          %dma_wait3A_102 = arith.constant 0 : i32
          %dma_wait3A_103 = arith.constant 0 : i32
          %dma_wait3A_104 = tpu.memref_slice %arg8[%dma_wait3A_102, %dma_wait3A_103] : memref<80x128xf32, #tpu.memory_space<vmem>> -> memref<80x128xf32, #tpu.memory_space<vmem>>
          %dma_wait3A_105 = arith.constant 0 : i32
          %dma_wait3A_106 = tpu.memref_slice %arg10[%mul3A_91, %dma_wait3A_105] : memref<10000x128xf32, #tpu.memory_space<vmem_shared>> -> memref<80x128xf32, #tpu.memory_space<vmem_shared>>
          %dma_wait3A_107 = arith.constant 0 : i32
          %dma_wait3A_108 = arith.constant 0 : i32
          %dma_wait3A_109 = tpu.memref_slice %arg8[%dma_wait3A_107, %dma_wait3A_108] : memref<80x128xf32, #tpu.memory_space<vmem>> -> memref<80x128xf32, #tpu.memory_space<vmem>>
          %dma_wait3A_110 = arith.constant 0 : i32
          %dma_wait3A_111 = tpu.memref_slice %arg10[%mul3A_91, %dma_wait3A_110] : memref<10000x128xf32, #tpu.memory_space<vmem_shared>> -> memref<80x128xf32, #tpu.memory_space<vmem_shared>>
          tpu.wait_dma2 semaphore(%run_scoped3A : memref<!tpu.dma_semaphore, #tpu.memory_space<semaphore_mem>>) src(%dma_wait3A_111 : memref<80x128xf32, #tpu.memory_space<vmem_shared>>) dst(%dma_wait3A_109 : memref<80x128xf32, #tpu.memory_space<vmem>>)
          tpu.yield
        }) : () -> ()
        "tpu.region"() ({
          %run_scoped3A = tpu.sem_alloc : memref<!tpu.dma_semaphore, #tpu.memory_space<semaphore_mem>>
          %dma_start3A_92 = arith.constant 0 : i32
          %dma_start3A_93 = arith.constant 0 : i32
          %dma_start3A_94 = tpu.memref_slice %arg8[%dma_start3A_92, %dma_start3A_93] : memref<80x128xf32, #tpu.memory_space<vmem>> -> memref<80x128xf32, #tpu.memory_space<vmem>>
          %dma_start3A_95 = arith.constant 0 : i32
          %dma_start3A_96 = tpu.memref_slice %arg5[%arg0, %mul3A_91, %dma_start3A_95] : memref<2x10000x128xf32, #tpu.memory_space<hbm>> -> memref<1x80x128xf32, #tpu.memory_space<hbm>>
          %dma_start3A_97 = tpu.memref_squeeze %dma_start3A_96 : memref<1x80x128xf32, #tpu.memory_space<hbm>> -> memref<80x128xf32, #tpu.memory_space<hbm>>
          %dma_start3A_98 = arith.constant 0 : i32
          %dma_start3A_99 = tpu.memref_slice %arg5[%arg0, %mul3A_91, %dma_start3A_98] : memref<2x10000x128xf32, #tpu.memory_space<hbm>> -> memref<1x80x128xf32, #tpu.memory_space<hbm>>
          %dma_start3A_100 = tpu.memref_squeeze %dma_start3A_99 : memref<1x80x128xf32, #tpu.memory_space<hbm>> -> memref<80x128xf32, #tpu.memory_space<hbm>>
          %dma_start3A_101 = arith.constant 0 : i32
          %dma_start3A_102 = arith.constant 0 : i32
          %dma_start3A_103 = tpu.memref_slice %arg8[%dma_start3A_101, %dma_start3A_102] : memref<80x128xf32, #tpu.memory_space<vmem>> -> memref<80x128xf32, #tpu.memory_space<vmem>>
          tpu.enqueue_dma source(%dma_start3A_103 : memref<80x128xf32, #tpu.memory_space<vmem>>) target(%dma_start3A_100 : memref<80x128xf32, #tpu.memory_space<hbm>>) target_semaphore(%run_scoped3A : memref<!tpu.dma_semaphore, #tpu.memory_space<semaphore_mem>>)
          %dma_wait3A_104 = arith.constant 0 : i32
          %dma_wait3A_105 = arith.constant 0 : i32
          %dma_wait3A_106 = tpu.memref_slice %arg8[%dma_wait3A_104, %dma_wait3A_105] : memref<80x128xf32, #tpu.memory_space<vmem>> -> memref<80x128xf32, #tpu.memory_space<vmem>>
          %dma_wait3A_107 = arith.constant 0 : i32
          %dma_wait3A_108 = tpu.memref_slice %arg5[%arg0, %mul3A_91, %dma_wait3A_107] : memref<2x10000x128xf32, #tpu.memory_space<hbm>> -> memref<1x80x128xf32, #tpu.memory_space<hbm>>
          %dma_wait3A_109 = tpu.memref_squeeze %dma_wait3A_108 : memref<1x80x128xf32, #tpu.memory_space<hbm>> -> memref<80x128xf32, #tpu.memory_space<hbm>>
          %dma_wait3A_110 = arith.constant 0 : i32
          %dma_wait3A_111 = tpu.memref_slice %arg5[%arg0, %mul3A_91, %dma_wait3A_110] : memref<2x10000x128xf32, #tpu.memory_space<hbm>> -> memref<1x80x128xf32, #tpu.memory_space<hbm>>
          %dma_wait3A_112 = tpu.memref_squeeze %dma_wait3A_111 : memref<1x80x128xf32, #tpu.memory_space<hbm>> -> memref<80x128xf32, #tpu.memory_space<hbm>>
          %dma_wait3A_113 = arith.constant 0 : i32
          %dma_wait3A_114 = arith.constant 0 : i32
          %dma_wait3A_115 = tpu.memref_slice %arg8[%dma_wait3A_113, %dma_wait3A_114] : memref<80x128xf32, #tpu.memory_space<vmem>> -> memref<80x128xf32, #tpu.memory_space<vmem>>
          tpu.wait_dma2 semaphore(%run_scoped3A : memref<!tpu.dma_semaphore, #tpu.memory_space<semaphore_mem>>) src(%dma_wait3A_115 : memref<80x128xf32, #tpu.memory_space<vmem>>) dst(%dma_wait3A_112 : memref<80x128xf32, #tpu.memory_space<hbm>>)
          tpu.yield
        }) : () -> ()
      } else {
      }
      %scan3A_89 = arith.constant 0 : i32
      scf.yield %scan3A_89 : i32
    }
    %scan3A_81 = arith.constant 8 : i32
    return
  }
}

#map = affine_map<(d0, d1) -> (0)>
#map1 = affine_map<(d0, d1) -> (0, 0, 0)>
module attributes {stable_mosaic.version = 14 : i64} {
  func.func @_sc_degrees(%arg0: i32, %arg1: i32, %arg2: memref<320000xi32, #tpu.memory_space<hbm>>, %arg3: memref<320000xi32, #tpu.memory_space<hbm>>, %arg4: memref<5x32x2048xf32, #tpu.memory_space<hbm>>, %arg5: memref<5x32x2048xf32, #tpu.memory_space<hbm>>, %arg6: memref<10000xi32, #tpu.memory_space<vmem>>, %arg7: memref<10000xi32, #tpu.memory_space<vmem>>, %arg8: memref<10240xf32, #tpu.memory_space<vmem>>, %arg9: memref<10240xf32, #tpu.memory_space<vmem>>) attributes {dimension_semantics = [#tpu.dimension_semantics<core_parallel>, #tpu.dimension_semantics<subcore_parallel>], iteration_bounds = array<i64: 2, 16>, scalar_prefetch = 0 : i64, scratch_operands = 4 : i64, tpu.core_type = #tpu.core_type<sc_vector_subcore>, window_params = [{transform_indices = #map}, {transform_indices = #map}, {transform_indices = #map1}, {transform_indices = #map1}]} {
    %mul3A = arith.constant 2 : i32
    %mul3A_0 = arith.muli %arg1, %mul3A : i32
    %add3A = arith.addi %mul3A_0, %arg0 : i32
    %mul3A_1 = arith.constant 10000 : i32
    %mul3A_2 = arith.muli %add3A, %mul3A_1 : i32
    "tpu.region"() ({
      %run_scoped3A_27 = tpu.sem_alloc : memref<!tpu.dma_semaphore, #tpu.memory_space<semaphore_mem>>
      %dma_start3A = tpu.memref_slice %arg2[%mul3A_2] : memref<320000xi32, #tpu.memory_space<hbm>> -> memref<10000xi32, #tpu.memory_space<hbm>>
      %dma_start3A_28 = tpu.memref_slice %arg2[%mul3A_2] : memref<320000xi32, #tpu.memory_space<hbm>> -> memref<10000xi32, #tpu.memory_space<hbm>>
      tpu.enqueue_dma source(%dma_start3A_28 : memref<10000xi32, #tpu.memory_space<hbm>>) target(%arg6 : memref<10000xi32, #tpu.memory_space<vmem>>) target_semaphore(%run_scoped3A_27 : memref<!tpu.dma_semaphore, #tpu.memory_space<semaphore_mem>>)
      %dma_wait3A = tpu.memref_slice %arg2[%mul3A_2] : memref<320000xi32, #tpu.memory_space<hbm>> -> memref<10000xi32, #tpu.memory_space<hbm>>
      %dma_wait3A_29 = tpu.memref_slice %arg2[%mul3A_2] : memref<320000xi32, #tpu.memory_space<hbm>> -> memref<10000xi32, #tpu.memory_space<hbm>>
      tpu.wait_dma2 semaphore(%run_scoped3A_27 : memref<!tpu.dma_semaphore, #tpu.memory_space<semaphore_mem>>) src(%dma_wait3A_29 : memref<10000xi32, #tpu.memory_space<hbm>>) dst(%arg6 : memref<10000xi32, #tpu.memory_space<vmem>>)
      tpu.yield
    }) : () -> ()
    %mul3A_3 = arith.constant 10000 : i32
    %mul3A_4 = arith.muli %add3A, %mul3A_3 : i32
    "tpu.region"() ({
      %run_scoped3A_27 = tpu.sem_alloc : memref<!tpu.dma_semaphore, #tpu.memory_space<semaphore_mem>>
      %dma_start3A = tpu.memref_slice %arg3[%mul3A_4] : memref<320000xi32, #tpu.memory_space<hbm>> -> memref<10000xi32, #tpu.memory_space<hbm>>
      %dma_start3A_28 = tpu.memref_slice %arg3[%mul3A_4] : memref<320000xi32, #tpu.memory_space<hbm>> -> memref<10000xi32, #tpu.memory_space<hbm>>
      tpu.enqueue_dma source(%dma_start3A_28 : memref<10000xi32, #tpu.memory_space<hbm>>) target(%arg7 : memref<10000xi32, #tpu.memory_space<vmem>>) target_semaphore(%run_scoped3A_27 : memref<!tpu.dma_semaphore, #tpu.memory_space<semaphore_mem>>)
      %dma_wait3A = tpu.memref_slice %arg3[%mul3A_4] : memref<320000xi32, #tpu.memory_space<hbm>> -> memref<10000xi32, #tpu.memory_space<hbm>>
      %dma_wait3A_29 = tpu.memref_slice %arg3[%mul3A_4] : memref<320000xi32, #tpu.memory_space<hbm>> -> memref<10000xi32, #tpu.memory_space<hbm>>
      tpu.wait_dma2 semaphore(%run_scoped3A_27 : memref<!tpu.dma_semaphore, #tpu.memory_space<semaphore_mem>>) src(%dma_wait3A_29 : memref<10000xi32, #tpu.memory_space<hbm>>) dst(%arg7 : memref<10000xi32, #tpu.memory_space<vmem>>)
      tpu.yield
    }) : () -> ()
    %scan3A = arith.constant 0 : i32
    %scan3A_5 = arith.constant 0 : i32
    %scan3A_6 = arith.constant 640 : i32
    %scan3A_7 = arith.addi %scan3A_5, %scan3A_6 : i32
    %scan3A_8 = arith.constant 1 : i32
    %scan3A_9 = scf.for %scan3A_27 = %scan3A_5 to %scan3A_7 step %scan3A_8 iter_args(%scan3A_28 = %scan3A) -> (i32)  : i32 {
      %broadcast_in_dim3A = arith.constant 0.000000e+00 : f32
      %broadcast_in_dim3A_29 = vector.broadcast %broadcast_in_dim3A : f32 to vector<16xf32>
      %mul3A_30 = arith.constant 16 : i32
      %mul3A_31 = arith.muli %scan3A_27, %mul3A_30 : i32
      %swap3A = arith.index_cast %mul3A_31 : i32 to index
      %swap3A_32 = tpu.vector_load %arg8[%swap3A] {strides = array<i32>} : memref<10240xf32, #tpu.memory_space<vmem>>, vector<16xf32>,
      tpu.vector_store %arg8[%swap3A], %broadcast_in_dim3A_29 {strides = array<i32>} : memref<10240xf32, #tpu.memory_space<vmem>>, vector<16xf32>,
      %broadcast_in_dim3A_33 = arith.constant 0.000000e+00 : f32
      %broadcast_in_dim3A_34 = vector.broadcast %broadcast_in_dim3A_33 : f32 to vector<16xf32>
      %mul3A_35 = arith.constant 16 : i32
      %mul3A_36 = arith.muli %scan3A_27, %mul3A_35 : i32
      %swap3A_37 = arith.index_cast %mul3A_36 : i32 to index
      %swap3A_38 = tpu.vector_load %arg9[%swap3A_37] {strides = array<i32>} : memref<10240xf32, #tpu.memory_space<vmem>>, vector<16xf32>,
      tpu.vector_store %arg9[%swap3A_37], %broadcast_in_dim3A_34 {strides = array<i32>} : memref<10240xf32, #tpu.memory_space<vmem>>, vector<16xf32>,
      %scan3A_39 = arith.constant 0 : i32
      scf.yield %scan3A_39 : i32
    }
    %scan3A_10 = arith.constant 640 : i32
    %scan3A_11 = arith.constant 0 : i32
    %scan3A_12 = arith.constant 0 : i32
    %scan3A_13 = arith.constant 625 : i32
    %scan3A_14 = arith.addi %scan3A_12, %scan3A_13 : i32
    %scan3A_15 = arith.constant 1 : i32
    %scan3A_16 = scf.for %scan3A_27 = %scan3A_12 to %scan3A_14 step %scan3A_15 iter_args(%scan3A_28 = %scan3A_11) -> (i32)  : i32 {
      %mul3A_29 = arith.constant 16 : i32
      %mul3A_30 = arith.muli %scan3A_27, %mul3A_29 : i32
      %get3A = arith.index_cast %mul3A_30 : i32 to index
      %get3A_31 = tpu.vector_load %arg6[%get3A] {strides = array<i32>} : memref<10000xi32, #tpu.memory_space<vmem>>, vector<16xi32>,
      %broadcast_in_dim3A = arith.constant true
      %broadcast_in_dim3A_32 = vector.broadcast %broadcast_in_dim3A : i1 to vector<16xi1>
      %unique3A, %unique3A_33 = tpu.scan_count mask(%broadcast_in_dim3A_32 : vector<16xi1>) value(%get3A_31 : vector<16xi32>) : vector<16xi1>, vector<16xi32>
      %convert_element_type3A = arith.sitofp %unique3A_33 : vector<16xi32> to vector<16xf32>
      tpu.vector_store_idx %arg8[%get3A_31], %convert_element_type3A masked %unique3A {add = true} : memref<10240xf32, #tpu.memory_space<vmem>>[vector<16xi32>], vector<16xf32>, vector<16xi1>
      %mul3A_34 = arith.constant 16 : i32
      %mul3A_35 = arith.muli %scan3A_27, %mul3A_34 : i32
      %get3A_36 = arith.index_cast %mul3A_35 : i32 to index
      %get3A_37 = tpu.vector_load %arg7[%get3A_36] {strides = array<i32>} : memref<10000xi32, #tpu.memory_space<vmem>>, vector<16xi32>,
      %broadcast_in_dim3A_38 = arith.constant true
      %broadcast_in_dim3A_39 = vector.broadcast %broadcast_in_dim3A_38 : i1 to vector<16xi1>
      %unique3A_40, %unique3A_41 = tpu.scan_count mask(%broadcast_in_dim3A_39 : vector<16xi1>) value(%get3A_37 : vector<16xi32>) : vector<16xi1>, vector<16xi32>
      %convert_element_type3A_42 = arith.sitofp %unique3A_41 : vector<16xi32> to vector<16xf32>
      tpu.vector_store_idx %arg9[%get3A_37], %convert_element_type3A_42 masked %unique3A_40 {add = true} : memref<10240xf32, #tpu.memory_space<vmem>>[vector<16xi32>], vector<16xf32>, vector<16xi1>
      %scan3A_43 = arith.constant 0 : i32
      scf.yield %scan3A_43 : i32
    }
    %scan3A_17 = arith.constant 625 : i32
    %run_scoped3A = arith.constant 0 : i32
    "tpu.region"() ({
      %run_scoped3A_27 = tpu.sem_alloc : memref<!tpu.dma_semaphore, #tpu.memory_space<semaphore_mem>>
      %dma_start3A = arith.constant 0 : i32
      %dma_start3A_28 = tpu.memref_slice %arg8[%dma_start3A] : memref<10240xf32, #tpu.memory_space<vmem>> -> memref<2048xf32, #tpu.memory_space<vmem>>
      %dma_start3A_29 = arith.constant 0 : i32
      %dma_start3A_30 = tpu.memref_slice %arg4[%run_scoped3A, %add3A, %dma_start3A_29] : memref<5x32x2048xf32, #tpu.memory_space<hbm>> -> memref<1x1x2048xf32, #tpu.memory_space<hbm>>
      %dma_start3A_31 = tpu.memref_squeeze %dma_start3A_30 : memref<1x1x2048xf32, #tpu.memory_space<hbm>> -> memref<2048xf32, #tpu.memory_space<hbm>>
      %dma_start3A_32 = arith.constant 0 : i32
      %dma_start3A_33 = tpu.memref_slice %arg4[%run_scoped3A, %add3A, %dma_start3A_32] : memref<5x32x2048xf32, #tpu.memory_space<hbm>> -> memref<1x1x2048xf32, #tpu.memory_space<hbm>>
      %dma_start3A_34 = tpu.memref_squeeze %dma_start3A_33 : memref<1x1x2048xf32, #tpu.memory_space<hbm>> -> memref<2048xf32, #tpu.memory_space<hbm>>
      %dma_start3A_35 = arith.constant 0 : i32
      %dma_start3A_36 = tpu.memref_slice %arg8[%dma_start3A_35] : memref<10240xf32, #tpu.memory_space<vmem>> -> memref<2048xf32, #tpu.memory_space<vmem>>
      tpu.enqueue_dma source(%dma_start3A_36 : memref<2048xf32, #tpu.memory_space<vmem>>) target(%dma_start3A_34 : memref<2048xf32, #tpu.memory_space<hbm>>) target_semaphore(%run_scoped3A_27 : memref<!tpu.dma_semaphore, #tpu.memory_space<semaphore_mem>>)
      %dma_wait3A = arith.constant 0 : i32
      %dma_wait3A_37 = tpu.memref_slice %arg8[%dma_wait3A] : memref<10240xf32, #tpu.memory_space<vmem>> -> memref<2048xf32, #tpu.memory_space<vmem>>
      %dma_wait3A_38 = arith.constant 0 : i32
      %dma_wait3A_39 = tpu.memref_slice %arg4[%run_scoped3A, %add3A, %dma_wait3A_38] : memref<5x32x2048xf32, #tpu.memory_space<hbm>> -> memref<1x1x2048xf32, #tpu.memory_space<hbm>>
      %dma_wait3A_40 = tpu.memref_squeeze %dma_wait3A_39 : memref<1x1x2048xf32, #tpu.memory_space<hbm>> -> memref<2048xf32, #tpu.memory_space<hbm>>
      %dma_wait3A_41 = arith.constant 0 : i32
      %dma_wait3A_42 = tpu.memref_slice %arg4[%run_scoped3A, %add3A, %dma_wait3A_41] : memref<5x32x2048xf32, #tpu.memory_space<hbm>> -> memref<1x1x2048xf32, #tpu.memory_space<hbm>>
      %dma_wait3A_43 = tpu.memref_squeeze %dma_wait3A_42 : memref<1x1x2048xf32, #tpu.memory_space<hbm>> -> memref<2048xf32, #tpu.memory_space<hbm>>
      %dma_wait3A_44 = arith.constant 0 : i32
      %dma_wait3A_45 = tpu.memref_slice %arg8[%dma_wait3A_44] : memref<10240xf32, #tpu.memory_space<vmem>> -> memref<2048xf32, #tpu.memory_space<vmem>>
      tpu.wait_dma2 semaphore(%run_scoped3A_27 : memref<!tpu.dma_semaphore, #tpu.memory_space<semaphore_mem>>) src(%dma_wait3A_45 : memref<2048xf32, #tpu.memory_space<vmem>>) dst(%dma_wait3A_43 : memref<2048xf32, #tpu.memory_space<hbm>>)
      tpu.yield
    }) : () -> ()
    %run_scoped3A_18 = arith.constant 0 : i32
    "tpu.region"() ({
      %run_scoped3A_27 = tpu.sem_alloc : memref<!tpu.dma_semaphore, #tpu.memory_space<semaphore_mem>>
      %dma_start3A = arith.constant 0 : i32
      %dma_start3A_28 = tpu.memref_slice %arg9[%dma_start3A] : memref<10240xf32, #tpu.memory_space<vmem>> -> memref<2048xf32, #tpu.memory_space<vmem>>
      %dma_start3A_29 = arith.constant 0 : i32
      %dma_start3A_30 = tpu.memref_slice %arg5[%run_scoped3A_18, %add3A, %dma_start3A_29] : memref<5x32x2048xf32, #tpu.memory_space<hbm>> -> memref<1x1x2048xf32, #tpu.memory_space<hbm>>
      %dma_start3A_31 = tpu.memref_squeeze %dma_start3A_30 : memref<1x1x2048xf32, #tpu.memory_space<hbm>> -> memref<2048xf32, #tpu.memory_space<hbm>>
      %dma_start3A_32 = arith.constant 0 : i32
      %dma_start3A_33 = tpu.memref_slice %arg5[%run_scoped3A_18, %add3A, %dma_start3A_32] : memref<5x32x2048xf32, #tpu.memory_space<hbm>> -> memref<1x1x2048xf32, #tpu.memory_space<hbm>>
      %dma_start3A_34 = tpu.memref_squeeze %dma_start3A_33 : memref<1x1x2048xf32, #tpu.memory_space<hbm>> -> memref<2048xf32, #tpu.memory_space<hbm>>
      %dma_start3A_35 = arith.constant 0 : i32
      %dma_start3A_36 = tpu.memref_slice %arg9[%dma_start3A_35] : memref<10240xf32, #tpu.memory_space<vmem>> -> memref<2048xf32, #tpu.memory_space<vmem>>
      tpu.enqueue_dma source(%dma_start3A_36 : memref<2048xf32, #tpu.memory_space<vmem>>) target(%dma_start3A_34 : memref<2048xf32, #tpu.memory_space<hbm>>) target_semaphore(%run_scoped3A_27 : memref<!tpu.dma_semaphore, #tpu.memory_space<semaphore_mem>>)
      %dma_wait3A = arith.constant 0 : i32
      %dma_wait3A_37 = tpu.memref_slice %arg9[%dma_wait3A] : memref<10240xf32, #tpu.memory_space<vmem>> -> memref<2048xf32, #tpu.memory_space<vmem>>
      %dma_wait3A_38 = arith.constant 0 : i32
      %dma_wait3A_39 = tpu.memref_slice %arg5[%run_scoped3A_18, %add3A, %dma_wait3A_38] : memref<5x32x2048xf32, #tpu.memory_space<hbm>> -> memref<1x1x2048xf32, #tpu.memory_space<hbm>>
      %dma_wait3A_40 = tpu.memref_squeeze %dma_wait3A_39 : memref<1x1x2048xf32, #tpu.memory_space<hbm>> -> memref<2048xf32, #tpu.memory_space<hbm>>
      %dma_wait3A_41 = arith.constant 0 : i32
      %dma_wait3A_42 = tpu.memref_slice %arg5[%run_scoped3A_18, %add3A, %dma_wait3A_41] : memref<5x32x2048xf32, #tpu.memory_space<hbm>> -> memref<1x1x2048xf32, #tpu.memory_space<hbm>>
      %dma_wait3A_43 = tpu.memref_squeeze %dma_wait3A_42 : memref<1x1x2048xf32, #tpu.memory_space<hbm>> -> memref<2048xf32, #tpu.memory_space<hbm>>
      %dma_wait3A_44 = arith.constant 0 : i32
      %dma_wait3A_45 = tpu.memref_slice %arg9[%dma_wait3A_44] : memref<10240xf32, #tpu.memory_space<vmem>> -> memref<2048xf32, #tpu.memory_space<vmem>>
      tpu.wait_dma2 semaphore(%run_scoped3A_27 : memref<!tpu.dma_semaphore, #tpu.memory_space<semaphore_mem>>) src(%dma_wait3A_45 : memref<2048xf32, #tpu.memory_space<vmem>>) dst(%dma_wait3A_43 : memref<2048xf32, #tpu.memory_space<hbm>>)
      tpu.yield
    }) : () -> ()
    %run_scoped3A_19 = arith.constant 1 : i32
    "tpu.region"() ({
      %run_scoped3A_27 = tpu.sem_alloc : memref<!tpu.dma_semaphore, #tpu.memory_space<semaphore_mem>>
      %dma_start3A = arith.constant 2048 : i32
      %dma_start3A_28 = tpu.memref_slice %arg8[%dma_start3A] : memref<10240xf32, #tpu.memory_space<vmem>> -> memref<2048xf32, #tpu.memory_space<vmem>>
      %dma_start3A_29 = arith.constant 0 : i32
      %dma_start3A_30 = tpu.memref_slice %arg4[%run_scoped3A_19, %add3A, %dma_start3A_29] : memref<5x32x2048xf32, #tpu.memory_space<hbm>> -> memref<1x1x2048xf32, #tpu.memory_space<hbm>>
      %dma_start3A_31 = tpu.memref_squeeze %dma_start3A_30 : memref<1x1x2048xf32, #tpu.memory_space<hbm>> -> memref<2048xf32, #tpu.memory_space<hbm>>
      %dma_start3A_32 = arith.constant 0 : i32
      %dma_start3A_33 = tpu.memref_slice %arg4[%run_scoped3A_19, %add3A, %dma_start3A_32] : memref<5x32x2048xf32, #tpu.memory_space<hbm>> -> memref<1x1x2048xf32, #tpu.memory_space<hbm>>
      %dma_start3A_34 = tpu.memref_squeeze %dma_start3A_33 : memref<1x1x2048xf32, #tpu.memory_space<hbm>> -> memref<2048xf32, #tpu.memory_space<hbm>>
      %dma_start3A_35 = arith.constant 2048 : i32
      %dma_start3A_36 = tpu.memref_slice %arg8[%dma_start3A_35] : memref<10240xf32, #tpu.memory_space<vmem>> -> memref<2048xf32, #tpu.memory_space<vmem>>
      tpu.enqueue_dma source(%dma_start3A_36 : memref<2048xf32, #tpu.memory_space<vmem>>) target(%dma_start3A_34 : memref<2048xf32, #tpu.memory_space<hbm>>) target_semaphore(%run_scoped3A_27 : memref<!tpu.dma_semaphore, #tpu.memory_space<semaphore_mem>>)
      %dma_wait3A = arith.constant 2048 : i32
      %dma_wait3A_37 = tpu.memref_slice %arg8[%dma_wait3A] : memref<10240xf32, #tpu.memory_space<vmem>> -> memref<2048xf32, #tpu.memory_space<vmem>>
      %dma_wait3A_38 = arith.constant 0 : i32
      %dma_wait3A_39 = tpu.memref_slice %arg4[%run_scoped3A_19, %add3A, %dma_wait3A_38] : memref<5x32x2048xf32, #tpu.memory_space<hbm>> -> memref<1x1x2048xf32, #tpu.memory_space<hbm>>
      %dma_wait3A_40 = tpu.memref_squeeze %dma_wait3A_39 : memref<1x1x2048xf32, #tpu.memory_space<hbm>> -> memref<2048xf32, #tpu.memory_space<hbm>>
      %dma_wait3A_41 = arith.constant 0 : i32
      %dma_wait3A_42 = tpu.memref_slice %arg4[%run_scoped3A_19, %add3A, %dma_wait3A_41] : memref<5x32x2048xf32, #tpu.memory_space<hbm>> -> memref<1x1x2048xf32, #tpu.memory_space<hbm>>
      %dma_wait3A_43 = tpu.memref_squeeze %dma_wait3A_42 : memref<1x1x2048xf32, #tpu.memory_space<hbm>> -> memref<2048xf32, #tpu.memory_space<hbm>>
      %dma_wait3A_44 = arith.constant 2048 : i32
      %dma_wait3A_45 = tpu.memref_slice %arg8[%dma_wait3A_44] : memref<10240xf32, #tpu.memory_space<vmem>> -> memref<2048xf32, #tpu.memory_space<vmem>>
      tpu.wait_dma2 semaphore(%run_scoped3A_27 : memref<!tpu.dma_semaphore, #tpu.memory_space<semaphore_mem>>) src(%dma_wait3A_45 : memref<2048xf32, #tpu.memory_space<vmem>>) dst(%dma_wait3A_43 : memref<2048xf32, #tpu.memory_space<hbm>>)
      tpu.yield
    }) : () -> ()
    %run_scoped3A_20 = arith.constant 1 : i32
    "tpu.region"() ({
      %run_scoped3A_27 = tpu.sem_alloc : memref<!tpu.dma_semaphore, #tpu.memory_space<semaphore_mem>>
      %dma_start3A = arith.constant 2048 : i32
      %dma_start3A_28 = tpu.memref_slice %arg9[%dma_start3A] : memref<10240xf32, #tpu.memory_space<vmem>> -> memref<2048xf32, #tpu.memory_space<vmem>>
      %dma_start3A_29 = arith.constant 0 : i32
      %dma_start3A_30 = tpu.memref_slice %arg5[%run_scoped3A_20, %add3A, %dma_start3A_29] : memref<5x32x2048xf32, #tpu.memory_space<hbm>> -> memref<1x1x2048xf32, #tpu.memory_space<hbm>>
      %dma_start3A_31 = tpu.memref_squeeze %dma_start3A_30 : memref<1x1x2048xf32, #tpu.memory_space<hbm>> -> memref<2048xf32, #tpu.memory_space<hbm>>
      %dma_start3A_32 = arith.constant 0 : i32
      %dma_start3A_33 = tpu.memref_slice %arg5[%run_scoped3A_20, %add3A, %dma_start3A_32] : memref<5x32x2048xf32, #tpu.memory_space<hbm>> -> memref<1x1x2048xf32, #tpu.memory_space<hbm>>
      %dma_start3A_34 = tpu.memref_squeeze %dma_start3A_33 : memref<1x1x2048xf32, #tpu.memory_space<hbm>> -> memref<2048xf32, #tpu.memory_space<hbm>>
      %dma_start3A_35 = arith.constant 2048 : i32
      %dma_start3A_36 = tpu.memref_slice %arg9[%dma_start3A_35] : memref<10240xf32, #tpu.memory_space<vmem>> -> memref<2048xf32, #tpu.memory_space<vmem>>
      tpu.enqueue_dma source(%dma_start3A_36 : memref<2048xf32, #tpu.memory_space<vmem>>) target(%dma_start3A_34 : memref<2048xf32, #tpu.memory_space<hbm>>) target_semaphore(%run_scoped3A_27 : memref<!tpu.dma_semaphore, #tpu.memory_space<semaphore_mem>>)
      %dma_wait3A = arith.constant 2048 : i32
      %dma_wait3A_37 = tpu.memref_slice %arg9[%dma_wait3A] : memref<10240xf32, #tpu.memory_space<vmem>> -> memref<2048xf32, #tpu.memory_space<vmem>>
      %dma_wait3A_38 = arith.constant 0 : i32
      %dma_wait3A_39 = tpu.memref_slice %arg5[%run_scoped3A_20, %add3A, %dma_wait3A_38] : memref<5x32x2048xf32, #tpu.memory_space<hbm>> -> memref<1x1x2048xf32, #tpu.memory_space<hbm>>
      %dma_wait3A_40 = tpu.memref_squeeze %dma_wait3A_39 : memref<1x1x2048xf32, #tpu.memory_space<hbm>> -> memref<2048xf32, #tpu.memory_space<hbm>>
      %dma_wait3A_41 = arith.constant 0 : i32
      %dma_wait3A_42 = tpu.memref_slice %arg5[%run_scoped3A_20, %add3A, %dma_wait3A_41] : memref<5x32x2048xf32, #tpu.memory_space<hbm>> -> memref<1x1x2048xf32, #tpu.memory_space<hbm>>
      %dma_wait3A_43 = tpu.memref_squeeze %dma_wait3A_42 : memref<1x1x2048xf32, #tpu.memory_space<hbm>> -> memref<2048xf32, #tpu.memory_space<hbm>>
      %dma_wait3A_44 = arith.constant 2048 : i32
      %dma_wait3A_45 = tpu.memref_slice %arg9[%dma_wait3A_44] : memref<10240xf32, #tpu.memory_space<vmem>> -> memref<2048xf32, #tpu.memory_space<vmem>>
      tpu.wait_dma2 semaphore(%run_scoped3A_27 : memref<!tpu.dma_semaphore, #tpu.memory_space<semaphore_mem>>) src(%dma_wait3A_45 : memref<2048xf32, #tpu.memory_space<vmem>>) dst(%dma_wait3A_43 : memref<2048xf32, #tpu.memory_space<hbm>>)
      tpu.yield
    }) : () -> ()
    %run_scoped3A_21 = arith.constant 2 : i32
    "tpu.region"() ({
      %run_scoped3A_27 = tpu.sem_alloc : memref<!tpu.dma_semaphore, #tpu.memory_space<semaphore_mem>>
      %dma_start3A = arith.constant 4096 : i32
      %dma_start3A_28 = tpu.memref_slice %arg8[%dma_start3A] : memref<10240xf32, #tpu.memory_space<vmem>> -> memref<2048xf32, #tpu.memory_space<vmem>>
      %dma_start3A_29 = arith.constant 0 : i32
      %dma_start3A_30 = tpu.memref_slice %arg4[%run_scoped3A_21, %add3A, %dma_start3A_29] : memref<5x32x2048xf32, #tpu.memory_space<hbm>> -> memref<1x1x2048xf32, #tpu.memory_space<hbm>>
      %dma_start3A_31 = tpu.memref_squeeze %dma_start3A_30 : memref<1x1x2048xf32, #tpu.memory_space<hbm>> -> memref<2048xf32, #tpu.memory_space<hbm>>
      %dma_start3A_32 = arith.constant 0 : i32
      %dma_start3A_33 = tpu.memref_slice %arg4[%run_scoped3A_21, %add3A, %dma_start3A_32] : memref<5x32x2048xf32, #tpu.memory_space<hbm>> -> memref<1x1x2048xf32, #tpu.memory_space<hbm>>
      %dma_start3A_34 = tpu.memref_squeeze %dma_start3A_33 : memref<1x1x2048xf32, #tpu.memory_space<hbm>> -> memref<2048xf32, #tpu.memory_space<hbm>>
      %dma_start3A_35 = arith.constant 4096 : i32
      %dma_start3A_36 = tpu.memref_slice %arg8[%dma_start3A_35] : memref<10240xf32, #tpu.memory_space<vmem>> -> memref<2048xf32, #tpu.memory_space<vmem>>
      tpu.enqueue_dma source(%dma_start3A_36 : memref<2048xf32, #tpu.memory_space<vmem>>) target(%dma_start3A_34 : memref<2048xf32, #tpu.memory_space<hbm>>) target_semaphore(%run_scoped3A_27 : memref<!tpu.dma_semaphore, #tpu.memory_space<semaphore_mem>>)
      %dma_wait3A = arith.constant 4096 : i32
      %dma_wait3A_37 = tpu.memref_slice %arg8[%dma_wait3A] : memref<10240xf32, #tpu.memory_space<vmem>> -> memref<2048xf32, #tpu.memory_space<vmem>>
      %dma_wait3A_38 = arith.constant 0 : i32
      %dma_wait3A_39 = tpu.memref_slice %arg4[%run_scoped3A_21, %add3A, %dma_wait3A_38] : memref<5x32x2048xf32, #tpu.memory_space<hbm>> -> memref<1x1x2048xf32, #tpu.memory_space<hbm>>
      %dma_wait3A_40 = tpu.memref_squeeze %dma_wait3A_39 : memref<1x1x2048xf32, #tpu.memory_space<hbm>> -> memref<2048xf32, #tpu.memory_space<hbm>>
      %dma_wait3A_41 = arith.constant 0 : i32
      %dma_wait3A_42 = tpu.memref_slice %arg4[%run_scoped3A_21, %add3A, %dma_wait3A_41] : memref<5x32x2048xf32, #tpu.memory_space<hbm>> -> memref<1x1x2048xf32, #tpu.memory_space<hbm>>
      %dma_wait3A_43 = tpu.memref_squeeze %dma_wait3A_42 : memref<1x1x2048xf32, #tpu.memory_space<hbm>> -> memref<2048xf32, #tpu.memory_space<hbm>>
      %dma_wait3A_44 = arith.constant 4096 : i32
      %dma_wait3A_45 = tpu.memref_slice %arg8[%dma_wait3A_44] : memref<10240xf32, #tpu.memory_space<vmem>> -> memref<2048xf32, #tpu.memory_space<vmem>>
      tpu.wait_dma2 semaphore(%run_scoped3A_27 : memref<!tpu.dma_semaphore, #tpu.memory_space<semaphore_mem>>) src(%dma_wait3A_45 : memref<2048xf32, #tpu.memory_space<vmem>>) dst(%dma_wait3A_43 : memref<2048xf32, #tpu.memory_space<hbm>>)
      tpu.yield
    }) : () -> ()
    %run_scoped3A_22 = arith.constant 2 : i32
    "tpu.region"() ({
      %run_scoped3A_27 = tpu.sem_alloc : memref<!tpu.dma_semaphore, #tpu.memory_space<semaphore_mem>>
      %dma_start3A = arith.constant 4096 : i32
      %dma_start3A_28 = tpu.memref_slice %arg9[%dma_start3A] : memref<10240xf32, #tpu.memory_space<vmem>> -> memref<2048xf32, #tpu.memory_space<vmem>>
      %dma_start3A_29 = arith.constant 0 : i32
      %dma_start3A_30 = tpu.memref_slice %arg5[%run_scoped3A_22, %add3A, %dma_start3A_29] : memref<5x32x2048xf32, #tpu.memory_space<hbm>> -> memref<1x1x2048xf32, #tpu.memory_space<hbm>>
      %dma_start3A_31 = tpu.memref_squeeze %dma_start3A_30 : memref<1x1x2048xf32, #tpu.memory_space<hbm>> -> memref<2048xf32, #tpu.memory_space<hbm>>
      %dma_start3A_32 = arith.constant 0 : i32
      %dma_start3A_33 = tpu.memref_slice %arg5[%run_scoped3A_22, %add3A, %dma_start3A_32] : memref<5x32x2048xf32, #tpu.memory_space<hbm>> -> memref<1x1x2048xf32, #tpu.memory_space<hbm>>
      %dma_start3A_34 = tpu.memref_squeeze %dma_start3A_33 : memref<1x1x2048xf32, #tpu.memory_space<hbm>> -> memref<2048xf32, #tpu.memory_space<hbm>>
      %dma_start3A_35 = arith.constant 4096 : i32
      %dma_start3A_36 = tpu.memref_slice %arg9[%dma_start3A_35] : memref<10240xf32, #tpu.memory_space<vmem>> -> memref<2048xf32, #tpu.memory_space<vmem>>
      tpu.enqueue_dma source(%dma_start3A_36 : memref<2048xf32, #tpu.memory_space<vmem>>) target(%dma_start3A_34 : memref<2048xf32, #tpu.memory_space<hbm>>) target_semaphore(%run_scoped3A_27 : memref<!tpu.dma_semaphore, #tpu.memory_space<semaphore_mem>>)
      %dma_wait3A = arith.constant 4096 : i32
      %dma_wait3A_37 = tpu.memref_slice %arg9[%dma_wait3A] : memref<10240xf32, #tpu.memory_space<vmem>> -> memref<2048xf32, #tpu.memory_space<vmem>>
      %dma_wait3A_38 = arith.constant 0 : i32
      %dma_wait3A_39 = tpu.memref_slice %arg5[%run_scoped3A_22, %add3A, %dma_wait3A_38] : memref<5x32x2048xf32, #tpu.memory_space<hbm>> -> memref<1x1x2048xf32, #tpu.memory_space<hbm>>
      %dma_wait3A_40 = tpu.memref_squeeze %dma_wait3A_39 : memref<1x1x2048xf32, #tpu.memory_space<hbm>> -> memref<2048xf32, #tpu.memory_space<hbm>>
      %dma_wait3A_41 = arith.constant 0 : i32
      %dma_wait3A_42 = tpu.memref_slice %arg5[%run_scoped3A_22, %add3A, %dma_wait3A_41] : memref<5x32x2048xf32, #tpu.memory_space<hbm>> -> memref<1x1x2048xf32, #tpu.memory_space<hbm>>
      %dma_wait3A_43 = tpu.memref_squeeze %dma_wait3A_42 : memref<1x1x2048xf32, #tpu.memory_space<hbm>> -> memref<2048xf32, #tpu.memory_space<hbm>>
      %dma_wait3A_44 = arith.constant 4096 : i32
      %dma_wait3A_45 = tpu.memref_slice %arg9[%dma_wait3A_44] : memref<10240xf32, #tpu.memory_space<vmem>> -> memref<2048xf32, #tpu.memory_space<vmem>>
      tpu.wait_dma2 semaphore(%run_scoped3A_27 : memref<!tpu.dma_semaphore, #tpu.memory_space<semaphore_mem>>) src(%dma_wait3A_45 : memref<2048xf32, #tpu.memory_space<vmem>>) dst(%dma_wait3A_43 : memref<2048xf32, #tpu.memory_space<hbm>>)
      tpu.yield
    }) : () -> ()
    %run_scoped3A_23 = arith.constant 3 : i32
    "tpu.region"() ({
      %run_scoped3A_27 = tpu.sem_alloc : memref<!tpu.dma_semaphore, #tpu.memory_space<semaphore_mem>>
      %dma_start3A = arith.constant 6144 : i32
      %dma_start3A_28 = tpu.memref_slice %arg8[%dma_start3A] : memref<10240xf32, #tpu.memory_space<vmem>> -> memref<2048xf32, #tpu.memory_space<vmem>>
      %dma_start3A_29 = arith.constant 0 : i32
      %dma_start3A_30 = tpu.memref_slice %arg4[%run_scoped3A_23, %add3A, %dma_start3A_29] : memref<5x32x2048xf32, #tpu.memory_space<hbm>> -> memref<1x1x2048xf32, #tpu.memory_space<hbm>>
      %dma_start3A_31 = tpu.memref_squeeze %dma_start3A_30 : memref<1x1x2048xf32, #tpu.memory_space<hbm>> -> memref<2048xf32, #tpu.memory_space<hbm>>
      %dma_start3A_32 = arith.constant 0 : i32
      %dma_start3A_33 = tpu.memref_slice %arg4[%run_scoped3A_23, %add3A, %dma_start3A_32] : memref<5x32x2048xf32, #tpu.memory_space<hbm>> -> memref<1x1x2048xf32, #tpu.memory_space<hbm>>
      %dma_start3A_34 = tpu.memref_squeeze %dma_start3A_33 : memref<1x1x2048xf32, #tpu.memory_space<hbm>> -> memref<2048xf32, #tpu.memory_space<hbm>>
      %dma_start3A_35 = arith.constant 6144 : i32
      %dma_start3A_36 = tpu.memref_slice %arg8[%dma_start3A_35] : memref<10240xf32, #tpu.memory_space<vmem>> -> memref<2048xf32, #tpu.memory_space<vmem>>
      tpu.enqueue_dma source(%dma_start3A_36 : memref<2048xf32, #tpu.memory_space<vmem>>) target(%dma_start3A_34 : memref<2048xf32, #tpu.memory_space<hbm>>) target_semaphore(%run_scoped3A_27 : memref<!tpu.dma_semaphore, #tpu.memory_space<semaphore_mem>>)
      %dma_wait3A = arith.constant 6144 : i32
      %dma_wait3A_37 = tpu.memref_slice %arg8[%dma_wait3A] : memref<10240xf32, #tpu.memory_space<vmem>> -> memref<2048xf32, #tpu.memory_space<vmem>>
      %dma_wait3A_38 = arith.constant 0 : i32
      %dma_wait3A_39 = tpu.memref_slice %arg4[%run_scoped3A_23, %add3A, %dma_wait3A_38] : memref<5x32x2048xf32, #tpu.memory_space<hbm>> -> memref<1x1x2048xf32, #tpu.memory_space<hbm>>
      %dma_wait3A_40 = tpu.memref_squeeze %dma_wait3A_39 : memref<1x1x2048xf32, #tpu.memory_space<hbm>> -> memref<2048xf32, #tpu.memory_space<hbm>>
      %dma_wait3A_41 = arith.constant 0 : i32
      %dma_wait3A_42 = tpu.memref_slice %arg4[%run_scoped3A_23, %add3A, %dma_wait3A_41] : memref<5x32x2048xf32, #tpu.memory_space<hbm>> -> memref<1x1x2048xf32, #tpu.memory_space<hbm>>
      %dma_wait3A_43 = tpu.memref_squeeze %dma_wait3A_42 : memref<1x1x2048xf32, #tpu.memory_space<hbm>> -> memref<2048xf32, #tpu.memory_space<hbm>>
      %dma_wait3A_44 = arith.constant 6144 : i32
      %dma_wait3A_45 = tpu.memref_slice %arg8[%dma_wait3A_44] : memref<10240xf32, #tpu.memory_space<vmem>> -> memref<2048xf32, #tpu.memory_space<vmem>>
      tpu.wait_dma2 semaphore(%run_scoped3A_27 : memref<!tpu.dma_semaphore, #tpu.memory_space<semaphore_mem>>) src(%dma_wait3A_45 : memref<2048xf32, #tpu.memory_space<vmem>>) dst(%dma_wait3A_43 : memref<2048xf32, #tpu.memory_space<hbm>>)
      tpu.yield
    }) : () -> ()
    %run_scoped3A_24 = arith.constant 3 : i32
    "tpu.region"() ({
      %run_scoped3A_27 = tpu.sem_alloc : memref<!tpu.dma_semaphore, #tpu.memory_space<semaphore_mem>>
      %dma_start3A = arith.constant 6144 : i32
      %dma_start3A_28 = tpu.memref_slice %arg9[%dma_start3A] : memref<10240xf32, #tpu.memory_space<vmem>> -> memref<2048xf32, #tpu.memory_space<vmem>>
      %dma_start3A_29 = arith.constant 0 : i32
      %dma_start3A_30 = tpu.memref_slice %arg5[%run_scoped3A_24, %add3A, %dma_start3A_29] : memref<5x32x2048xf32, #tpu.memory_space<hbm>> -> memref<1x1x2048xf32, #tpu.memory_space<hbm>>
      %dma_start3A_31 = tpu.memref_squeeze %dma_start3A_30 : memref<1x1x2048xf32, #tpu.memory_space<hbm>> -> memref<2048xf32, #tpu.memory_space<hbm>>
      %dma_start3A_32 = arith.constant 0 : i32
      %dma_start3A_33 = tpu.memref_slice %arg5[%run_scoped3A_24, %add3A, %dma_start3A_32] : memref<5x32x2048xf32, #tpu.memory_space<hbm>> -> memref<1x1x2048xf32, #tpu.memory_space<hbm>>
      %dma_start3A_34 = tpu.memref_squeeze %dma_start3A_33 : memref<1x1x2048xf32, #tpu.memory_space<hbm>> -> memref<2048xf32, #tpu.memory_space<hbm>>
      %dma_start3A_35 = arith.constant 6144 : i32
      %dma_start3A_36 = tpu.memref_slice %arg9[%dma_start3A_35] : memref<10240xf32, #tpu.memory_space<vmem>> -> memref<2048xf32, #tpu.memory_space<vmem>>
      tpu.enqueue_dma source(%dma_start3A_36 : memref<2048xf32, #tpu.memory_space<vmem>>) target(%dma_start3A_34 : memref<2048xf32, #tpu.memory_space<hbm>>) target_semaphore(%run_scoped3A_27 : memref<!tpu.dma_semaphore, #tpu.memory_space<semaphore_mem>>)
      %dma_wait3A = arith.constant 6144 : i32
      %dma_wait3A_37 = tpu.memref_slice %arg9[%dma_wait3A] : memref<10240xf32, #tpu.memory_space<vmem>> -> memref<2048xf32, #tpu.memory_space<vmem>>
      %dma_wait3A_38 = arith.constant 0 : i32
      %dma_wait3A_39 = tpu.memref_slice %arg5[%run_scoped3A_24, %add3A, %dma_wait3A_38] : memref<5x32x2048xf32, #tpu.memory_space<hbm>> -> memref<1x1x2048xf32, #tpu.memory_space<hbm>>
      %dma_wait3A_40 = tpu.memref_squeeze %dma_wait3A_39 : memref<1x1x2048xf32, #tpu.memory_space<hbm>> -> memref<2048xf32, #tpu.memory_space<hbm>>
      %dma_wait3A_41 = arith.constant 0 : i32
      %dma_wait3A_42 = tpu.memref_slice %arg5[%run_scoped3A_24, %add3A, %dma_wait3A_41] : memref<5x32x2048xf32, #tpu.memory_space<hbm>> -> memref<1x1x2048xf32, #tpu.memory_space<hbm>>
      %dma_wait3A_43 = tpu.memref_squeeze %dma_wait3A_42 : memref<1x1x2048xf32, #tpu.memory_space<hbm>> -> memref<2048xf32, #tpu.memory_space<hbm>>
      %dma_wait3A_44 = arith.constant 6144 : i32
      %dma_wait3A_45 = tpu.memref_slice %arg9[%dma_wait3A_44] : memref<10240xf32, #tpu.memory_space<vmem>> -> memref<2048xf32, #tpu.memory_space<vmem>>
      tpu.wait_dma2 semaphore(%run_scoped3A_27 : memref<!tpu.dma_semaphore, #tpu.memory_space<semaphore_mem>>) src(%dma_wait3A_45 : memref<2048xf32, #tpu.memory_space<vmem>>) dst(%dma_wait3A_43 : memref<2048xf32, #tpu.memory_space<hbm>>)
      tpu.yield
    }) : () -> ()
    %run_scoped3A_25 = arith.constant 4 : i32
    "tpu.region"() ({
      %run_scoped3A_27 = tpu.sem_alloc : memref<!tpu.dma_semaphore, #tpu.memory_space<semaphore_mem>>
      %dma_start3A = arith.constant 8192 : i32
      %dma_start3A_28 = tpu.memref_slice %arg8[%dma_start3A] : memref<10240xf32, #tpu.memory_space<vmem>> -> memref<2048xf32, #tpu.memory_space<vmem>>
      %dma_start3A_29 = arith.constant 0 : i32
      %dma_start3A_30 = tpu.memref_slice %arg4[%run_scoped3A_25, %add3A, %dma_start3A_29] : memref<5x32x2048xf32, #tpu.memory_space<hbm>> -> memref<1x1x2048xf32, #tpu.memory_space<hbm>>
      %dma_start3A_31 = tpu.memref_squeeze %dma_start3A_30 : memref<1x1x2048xf32, #tpu.memory_space<hbm>> -> memref<2048xf32, #tpu.memory_space<hbm>>
      %dma_start3A_32 = arith.constant 0 : i32
      %dma_start3A_33 = tpu.memref_slice %arg4[%run_scoped3A_25, %add3A, %dma_start3A_32] : memref<5x32x2048xf32, #tpu.memory_space<hbm>> -> memref<1x1x2048xf32, #tpu.memory_space<hbm>>
      %dma_start3A_34 = tpu.memref_squeeze %dma_start3A_33 : memref<1x1x2048xf32, #tpu.memory_space<hbm>> -> memref<2048xf32, #tpu.memory_space<hbm>>
      %dma_start3A_35 = arith.constant 8192 : i32
      %dma_start3A_36 = tpu.memref_slice %arg8[%dma_start3A_35] : memref<10240xf32, #tpu.memory_space<vmem>> -> memref<2048xf32, #tpu.memory_space<vmem>>
      tpu.enqueue_dma source(%dma_start3A_36 : memref<2048xf32, #tpu.memory_space<vmem>>) target(%dma_start3A_34 : memref<2048xf32, #tpu.memory_space<hbm>>) target_semaphore(%run_scoped3A_27 : memref<!tpu.dma_semaphore, #tpu.memory_space<semaphore_mem>>)
      %dma_wait3A = arith.constant 8192 : i32
      %dma_wait3A_37 = tpu.memref_slice %arg8[%dma_wait3A] : memref<10240xf32, #tpu.memory_space<vmem>> -> memref<2048xf32, #tpu.memory_space<vmem>>
      %dma_wait3A_38 = arith.constant 0 : i32
      %dma_wait3A_39 = tpu.memref_slice %arg4[%run_scoped3A_25, %add3A, %dma_wait3A_38] : memref<5x32x2048xf32, #tpu.memory_space<hbm>> -> memref<1x1x2048xf32, #tpu.memory_space<hbm>>
      %dma_wait3A_40 = tpu.memref_squeeze %dma_wait3A_39 : memref<1x1x2048xf32, #tpu.memory_space<hbm>> -> memref<2048xf32, #tpu.memory_space<hbm>>
      %dma_wait3A_41 = arith.constant 0 : i32
      %dma_wait3A_42 = tpu.memref_slice %arg4[%run_scoped3A_25, %add3A, %dma_wait3A_41] : memref<5x32x2048xf32, #tpu.memory_space<hbm>> -> memref<1x1x2048xf32, #tpu.memory_space<hbm>>
      %dma_wait3A_43 = tpu.memref_squeeze %dma_wait3A_42 : memref<1x1x2048xf32, #tpu.memory_space<hbm>> -> memref<2048xf32, #tpu.memory_space<hbm>>
      %dma_wait3A_44 = arith.constant 8192 : i32
      %dma_wait3A_45 = tpu.memref_slice %arg8[%dma_wait3A_44] : memref<10240xf32, #tpu.memory_space<vmem>> -> memref<2048xf32, #tpu.memory_space<vmem>>
      tpu.wait_dma2 semaphore(%run_scoped3A_27 : memref<!tpu.dma_semaphore, #tpu.memory_space<semaphore_mem>>) src(%dma_wait3A_45 : memref<2048xf32, #tpu.memory_space<vmem>>) dst(%dma_wait3A_43 : memref<2048xf32, #tpu.memory_space<hbm>>)
      tpu.yield
    }) : () -> ()
    %run_scoped3A_26 = arith.constant 4 : i32
    "tpu.region"() ({
      %run_scoped3A_27 = tpu.sem_alloc : memref<!tpu.dma_semaphore, #tpu.memory_space<semaphore_mem>>
      %dma_start3A = arith.constant 8192 : i32
      %dma_start3A_28 = tpu.memref_slice %arg9[%dma_start3A] : memref<10240xf32, #tpu.memory_space<vmem>> -> memref<2048xf32, #tpu.memory_space<vmem>>
      %dma_start3A_29 = arith.constant 0 : i32
      %dma_start3A_30 = tpu.memref_slice %arg5[%run_scoped3A_26, %add3A, %dma_start3A_29] : memref<5x32x2048xf32, #tpu.memory_space<hbm>> -> memref<1x1x2048xf32, #tpu.memory_space<hbm>>
      %dma_start3A_31 = tpu.memref_squeeze %dma_start3A_30 : memref<1x1x2048xf32, #tpu.memory_space<hbm>> -> memref<2048xf32, #tpu.memory_space<hbm>>
      %dma_start3A_32 = arith.constant 0 : i32
      %dma_start3A_33 = tpu.memref_slice %arg5[%run_scoped3A_26, %add3A, %dma_start3A_32] : memref<5x32x2048xf32, #tpu.memory_space<hbm>> -> memref<1x1x2048xf32, #tpu.memory_space<hbm>>
      %dma_start3A_34 = tpu.memref_squeeze %dma_start3A_33 : memref<1x1x2048xf32, #tpu.memory_space<hbm>> -> memref<2048xf32, #tpu.memory_space<hbm>>
      %dma_start3A_35 = arith.constant 8192 : i32
      %dma_start3A_36 = tpu.memref_slice %arg9[%dma_start3A_35] : memref<10240xf32, #tpu.memory_space<vmem>> -> memref<2048xf32, #tpu.memory_space<vmem>>
      tpu.enqueue_dma source(%dma_start3A_36 : memref<2048xf32, #tpu.memory_space<vmem>>) target(%dma_start3A_34 : memref<2048xf32, #tpu.memory_space<hbm>>) target_semaphore(%run_scoped3A_27 : memref<!tpu.dma_semaphore, #tpu.memory_space<semaphore_mem>>)
      %dma_wait3A = arith.constant 8192 : i32
      %dma_wait3A_37 = tpu.memref_slice %arg9[%dma_wait3A] : memref<10240xf32, #tpu.memory_space<vmem>> -> memref<2048xf32, #tpu.memory_space<vmem>>
      %dma_wait3A_38 = arith.constant 0 : i32
      %dma_wait3A_39 = tpu.memref_slice %arg5[%run_scoped3A_26, %add3A, %dma_wait3A_38] : memref<5x32x2048xf32, #tpu.memory_space<hbm>> -> memref<1x1x2048xf32, #tpu.memory_space<hbm>>
      %dma_wait3A_40 = tpu.memref_squeeze %dma_wait3A_39 : memref<1x1x2048xf32, #tpu.memory_space<hbm>> -> memref<2048xf32, #tpu.memory_space<hbm>>
      %dma_wait3A_41 = arith.constant 0 : i32
      %dma_wait3A_42 = tpu.memref_slice %arg5[%run_scoped3A_26, %add3A, %dma_wait3A_41] : memref<5x32x2048xf32, #tpu.memory_space<hbm>> -> memref<1x1x2048xf32, #tpu.memory_space<hbm>>
      %dma_wait3A_43 = tpu.memref_squeeze %dma_wait3A_42 : memref<1x1x2048xf32, #tpu.memory_space<hbm>> -> memref<2048xf32, #tpu.memory_space<hbm>>
      %dma_wait3A_44 = arith.constant 8192 : i32
      %dma_wait3A_45 = tpu.memref_slice %arg9[%dma_wait3A_44] : memref<10240xf32, #tpu.memory_space<vmem>> -> memref<2048xf32, #tpu.memory_space<vmem>>
      tpu.wait_dma2 semaphore(%run_scoped3A_27 : memref<!tpu.dma_semaphore, #tpu.memory_space<semaphore_mem>>) src(%dma_wait3A_45 : memref<2048xf32, #tpu.memory_space<vmem>>) dst(%dma_wait3A_43 : memref<2048xf32, #tpu.memory_space<hbm>>)
      tpu.yield
    }) : () -> ()
    return
  }
}

#map = affine_map<(d0, d1) -> (0, 0)>
#map1 = affine_map<(d0, d1) -> (0)>
#map2 = affine_map<(d0, d1) -> (0, 0, 0)>
module attributes {stable_mosaic.version = 14 : i64} {
  func.func @_sc_propagate(%arg0: i32, %arg1: i32, %arg2: memref<10000x128xf32, #tpu.memory_space<hbm>>, %arg3: memref<320000xi32, #tpu.memory_space<hbm>>, %arg4: memref<32x125x80xi32, #tpu.memory_space<hbm>>, %arg5: memref<2x10000x128xf32, #tpu.memory_space<hbm>>, %arg6: memref<10000xi32, #tpu.memory_space<vmem>>, %arg7: memref<125x80xi32, #tpu.memory_space<vmem>>, %arg8: memref<80x128xf32, #tpu.memory_space<vmem>>, %arg9: memref<80x128xf32, #tpu.memory_space<vmem>>, %arg10: memref<10000x128xf32, #tpu.memory_space<vmem_shared>>, %arg11: memref<!tpu.dma_semaphore, #tpu.memory_space<semaphore_mem>>, %arg12: memref<!tpu.dma_semaphore, #tpu.memory_space<semaphore_mem>>, %arg13: memref<!tpu.dma_semaphore, #tpu.memory_space<semaphore_mem>>, %arg14: memref<!tpu.dma_semaphore, #tpu.memory_space<semaphore_mem>>, %arg15: memref<!tpu.dma_semaphore, #tpu.memory_space<semaphore_mem>>, %arg16: memref<!tpu.dma_semaphore, #tpu.memory_space<semaphore_mem>>) attributes {dimension_semantics = [#tpu.dimension_semantics<core_parallel>, #tpu.dimension_semantics<subcore_parallel>], iteration_bounds = array<i64: 2, 16>, scalar_prefetch = 0 : i64, scratch_operands = 11 : i64, tpu.core_type = #tpu.core_type<sc_vector_subcore>, window_params = [{transform_indices = #map}, {transform_indices = #map1}, {transform_indices = #map2}, {transform_indices = #map2}]} {
    %mul3A = arith.constant 2 : i32
    %mul3A_0 = arith.muli %arg1, %mul3A : i32
    %add3A = arith.addi %mul3A_0, %arg0 : i32
    %mul3A_1 = arith.constant 10000 : i32
    %mul3A_2 = arith.muli %add3A, %mul3A_1 : i32
    "tpu.region"() ({
      %run_scoped3A = tpu.sem_alloc : memref<!tpu.dma_semaphore, #tpu.memory_space<semaphore_mem>>
      %dma_start3A_82 = tpu.memref_slice %arg3[%mul3A_2] : memref<320000xi32, #tpu.memory_space<hbm>> -> memref<10000xi32, #tpu.memory_space<hbm>>
      %dma_start3A_83 = tpu.memref_slice %arg3[%mul3A_2] : memref<320000xi32, #tpu.memory_space<hbm>> -> memref<10000xi32, #tpu.memory_space<hbm>>
      tpu.enqueue_dma source(%dma_start3A_83 : memref<10000xi32, #tpu.memory_space<hbm>>) target(%arg6 : memref<10000xi32, #tpu.memory_space<vmem>>) target_semaphore(%run_scoped3A : memref<!tpu.dma_semaphore, #tpu.memory_space<semaphore_mem>>)
      %dma_wait3A_84 = tpu.memref_slice %arg3[%mul3A_2] : memref<320000xi32, #tpu.memory_space<hbm>> -> memref<10000xi32, #tpu.memory_space<hbm>>
      %dma_wait3A_85 = tpu.memref_slice %arg3[%mul3A_2] : memref<320000xi32, #tpu.memory_space<hbm>> -> memref<10000xi32, #tpu.memory_space<hbm>>
      tpu.wait_dma2 semaphore(%run_scoped3A : memref<!tpu.dma_semaphore, #tpu.memory_space<semaphore_mem>>) src(%dma_wait3A_85 : memref<10000xi32, #tpu.memory_space<hbm>>) dst(%arg6 : memref<10000xi32, #tpu.memory_space<vmem>>)
      tpu.yield
    }) : () -> ()
    "tpu.region"() ({
      %run_scoped3A = tpu.sem_alloc : memref<!tpu.dma_semaphore, #tpu.memory_space<semaphore_mem>>
      %dma_start3A_82 = arith.constant 0 : i32
      %dma_start3A_83 = arith.constant 0 : i32
      %dma_start3A_84 = tpu.memref_slice %arg4[%add3A, %dma_start3A_82, %dma_start3A_83] : memref<32x125x80xi32, #tpu.memory_space<hbm>> -> memref<1x125x80xi32, #tpu.memory_space<hbm>>
      %dma_start3A_85 = tpu.memref_squeeze %dma_start3A_84 : memref<1x125x80xi32, #tpu.memory_space<hbm>> -> memref<125x80xi32, #tpu.memory_space<hbm>>
      %dma_start3A_86 = arith.constant 0 : i32
      %dma_start3A_87 = arith.constant 0 : i32
      %dma_start3A_88 = tpu.memref_slice %arg4[%add3A, %dma_start3A_86, %dma_start3A_87] : memref<32x125x80xi32, #tpu.memory_space<hbm>> -> memref<1x125x80xi32, #tpu.memory_space<hbm>>
      %dma_start3A_89 = tpu.memref_squeeze %dma_start3A_88 : memref<1x125x80xi32, #tpu.memory_space<hbm>> -> memref<125x80xi32, #tpu.memory_space<hbm>>
      tpu.enqueue_dma source(%dma_start3A_89 : memref<125x80xi32, #tpu.memory_space<hbm>>) target(%arg7 : memref<125x80xi32, #tpu.memory_space<vmem>>) target_semaphore(%run_scoped3A : memref<!tpu.dma_semaphore, #tpu.memory_space<semaphore_mem>>)
      %dma_wait3A_90 = arith.constant 0 : i32
      %dma_wait3A_91 = arith.constant 0 : i32
      %dma_wait3A_92 = tpu.memref_slice %arg4[%add3A, %dma_wait3A_90, %dma_wait3A_91] : memref<32x125x80xi32, #tpu.memory_space<hbm>> -> memref<1x125x80xi32, #tpu.memory_space<hbm>>
      %dma_wait3A_93 = tpu.memref_squeeze %dma_wait3A_92 : memref<1x125x80xi32, #tpu.memory_space<hbm>> -> memref<125x80xi32, #tpu.memory_space<hbm>>
      %dma_wait3A_94 = arith.constant 0 : i32
      %dma_wait3A_95 = arith.constant 0 : i32
      %dma_wait3A_96 = tpu.memref_slice %arg4[%add3A, %dma_wait3A_94, %dma_wait3A_95] : memref<32x125x80xi32, #tpu.memory_space<hbm>> -> memref<1x125x80xi32, #tpu.memory_space<hbm>>
      %dma_wait3A_97 = tpu.memref_squeeze %dma_wait3A_96 : memref<1x125x80xi32, #tpu.memory_space<hbm>> -> memref<125x80xi32, #tpu.memory_space<hbm>>
      tpu.wait_dma2 semaphore(%run_scoped3A : memref<!tpu.dma_semaphore, #tpu.memory_space<semaphore_mem>>) src(%dma_wait3A_97 : memref<125x80xi32, #tpu.memory_space<hbm>>) dst(%arg7 : memref<125x80xi32, #tpu.memory_space<vmem>>)
      tpu.yield
    }) : () -> ()
    %scan3A = arith.constant 0 : i32
    %scan3A_3 = arith.constant 0 : i32
    %scan3A_4 = arith.constant 640 : i32
    %scan3A_5 = arith.addi %scan3A_3, %scan3A_4 : i32
    %scan3A_6 = arith.constant 1 : i32
    %scan3A_7 = scf.for %scan3A_82 = %scan3A_3 to %scan3A_5 step %scan3A_6 iter_args(%scan3A_83 = %scan3A) -> (i32)  : i32 {
      %jit3A = arith.constant 8 : i32
      %div3A = arith.divsi %scan3A_82, %jit3A : i32
      %sign3A = arith.constant 0 : i32
      %sign3A_84 = arith.cmpi sgt, %scan3A_82, %sign3A : i32
      %sign3A_85 = arith.extui %sign3A_84 : i1 to i32
      %sign3A_86 = arith.constant 0 : i32
      %sign3A_87 = arith.cmpi slt, %scan3A_82, %sign3A_86 : i32
      %sign3A_88 = arith.extui %sign3A_87 : i1 to i32
      %sign3A_89 = arith.subi %sign3A_85, %sign3A_88 : i32
      %sign3A_90 = arith.constant 0 : i32
      %sign3A_91 = arith.cmpi sgt, %jit3A, %sign3A_90 : i32
      %sign3A_92 = arith.extui %sign3A_91 : i1 to i32
      %sign3A_93 = arith.constant 0 : i32
      %sign3A_94 = arith.cmpi slt, %jit3A, %sign3A_93 : i32
      %sign3A_95 = arith.extui %sign3A_94 : i1 to i32
      %sign3A_96 = arith.subi %sign3A_92, %sign3A_95 : i32
      %ne3A = arith.cmpi ne, %sign3A_89, %sign3A_96 : i32
      %rem3A = arith.remsi %scan3A_82, %jit3A : i32
      %ne3A_97 = arith.constant 0 : i32
      %ne3A_98 = arith.cmpi ne, %rem3A, %ne3A_97 : i32
      %and3A = arith.andi %ne3A, %ne3A_98 : i1
      %sub3A = arith.constant 1 : i32
      %sub3A_99 = arith.subi %div3A, %sub3A : i32
      %select_n3A = arith.select %and3A, %sub3A_99, %div3A : i32
      %jit3A_100 = arith.constant 8 : i32
      %eq3A = arith.constant 0 : i32
      %eq3A_101 = arith.cmpi eq, %jit3A_100, %eq3A : i32
      %jit3A_102 = arith.constant 1 : i32
      %select_n3A_103 = arith.select %eq3A_101, %jit3A_102, %jit3A_100 : i32
      %rem3A_104 = arith.remsi %scan3A_82, %select_n3A_103 : i32
      %ne3A_105 = arith.constant 0 : i32
      %ne3A_106 = arith.cmpi ne, %rem3A_104, %ne3A_105 : i32
      %lt3A = arith.constant 0 : i32
      %lt3A_107 = arith.cmpi slt, %rem3A_104, %lt3A : i32
      %lt3A_108 = arith.constant 0 : i32
      %lt3A_109 = arith.cmpi slt, %select_n3A_103, %lt3A_108 : i32
      %ne3A_110 = arith.xori %lt3A_107, %lt3A_109 : i1
      %and3A_111 = arith.andi %ne3A_110, %ne3A_106 : i1
      %add3A_112 = arith.addi %rem3A_104, %select_n3A_103 : i32
      %select_n3A_113 = arith.select %and3A_111, %add3A_112, %rem3A_104 : i32
      %broadcast_in_dim3A = arith.constant 0.000000e+00 : f32
      %broadcast_in_dim3A_114 = vector.broadcast %broadcast_in_dim3A : f32 to vector<16xf32>
      %mul3A_115 = arith.constant 16 : i32
      %mul3A_116 = arith.muli %select_n3A_113, %mul3A_115 : i32
      %swap3A = arith.index_cast %select_n3A : i32 to index
      %swap3A_117 = arith.index_cast %mul3A_116 : i32 to index
      %swap3A_118 = tpu.vector_load %arg8[%swap3A, %swap3A_117] {strides = array<i32>} : memref<80x128xf32, #tpu.memory_space<vmem>>, vector<1x16xf32>,
      %swap3A_119 = vector.shape_cast %swap3A_118 : vector<1x16xf32> to vector<16xf32>
      %swap3A_120 = vector.shape_cast %broadcast_in_dim3A_114 : vector<16xf32> to vector<1x16xf32>
      tpu.vector_store %arg8[%swap3A, %swap3A_117], %swap3A_120 {strides = array<i32>} : memref<80x128xf32, #tpu.memory_space<vmem>>, vector<1x16xf32>,
      %scan3A_121 = arith.constant 0 : i32
      scf.yield %scan3A_121 : i32
    }
    %scan3A_8 = arith.constant 640 : i32
    %scan3A_9 = arith.constant 0 : i32
    %scan3A_10 = arith.constant 0 : i32
    %scan3A_11 = arith.constant 8 : i32
    %scan3A_12 = arith.addi %scan3A_10, %scan3A_11 : i32
    %scan3A_13 = arith.constant 1 : i32
    %scan3A_14 = scf.for %scan3A_82 = %scan3A_10 to %scan3A_12 step %scan3A_13 iter_args(%scan3A_83 = %scan3A_9) -> (i32)  : i32 {
      %mul3A_84 = arith.constant 16 : i32
      %mul3A_85 = arith.muli %scan3A_82, %mul3A_84 : i32
      %add3A_86 = arith.addi %arg1, %mul3A_85 : i32
      %lt3A = arith.constant 125 : i32
      %lt3A_87 = arith.cmpi slt, %add3A_86, %lt3A : i32
      %convert_element_type3A = arith.extui %lt3A_87 : i1 to i32
      %cond3A = arith.constant 0 : i32
      %cond3A_88 = arith.cmpi ne, %convert_element_type3A, %cond3A : i32
      scf.if %cond3A_88 {
        %mul3A_90 = arith.constant 80 : i32
        %mul3A_91 = arith.muli %add3A_86, %mul3A_90 : i32
        "tpu.region"() ({
          %run_scoped3A = tpu.sem_alloc : memref<!tpu.dma_semaphore, #tpu.memory_space<semaphore_mem>>
          %dma_start3A_92 = arith.constant 0 : i32
          %dma_start3A_93 = arith.constant 0 : i32
          %dma_start3A_94 = tpu.memref_slice %arg8[%dma_start3A_92, %dma_start3A_93] : memref<80x128xf32, #tpu.memory_space<vmem>> -> memref<80x128xf32, #tpu.memory_space<vmem>>
          %dma_start3A_95 = arith.constant 0 : i32
          %dma_start3A_96 = tpu.memref_slice %arg10[%mul3A_91, %dma_start3A_95] : memref<10000x128xf32, #tpu.memory_space<vmem_shared>> -> memref<80x128xf32, #tpu.memory_space<vmem_shared>>
          %dma_start3A_97 = arith.constant 0 : i32
          %dma_start3A_98 = tpu.memref_slice %arg10[%mul3A_91, %dma_start3A_97] : memref<10000x128xf32, #tpu.memory_space<vmem_shared>> -> memref<80x128xf32, #tpu.memory_space<vmem_shared>>
          %dma_start3A_99 = arith.constant 0 : i32
          %dma_start3A_100 = arith.constant 0 : i32
          %dma_start3A_101 = tpu.memref_slice %arg8[%dma_start3A_99, %dma_start3A_100] : memref<80x128xf32, #tpu.memory_space<vmem>> -> memref<80x128xf32, #tpu.memory_space<vmem>>
          tpu.enqueue_dma source(%dma_start3A_101 : memref<80x128xf32, #tpu.memory_space<vmem>>) target(%dma_start3A_98 : memref<80x128xf32, #tpu.memory_space<vmem_shared>>) target_semaphore(%run_scoped3A : memref<!tpu.dma_semaphore, #tpu.memory_space<semaphore_mem>>)
          %dma_wait3A_102 = arith.constant 0 : i32
          %dma_wait3A_103 = arith.constant 0 : i32
          %dma_wait3A_104 = tpu.memref_slice %arg8[%dma_wait3A_102, %dma_wait3A_103] : memref<80x128xf32, #tpu.memory_space<vmem>> -> memref<80x128xf32, #tpu.memory_space<vmem>>
          %dma_wait3A_105 = arith.constant 0 : i32
          %dma_wait3A_106 = tpu.memref_slice %arg10[%mul3A_91, %dma_wait3A_105] : memref<10000x128xf32, #tpu.memory_space<vmem_shared>> -> memref<80x128xf32, #tpu.memory_space<vmem_shared>>
          %dma_wait3A_107 = arith.constant 0 : i32
          %dma_wait3A_108 = tpu.memref_slice %arg10[%mul3A_91, %dma_wait3A_107] : memref<10000x128xf32, #tpu.memory_space<vmem_shared>> -> memref<80x128xf32, #tpu.memory_space<vmem_shared>>
          %dma_wait3A_109 = arith.constant 0 : i32
          %dma_wait3A_110 = arith.constant 0 : i32
          %dma_wait3A_111 = tpu.memref_slice %arg8[%dma_wait3A_109, %dma_wait3A_110] : memref<80x128xf32, #tpu.memory_space<vmem>> -> memref<80x128xf32, #tpu.memory_space<vmem>>
          tpu.wait_dma2 semaphore(%run_scoped3A : memref<!tpu.dma_semaphore, #tpu.memory_space<semaphore_mem>>) src(%dma_wait3A_111 : memref<80x128xf32, #tpu.memory_space<vmem>>) dst(%dma_wait3A_108 : memref<80x128xf32, #tpu.memory_space<vmem_shared>>)
          tpu.yield
        }) : () -> ()
      } else {
      }
      %scan3A_89 = arith.constant 0 : i32
      scf.yield %scan3A_89 : i32
    }
    %scan3A_15 = arith.constant 8 : i32
    %barrier3A = arith.constant 0 : index
    tpu.barrier barrier_id(%barrier3A)
    %dma_start3A = arith.constant 0 : i32
    %dma_start3A_16 = arith.constant 0 : i32
    %dma_start3A_17 = tpu.memref_slice %arg8[%dma_start3A, %dma_start3A_16] : memref<80x128xf32, #tpu.memory_space<vmem>> -> memref<40x128xf32, #tpu.memory_space<vmem>>
    %dma_start3A_18 = arith.constant 0 : i32
    %dma_start3A_19 = tpu.memref_slice %arg6[%dma_start3A_18] : memref<10000xi32, #tpu.memory_space<vmem>> -> memref<40xi32, #tpu.memory_space<vmem>>
    %dma_start3A_20 = arith.constant 0 : i32
    %dma_start3A_21 = arith.constant 0 : i32
    %dma_start3A_22 = tpu.memref_slice %arg2[%dma_start3A_20, %dma_start3A_21] : memref<10000x128xf32, #tpu.memory_space<hbm>> -> memref<10000x128xf32, #tpu.memory_space<hbm>>
    tpu.enqueue_indirect_dma source(%dma_start3A_22 : memref<10000x128xf32, #tpu.memory_space<hbm>>) target(%dma_start3A_17 : memref<40x128xf32, #tpu.memory_space<vmem>>) offsets(%dma_start3A_19 : memref<40xi32, #tpu.memory_space<vmem>>) semaphore(%arg11 : memref<!tpu.dma_semaphore, #tpu.memory_space<semaphore_mem>>)
    %dma_start3A_23 = arith.constant 40 : i32
    %dma_start3A_24 = arith.constant 0 : i32
    %dma_start3A_25 = tpu.memref_slice %arg8[%dma_start3A_23, %dma_start3A_24] : memref<80x128xf32, #tpu.memory_space<vmem>> -> memref<40x128xf32, #tpu.memory_space<vmem>>
    %dma_start3A_26 = arith.constant 40 : i32
    %dma_start3A_27 = tpu.memref_slice %arg6[%dma_start3A_26] : memref<10000xi32, #tpu.memory_space<vmem>> -> memref<40xi32, #tpu.memory_space<vmem>>
    %dma_start3A_28 = arith.constant 0 : i32
    %dma_start3A_29 = arith.constant 0 : i32
    %dma_start3A_30 = tpu.memref_slice %arg2[%dma_start3A_28, %dma_start3A_29] : memref<10000x128xf32, #tpu.memory_space<hbm>> -> memref<10000x128xf32, #tpu.memory_space<hbm>>
    tpu.enqueue_indirect_dma source(%dma_start3A_30 : memref<10000x128xf32, #tpu.memory_space<hbm>>) target(%dma_start3A_25 : memref<40x128xf32, #tpu.memory_space<vmem>>) offsets(%dma_start3A_27 : memref<40xi32, #tpu.memory_space<vmem>>) semaphore(%arg12 : memref<!tpu.dma_semaphore, #tpu.memory_space<semaphore_mem>>)
    %scan3A_31 = arith.constant 0 : i32
    %scan3A_32 = arith.constant 0 : i32
    %scan3A_33 = arith.constant 62 : i32
    %scan3A_34 = arith.addi %scan3A_32, %scan3A_33 : i32
    %scan3A_35 = arith.constant 1 : i32
    %scan3A_36 = scf.for %scan3A_82 = %scan3A_32 to %scan3A_34 step %scan3A_35 iter_args(%scan3A_83 = %scan3A_31) -> (i32)  : i32 {
      %mul3A_84 = arith.constant 2 : i32
      %mul3A_85 = arith.muli %mul3A_84, %scan3A_82 : i32
      %mul3A_86 = arith.constant 2 : i32
      %mul3A_87 = arith.muli %mul3A_86, %scan3A_82 : i32
      %add3A_88 = arith.constant 1 : i32
      %add3A_89 = arith.addi %mul3A_87, %add3A_88 : i32
      %mul3A_90 = arith.constant 80 : i32
      %mul3A_91 = arith.muli %mul3A_85, %mul3A_90 : i32
      %mul3A_92 = arith.constant 80 : i32
      %mul3A_93 = arith.muli %mul3A_85, %mul3A_92 : i32
      %add3A_94 = arith.constant 40 : i32
      %add3A_95 = arith.addi %mul3A_93, %add3A_94 : i32
      %dma_wait3A_96 = arith.constant 0 : i32
      %dma_wait3A_97 = arith.constant 0 : i32
      %dma_wait3A_98 = tpu.memref_slice %arg8[%dma_wait3A_96, %dma_wait3A_97] : memref<80x128xf32, #tpu.memory_space<vmem>> -> memref<40x128xf32, #tpu.memory_space<vmem>>
      %dma_wait3A_99 = tpu.memref_slice %arg6[%mul3A_91] : memref<10000xi32, #tpu.memory_space<vmem>> -> memref<40xi32, #tpu.memory_space<vmem>>
      %dma_wait3A_100 = arith.constant 0 : i32
      %dma_wait3A_101 = arith.constant 0 : i32
      %dma_wait3A_102 = tpu.memref_slice %arg2[%dma_wait3A_100, %dma_wait3A_101] : memref<10000x128xf32, #tpu.memory_space<hbm>> -> memref<10000x128xf32, #tpu.memory_space<hbm>>
      tpu.wait_indirect_dma semaphore(%arg11 : memref<!tpu.dma_semaphore, #tpu.memory_space<semaphore_mem>>) src(%dma_wait3A_102 : memref<10000x128xf32, #tpu.memory_space<hbm>>) dst(%dma_wait3A_98 : memref<40x128xf32, #tpu.memory_space<vmem>>)
      %dma_wait3A_103 = arith.constant 40 : i32
      %dma_wait3A_104 = arith.constant 0 : i32
      %dma_wait3A_105 = tpu.memref_slice %arg8[%dma_wait3A_103, %dma_wait3A_104] : memref<80x128xf32, #tpu.memory_space<vmem>> -> memref<40x128xf32, #tpu.memory_space<vmem>>
      %dma_wait3A_106 = tpu.memref_slice %arg6[%add3A_95] : memref<10000xi32, #tpu.memory_space<vmem>> -> memref<40xi32, #tpu.memory_space<vmem>>
      %dma_wait3A_107 = arith.constant 0 : i32
      %dma_wait3A_108 = arith.constant 0 : i32
      %dma_wait3A_109 = tpu.memref_slice %arg2[%dma_wait3A_107, %dma_wait3A_108] : memref<10000x128xf32, #tpu.memory_space<hbm>> -> memref<10000x128xf32, #tpu.memory_space<hbm>>
      tpu.wait_indirect_dma semaphore(%arg12 : memref<!tpu.dma_semaphore, #tpu.memory_space<semaphore_mem>>) src(%dma_wait3A_109 : memref<10000x128xf32, #tpu.memory_space<hbm>>) dst(%dma_wait3A_105 : memref<40x128xf32, #tpu.memory_space<vmem>>)
      %dma_start3A_110 = arith.constant 0 : i32
      %dma_start3A_111 = tpu.memref_slice %arg7[%mul3A_85, %dma_start3A_110] : memref<125x80xi32, #tpu.memory_space<vmem>> -> memref<1x80xi32, #tpu.memory_space<vmem>>
      %dma_start3A_112 = tpu.memref_squeeze %dma_start3A_111 : memref<1x80xi32, #tpu.memory_space<vmem>> -> memref<80xi32, #tpu.memory_space<vmem>>
      %dma_start3A_113 = arith.constant 0 : i32
      %dma_start3A_114 = arith.constant 0 : i32
      %dma_start3A_115 = tpu.memref_slice %arg10[%dma_start3A_113, %dma_start3A_114] : memref<10000x128xf32, #tpu.memory_space<vmem_shared>> -> memref<10000x128xf32, #tpu.memory_space<vmem_shared>>
      tpu.enqueue_indirect_dma source(%arg8 : memref<80x128xf32, #tpu.memory_space<vmem>>) target(%dma_start3A_115 : memref<10000x128xf32, #tpu.memory_space<vmem_shared>>) offsets(%dma_start3A_112 : memref<80xi32, #tpu.memory_space<vmem>>) semaphore(%arg15 : memref<!tpu.dma_semaphore, #tpu.memory_space<semaphore_mem>>) {add = true}
      %gt3A = arith.constant 0 : i32
      %gt3A_116 = arith.cmpi sgt, %scan3A_82, %gt3A : i32
      %convert_element_type3A = arith.extui %gt3A_116 : i1 to i32
      %cond3A = arith.constant 0 : i32
      %cond3A_117 = arith.cmpi ne, %convert_element_type3A, %cond3A : i32
      scf.if %cond3A_117 {
        %sub3A = arith.constant 2 : i32
        %sub3A_177 = arith.subi %add3A_89, %sub3A : i32
        %dma_wait3A_178 = arith.constant 0 : i32
        %dma_wait3A_179 = tpu.memref_slice %arg7[%sub3A_177, %dma_wait3A_178] : memref<125x80xi32, #tpu.memory_space<vmem>> -> memref<1x80xi32, #tpu.memory_space<vmem>>
        %dma_wait3A_180 = tpu.memref_squeeze %dma_wait3A_179 : memref<1x80xi32, #tpu.memory_space<vmem>> -> memref<80xi32, #tpu.memory_space<vmem>>
        %dma_wait3A_181 = arith.constant 0 : i32
        %dma_wait3A_182 = arith.constant 0 : i32
        %dma_wait3A_183 = tpu.memref_slice %arg10[%dma_wait3A_181, %dma_wait3A_182] : memref<10000x128xf32, #tpu.memory_space<vmem_shared>> -> memref<10000x128xf32, #tpu.memory_space<vmem_shared>>
        tpu.wait_indirect_dma semaphore(%arg16 : memref<!tpu.dma_semaphore, #tpu.memory_space<semaphore_mem>>) src(%arg9 : memref<80x128xf32, #tpu.memory_space<vmem>>) dst(%dma_wait3A_183 : memref<10000x128xf32, #tpu.memory_space<vmem_shared>>)
      } else {
      }
      %mul3A_118 = arith.constant 80 : i32
      %mul3A_119 = arith.muli %add3A_89, %mul3A_118 : i32
      %mul3A_120 = arith.constant 80 : i32
      %mul3A_121 = arith.muli %add3A_89, %mul3A_120 : i32
      %add3A_122 = arith.constant 40 : i32
      %add3A_123 = arith.addi %mul3A_121, %add3A_122 : i32
      %dma_start3A_124 = arith.constant 0 : i32
      %dma_start3A_125 = arith.constant 0 : i32
      %dma_start3A_126 = tpu.memref_slice %arg9[%dma_start3A_124, %dma_start3A_125] : memref<80x128xf32, #tpu.memory_space<vmem>> -> memref<40x128xf32, #tpu.memory_space<vmem>>
      %dma_start3A_127 = tpu.memref_slice %arg6[%mul3A_119] : memref<10000xi32, #tpu.memory_space<vmem>> -> memref<40xi32, #tpu.memory_space<vmem>>
      %dma_start3A_128 = arith.constant 0 : i32
      %dma_start3A_129 = arith.constant 0 : i32
      %dma_start3A_130 = tpu.memref_slice %arg2[%dma_start3A_128, %dma_start3A_129] : memref<10000x128xf32, #tpu.memory_space<hbm>> -> memref<10000x128xf32, #tpu.memory_space<hbm>>
      tpu.enqueue_indirect_dma source(%dma_start3A_130 : memref<10000x128xf32, #tpu.memory_space<hbm>>) target(%dma_start3A_126 : memref<40x128xf32, #tpu.memory_space<vmem>>) offsets(%dma_start3A_127 : memref<40xi32, #tpu.memory_space<vmem>>) semaphore(%arg13 : memref<!tpu.dma_semaphore, #tpu.memory_space<semaphore_mem>>)
      %dma_start3A_131 = arith.constant 40 : i32
      %dma_start3A_132 = arith.constant 0 : i32
      %dma_start3A_133 = tpu.memref_slice %arg9[%dma_start3A_131, %dma_start3A_132] : memref<80x128xf32, #tpu.memory_space<vmem>> -> memref<40x128xf32, #tpu.memory_space<vmem>>
      %dma_start3A_134 = tpu.memref_slice %arg6[%add3A_123] : memref<10000xi32, #tpu.memory_space<vmem>> -> memref<40xi32, #tpu.memory_space<vmem>>
      %dma_start3A_135 = arith.constant 0 : i32
      %dma_start3A_136 = arith.constant 0 : i32
      %dma_start3A_137 = tpu.memref_slice %arg2[%dma_start3A_135, %dma_start3A_136] : memref<10000x128xf32, #tpu.memory_space<hbm>> -> memref<10000x128xf32, #tpu.memory_space<hbm>>
      tpu.enqueue_indirect_dma source(%dma_start3A_137 : memref<10000x128xf32, #tpu.memory_space<hbm>>) target(%dma_start3A_133 : memref<40x128xf32, #tpu.memory_space<vmem>>) offsets(%dma_start3A_134 : memref<40xi32, #tpu.memory_space<vmem>>) semaphore(%arg14 : memref<!tpu.dma_semaphore, #tpu.memory_space<semaphore_mem>>)
      %mul3A_138 = arith.constant 80 : i32
      %mul3A_139 = arith.muli %add3A_89, %mul3A_138 : i32
      %mul3A_140 = arith.constant 80 : i32
      %mul3A_141 = arith.muli %add3A_89, %mul3A_140 : i32
      %add3A_142 = arith.constant 40 : i32
      %add3A_143 = arith.addi %mul3A_141, %add3A_142 : i32
      %dma_wait3A_144 = arith.constant 0 : i32
      %dma_wait3A_145 = arith.constant 0 : i32
      %dma_wait3A_146 = tpu.memref_slice %arg9[%dma_wait3A_144, %dma_wait3A_145] : memref<80x128xf32, #tpu.memory_space<vmem>> -> memref<40x128xf32, #tpu.memory_space<vmem>>
      %dma_wait3A_147 = tpu.memref_slice %arg6[%mul3A_139] : memref<10000xi32, #tpu.memory_space<vmem>> -> memref<40xi32, #tpu.memory_space<vmem>>
      %dma_wait3A_148 = arith.constant 0 : i32
      %dma_wait3A_149 = arith.constant 0 : i32
      %dma_wait3A_150 = tpu.memref_slice %arg2[%dma_wait3A_148, %dma_wait3A_149] : memref<10000x128xf32, #tpu.memory_space<hbm>> -> memref<10000x128xf32, #tpu.memory_space<hbm>>
      tpu.wait_indirect_dma semaphore(%arg13 : memref<!tpu.dma_semaphore, #tpu.memory_space<semaphore_mem>>) src(%dma_wait3A_150 : memref<10000x128xf32, #tpu.memory_space<hbm>>) dst(%dma_wait3A_146 : memref<40x128xf32, #tpu.memory_space<vmem>>)
      %dma_wait3A_151 = arith.constant 40 : i32
      %dma_wait3A_152 = arith.constant 0 : i32
      %dma_wait3A_153 = tpu.memref_slice %arg9[%dma_wait3A_151, %dma_wait3A_152] : memref<80x128xf32, #tpu.memory_space<vmem>> -> memref<40x128xf32, #tpu.memory_space<vmem>>
      %dma_wait3A_154 = tpu.memref_slice %arg6[%add3A_143] : memref<10000xi32, #tpu.memory_space<vmem>> -> memref<40xi32, #tpu.memory_space<vmem>>
      %dma_wait3A_155 = arith.constant 0 : i32
      %dma_wait3A_156 = arith.constant 0 : i32
      %dma_wait3A_157 = tpu.memref_slice %arg2[%dma_wait3A_155, %dma_wait3A_156] : memref<10000x128xf32, #tpu.memory_space<hbm>> -> memref<10000x128xf32, #tpu.memory_space<hbm>>
      tpu.wait_indirect_dma semaphore(%arg14 : memref<!tpu.dma_semaphore, #tpu.memory_space<semaphore_mem>>) src(%dma_wait3A_157 : memref<10000x128xf32, #tpu.memory_space<hbm>>) dst(%dma_wait3A_153 : memref<40x128xf32, #tpu.memory_space<vmem>>)
      %dma_start3A_158 = arith.constant 0 : i32
      %dma_start3A_159 = tpu.memref_slice %arg7[%add3A_89, %dma_start3A_158] : memref<125x80xi32, #tpu.memory_space<vmem>> -> memref<1x80xi32, #tpu.memory_space<vmem>>
      %dma_start3A_160 = tpu.memref_squeeze %dma_start3A_159 : memref<1x80xi32, #tpu.memory_space<vmem>> -> memref<80xi32, #tpu.memory_space<vmem>>
      %dma_start3A_161 = arith.constant 0 : i32
      %dma_start3A_162 = arith.constant 0 : i32
      %dma_start3A_163 = tpu.memref_slice %arg10[%dma_start3A_161, %dma_start3A_162] : memref<10000x128xf32, #tpu.memory_space<vmem_shared>> -> memref<10000x128xf32, #tpu.memory_space<vmem_shared>>
      tpu.enqueue_indirect_dma source(%arg9 : memref<80x128xf32, #tpu.memory_space<vmem>>) target(%dma_start3A_163 : memref<10000x128xf32, #tpu.memory_space<vmem_shared>>) offsets(%dma_start3A_160 : memref<80xi32, #tpu.memory_space<vmem>>) semaphore(%arg16 : memref<!tpu.dma_semaphore, #tpu.memory_space<semaphore_mem>>) {add = true}
      %dma_wait3A_164 = arith.constant 0 : i32
      %dma_wait3A_165 = tpu.memref_slice %arg7[%mul3A_85, %dma_wait3A_164] : memref<125x80xi32, #tpu.memory_space<vmem>> -> memref<1x80xi32, #tpu.memory_space<vmem>>
      %dma_wait3A_166 = tpu.memref_squeeze %dma_wait3A_165 : memref<1x80xi32, #tpu.memory_space<vmem>> -> memref<80xi32, #tpu.memory_space<vmem>>
      %dma_wait3A_167 = arith.constant 0 : i32
      %dma_wait3A_168 = arith.constant 0 : i32
      %dma_wait3A_169 = tpu.memref_slice %arg10[%dma_wait3A_167, %dma_wait3A_168] : memref<10000x128xf32, #tpu.memory_space<vmem_shared>> -> memref<10000x128xf32, #tpu.memory_space<vmem_shared>>
      tpu.wait_indirect_dma semaphore(%arg15 : memref<!tpu.dma_semaphore, #tpu.memory_space<semaphore_mem>>) src(%arg8 : memref<80x128xf32, #tpu.memory_space<vmem>>) dst(%dma_wait3A_169 : memref<10000x128xf32, #tpu.memory_space<vmem_shared>>)
      %add3A_170 = arith.constant 2 : i32
      %add3A_171 = arith.addi %mul3A_85, %add3A_170 : i32
      %lt3A = arith.constant 125 : i32
      %lt3A_172 = arith.cmpi slt, %add3A_171, %lt3A : i32
      %convert_element_type3A_173 = arith.extui %lt3A_172 : i1 to i32
      %cond3A_174 = arith.constant 0 : i32
      %cond3A_175 = arith.cmpi ne, %convert_element_type3A_173, %cond3A_174 : i32
      scf.if %cond3A_175 {
        %add3A_177 = arith.constant 2 : i32
        %add3A_178 = arith.addi %mul3A_85, %add3A_177 : i32
        %mul3A_179 = arith.constant 80 : i32
        %mul3A_180 = arith.muli %add3A_178, %mul3A_179 : i32
        %mul3A_181 = arith.constant 80 : i32
        %mul3A_182 = arith.muli %add3A_178, %mul3A_181 : i32
        %add3A_183 = arith.constant 40 : i32
        %add3A_184 = arith.addi %mul3A_182, %add3A_183 : i32
        %dma_start3A_185 = arith.constant 0 : i32
        %dma_start3A_186 = arith.constant 0 : i32
        %dma_start3A_187 = tpu.memref_slice %arg8[%dma_start3A_185, %dma_start3A_186] : memref<80x128xf32, #tpu.memory_space<vmem>> -> memref<40x128xf32, #tpu.memory_space<vmem>>
        %dma_start3A_188 = tpu.memref_slice %arg6[%mul3A_180] : memref<10000xi32, #tpu.memory_space<vmem>> -> memref<40xi32, #tpu.memory_space<vmem>>
        %dma_start3A_189 = arith.constant 0 : i32
        %dma_start3A_190 = arith.constant 0 : i32
        %dma_start3A_191 = tpu.memref_slice %arg2[%dma_start3A_189, %dma_start3A_190] : memref<10000x128xf32, #tpu.memory_space<hbm>> -> memref<10000x128xf32, #tpu.memory_space<hbm>>
        tpu.enqueue_indirect_dma source(%dma_start3A_191 : memref<10000x128xf32, #tpu.memory_space<hbm>>) target(%dma_start3A_187 : memref<40x128xf32, #tpu.memory_space<vmem>>) offsets(%dma_start3A_188 : memref<40xi32, #tpu.memory_space<vmem>>) semaphore(%arg11 : memref<!tpu.dma_semaphore, #tpu.memory_space<semaphore_mem>>)
        %dma_start3A_192 = arith.constant 40 : i32
        %dma_start3A_193 = arith.constant 0 : i32
        %dma_start3A_194 = tpu.memref_slice %arg8[%dma_start3A_192, %dma_start3A_193] : memref<80x128xf32, #tpu.memory_space<vmem>> -> memref<40x128xf32, #tpu.memory_space<vmem>>
        %dma_start3A_195 = tpu.memref_slice %arg6[%add3A_184] : memref<10000xi32, #tpu.memory_space<vmem>> -> memref<40xi32, #tpu.memory_space<vmem>>
        %dma_start3A_196 = arith.constant 0 : i32
        %dma_start3A_197 = arith.constant 0 : i32
        %dma_start3A_198 = tpu.memref_slice %arg2[%dma_start3A_196, %dma_start3A_197] : memref<10000x128xf32, #tpu.memory_space<hbm>> -> memref<10000x128xf32, #tpu.memory_space<hbm>>
        tpu.enqueue_indirect_dma source(%dma_start3A_198 : memref<10000x128xf32, #tpu.memory_space<hbm>>) target(%dma_start3A_194 : memref<40x128xf32, #tpu.memory_space<vmem>>) offsets(%dma_start3A_195 : memref<40xi32, #tpu.memory_space<vmem>>) semaphore(%arg12 : memref<!tpu.dma_semaphore, #tpu.memory_space<semaphore_mem>>)
      } else {
      }
      %scan3A_176 = arith.constant 0 : i32
      scf.yield %scan3A_176 : i32
    }
    %scan3A_37 = arith.constant 62 : i32
    %dma_wait3A = arith.constant 0 : i32
    %dma_wait3A_38 = arith.constant 0 : i32
    %dma_wait3A_39 = tpu.memref_slice %arg8[%dma_wait3A, %dma_wait3A_38] : memref<80x128xf32, #tpu.memory_space<vmem>> -> memref<40x128xf32, #tpu.memory_space<vmem>>
    %dma_wait3A_40 = arith.constant 9920 : i32
    %dma_wait3A_41 = tpu.memref_slice %arg6[%dma_wait3A_40] : memref<10000xi32, #tpu.memory_space<vmem>> -> memref<40xi32, #tpu.memory_space<vmem>>
    %dma_wait3A_42 = arith.constant 0 : i32
    %dma_wait3A_43 = arith.constant 0 : i32
    %dma_wait3A_44 = tpu.memref_slice %arg2[%dma_wait3A_42, %dma_wait3A_43] : memref<10000x128xf32, #tpu.memory_space<hbm>> -> memref<10000x128xf32, #tpu.memory_space<hbm>>
    tpu.wait_indirect_dma semaphore(%arg11 : memref<!tpu.dma_semaphore, #tpu.memory_space<semaphore_mem>>) src(%dma_wait3A_44 : memref<10000x128xf32, #tpu.memory_space<hbm>>) dst(%dma_wait3A_39 : memref<40x128xf32, #tpu.memory_space<vmem>>)
    %dma_wait3A_45 = arith.constant 40 : i32
    %dma_wait3A_46 = arith.constant 0 : i32
    %dma_wait3A_47 = tpu.memref_slice %arg8[%dma_wait3A_45, %dma_wait3A_46] : memref<80x128xf32, #tpu.memory_space<vmem>> -> memref<40x128xf32, #tpu.memory_space<vmem>>
    %dma_wait3A_48 = arith.constant 9960 : i32
    %dma_wait3A_49 = tpu.memref_slice %arg6[%dma_wait3A_48] : memref<10000xi32, #tpu.memory_space<vmem>> -> memref<40xi32, #tpu.memory_space<vmem>>
    %dma_wait3A_50 = arith.constant 0 : i32
    %dma_wait3A_51 = arith.constant 0 : i32
    %dma_wait3A_52 = tpu.memref_slice %arg2[%dma_wait3A_50, %dma_wait3A_51] : memref<10000x128xf32, #tpu.memory_space<hbm>> -> memref<10000x128xf32, #tpu.memory_space<hbm>>
    tpu.wait_indirect_dma semaphore(%arg12 : memref<!tpu.dma_semaphore, #tpu.memory_space<semaphore_mem>>) src(%dma_wait3A_52 : memref<10000x128xf32, #tpu.memory_space<hbm>>) dst(%dma_wait3A_47 : memref<40x128xf32, #tpu.memory_space<vmem>>)
    %dma_start3A_53 = arith.constant 124 : i32
    %dma_start3A_54 = arith.constant 0 : i32
    %dma_start3A_55 = tpu.memref_slice %arg7[%dma_start3A_53, %dma_start3A_54] : memref<125x80xi32, #tpu.memory_space<vmem>> -> memref<1x80xi32, #tpu.memory_space<vmem>>
    %dma_start3A_56 = tpu.memref_squeeze %dma_start3A_55 : memref<1x80xi32, #tpu.memory_space<vmem>> -> memref<80xi32, #tpu.memory_space<vmem>>
    %dma_start3A_57 = arith.constant 0 : i32
    %dma_start3A_58 = arith.constant 0 : i32
    %dma_start3A_59 = tpu.memref_slice %arg10[%dma_start3A_57, %dma_start3A_58] : memref<10000x128xf32, #tpu.memory_space<vmem_shared>> -> memref<10000x128xf32, #tpu.memory_space<vmem_shared>>
    tpu.enqueue_indirect_dma source(%arg8 : memref<80x128xf32, #tpu.memory_space<vmem>>) target(%dma_start3A_59 : memref<10000x128xf32, #tpu.memory_space<vmem_shared>>) offsets(%dma_start3A_56 : memref<80xi32, #tpu.memory_space<vmem>>) semaphore(%arg15 : memref<!tpu.dma_semaphore, #tpu.memory_space<semaphore_mem>>) {add = true}
    %dma_wait3A_60 = arith.constant 124 : i32
    %dma_wait3A_61 = arith.constant 0 : i32
    %dma_wait3A_62 = tpu.memref_slice %arg7[%dma_wait3A_60, %dma_wait3A_61] : memref<125x80xi32, #tpu.memory_space<vmem>> -> memref<1x80xi32, #tpu.memory_space<vmem>>
    %dma_wait3A_63 = tpu.memref_squeeze %dma_wait3A_62 : memref<1x80xi32, #tpu.memory_space<vmem>> -> memref<80xi32, #tpu.memory_space<vmem>>
    %dma_wait3A_64 = arith.constant 0 : i32
    %dma_wait3A_65 = arith.constant 0 : i32
    %dma_wait3A_66 = tpu.memref_slice %arg10[%dma_wait3A_64, %dma_wait3A_65] : memref<10000x128xf32, #tpu.memory_space<vmem_shared>> -> memref<10000x128xf32, #tpu.memory_space<vmem_shared>>
    tpu.wait_indirect_dma semaphore(%arg15 : memref<!tpu.dma_semaphore, #tpu.memory_space<semaphore_mem>>) src(%arg8 : memref<80x128xf32, #tpu.memory_space<vmem>>) dst(%dma_wait3A_66 : memref<10000x128xf32, #tpu.memory_space<vmem_shared>>)
    %dma_wait3A_67 = arith.constant 123 : i32
    %dma_wait3A_68 = arith.constant 0 : i32
    %dma_wait3A_69 = tpu.memref_slice %arg7[%dma_wait3A_67, %dma_wait3A_68] : memref<125x80xi32, #tpu.memory_space<vmem>> -> memref<1x80xi32, #tpu.memory_space<vmem>>
    %dma_wait3A_70 = tpu.memref_squeeze %dma_wait3A_69 : memref<1x80xi32, #tpu.memory_space<vmem>> -> memref<80xi32, #tpu.memory_space<vmem>>
    %dma_wait3A_71 = arith.constant 0 : i32
    %dma_wait3A_72 = arith.constant 0 : i32
    %dma_wait3A_73 = tpu.memref_slice %arg10[%dma_wait3A_71, %dma_wait3A_72] : memref<10000x128xf32, #tpu.memory_space<vmem_shared>> -> memref<10000x128xf32, #tpu.memory_space<vmem_shared>>
    tpu.wait_indirect_dma semaphore(%arg16 : memref<!tpu.dma_semaphore, #tpu.memory_space<semaphore_mem>>) src(%arg9 : memref<80x128xf32, #tpu.memory_space<vmem>>) dst(%dma_wait3A_73 : memref<10000x128xf32, #tpu.memory_space<vmem_shared>>)
    %barrier3A_74 = arith.constant 0 : index
    tpu.barrier barrier_id(%barrier3A_74)
    %scan3A_75 = arith.constant 0 : i32
    %scan3A_76 = arith.constant 0 : i32
    %scan3A_77 = arith.constant 8 : i32
    %scan3A_78 = arith.addi %scan3A_76, %scan3A_77 : i32
    %scan3A_79 = arith.constant 1 : i32
    %scan3A_80 = scf.for %scan3A_82 = %scan3A_76 to %scan3A_78 step %scan3A_79 iter_args(%scan3A_83 = %scan3A_75) -> (i32)  : i32 {
      %mul3A_84 = arith.constant 16 : i32
      %mul3A_85 = arith.muli %scan3A_82, %mul3A_84 : i32
      %add3A_86 = arith.addi %arg1, %mul3A_85 : i32
      %lt3A = arith.constant 125 : i32
      %lt3A_87 = arith.cmpi slt, %add3A_86, %lt3A : i32
      %convert_element_type3A = arith.extui %lt3A_87 : i1 to i32
      %cond3A = arith.constant 0 : i32
      %cond3A_88 = arith.cmpi ne, %convert_element_type3A, %cond3A : i32
      scf.if %cond3A_88 {
        %mul3A_90 = arith.constant 80 : i32
        %mul3A_91 = arith.muli %add3A_86, %mul3A_90 : i32
        "tpu.region"() ({
          %run_scoped3A = tpu.sem_alloc : memref<!tpu.dma_semaphore, #tpu.memory_space<semaphore_mem>>
          %dma_start3A_92 = arith.constant 0 : i32
          %dma_start3A_93 = arith.constant 0 : i32
          %dma_start3A_94 = tpu.memref_slice %arg8[%dma_start3A_92, %dma_start3A_93] : memref<80x128xf32, #tpu.memory_space<vmem>> -> memref<80x128xf32, #tpu.memory_space<vmem>>
          %dma_start3A_95 = arith.constant 0 : i32
          %dma_start3A_96 = tpu.memref_slice %arg10[%mul3A_91, %dma_start3A_95] : memref<10000x128xf32, #tpu.memory_space<vmem_shared>> -> memref<80x128xf32, #tpu.memory_space<vmem_shared>>
          %dma_start3A_97 = arith.constant 0 : i32
          %dma_start3A_98 = arith.constant 0 : i32
          %dma_start3A_99 = tpu.memref_slice %arg8[%dma_start3A_97, %dma_start3A_98] : memref<80x128xf32, #tpu.memory_space<vmem>> -> memref<80x128xf32, #tpu.memory_space<vmem>>
          %dma_start3A_100 = arith.constant 0 : i32
          %dma_start3A_101 = tpu.memref_slice %arg10[%mul3A_91, %dma_start3A_100] : memref<10000x128xf32, #tpu.memory_space<vmem_shared>> -> memref<80x128xf32, #tpu.memory_space<vmem_shared>>
          tpu.enqueue_dma source(%dma_start3A_101 : memref<80x128xf32, #tpu.memory_space<vmem_shared>>) target(%dma_start3A_99 : memref<80x128xf32, #tpu.memory_space<vmem>>) target_semaphore(%run_scoped3A : memref<!tpu.dma_semaphore, #tpu.memory_space<semaphore_mem>>)
          %dma_wait3A_102 = arith.constant 0 : i32
          %dma_wait3A_103 = arith.constant 0 : i32
          %dma_wait3A_104 = tpu.memref_slice %arg8[%dma_wait3A_102, %dma_wait3A_103] : memref<80x128xf32, #tpu.memory_space<vmem>> -> memref<80x128xf32, #tpu.memory_space<vmem>>
          %dma_wait3A_105 = arith.constant 0 : i32
          %dma_wait3A_106 = tpu.memref_slice %arg10[%mul3A_91, %dma_wait3A_105] : memref<10000x128xf32, #tpu.memory_space<vmem_shared>> -> memref<80x128xf32, #tpu.memory_space<vmem_shared>>
          %dma_wait3A_107 = arith.constant 0 : i32
          %dma_wait3A_108 = arith.constant 0 : i32
          %dma_wait3A_109 = tpu.memref_slice %arg8[%dma_wait3A_107, %dma_wait3A_108] : memref<80x128xf32, #tpu.memory_space<vmem>> -> memref<80x128xf32, #tpu.memory_space<vmem>>
          %dma_wait3A_110 = arith.constant 0 : i32
          %dma_wait3A_111 = tpu.memref_slice %arg10[%mul3A_91, %dma_wait3A_110] : memref<10000x128xf32, #tpu.memory_space<vmem_shared>> -> memref<80x128xf32, #tpu.memory_space<vmem_shared>>
          tpu.wait_dma2 semaphore(%run_scoped3A : memref<!tpu.dma_semaphore, #tpu.memory_space<semaphore_mem>>) src(%dma_wait3A_111 : memref<80x128xf32, #tpu.memory_space<vmem_shared>>) dst(%dma_wait3A_109 : memref<80x128xf32, #tpu.memory_space<vmem>>)
          tpu.yield
        }) : () -> ()
        "tpu.region"() ({
          %run_scoped3A = tpu.sem_alloc : memref<!tpu.dma_semaphore, #tpu.memory_space<semaphore_mem>>
          %dma_start3A_92 = arith.constant 0 : i32
          %dma_start3A_93 = arith.constant 0 : i32
          %dma_start3A_94 = tpu.memref_slice %arg8[%dma_start3A_92, %dma_start3A_93] : memref<80x128xf32, #tpu.memory_space<vmem>> -> memref<80x128xf32, #tpu.memory_space<vmem>>
          %dma_start3A_95 = arith.constant 0 : i32
          %dma_start3A_96 = tpu.memref_slice %arg5[%arg0, %mul3A_91, %dma_start3A_95] : memref<2x10000x128xf32, #tpu.memory_space<hbm>> -> memref<1x80x128xf32, #tpu.memory_space<hbm>>
          %dma_start3A_97 = tpu.memref_squeeze %dma_start3A_96 : memref<1x80x128xf32, #tpu.memory_space<hbm>> -> memref<80x128xf32, #tpu.memory_space<hbm>>
          %dma_start3A_98 = arith.constant 0 : i32
          %dma_start3A_99 = tpu.memref_slice %arg5[%arg0, %mul3A_91, %dma_start3A_98] : memref<2x10000x128xf32, #tpu.memory_space<hbm>> -> memref<1x80x128xf32, #tpu.memory_space<hbm>>
          %dma_start3A_100 = tpu.memref_squeeze %dma_start3A_99 : memref<1x80x128xf32, #tpu.memory_space<hbm>> -> memref<80x128xf32, #tpu.memory_space<hbm>>
          %dma_start3A_101 = arith.constant 0 : i32
          %dma_start3A_102 = arith.constant 0 : i32
          %dma_start3A_103 = tpu.memref_slice %arg8[%dma_start3A_101, %dma_start3A_102] : memref<80x128xf32, #tpu.memory_space<vmem>> -> memref<80x128xf32, #tpu.memory_space<vmem>>
          tpu.enqueue_dma source(%dma_start3A_103 : memref<80x128xf32, #tpu.memory_space<vmem>>) target(%dma_start3A_100 : memref<80x128xf32, #tpu.memory_space<hbm>>) target_semaphore(%run_scoped3A : memref<!tpu.dma_semaphore, #tpu.memory_space<semaphore_mem>>)
          %dma_wait3A_104 = arith.constant 0 : i32
          %dma_wait3A_105 = arith.constant 0 : i32
          %dma_wait3A_106 = tpu.memref_slice %arg8[%dma_wait3A_104, %dma_wait3A_105] : memref<80x128xf32, #tpu.memory_space<vmem>> -> memref<80x128xf32, #tpu.memory_space<vmem>>
          %dma_wait3A_107 = arith.constant 0 : i32
          %dma_wait3A_108 = tpu.memref_slice %arg5[%arg0, %mul3A_91, %dma_wait3A_107] : memref<2x10000x128xf32, #tpu.memory_space<hbm>> -> memref<1x80x128xf32, #tpu.memory_space<hbm>>
          %dma_wait3A_109 = tpu.memref_squeeze %dma_wait3A_108 : memref<1x80x128xf32, #tpu.memory_space<hbm>> -> memref<80x128xf32, #tpu.memory_space<hbm>>
          %dma_wait3A_110 = arith.constant 0 : i32
          %dma_wait3A_111 = tpu.memref_slice %arg5[%arg0, %mul3A_91, %dma_wait3A_110] : memref<2x10000x128xf32, #tpu.memory_space<hbm>> -> memref<1x80x128xf32, #tpu.memory_space<hbm>>
          %dma_wait3A_112 = tpu.memref_squeeze %dma_wait3A_111 : memref<1x80x128xf32, #tpu.memory_space<hbm>> -> memref<80x128xf32, #tpu.memory_space<hbm>>
          %dma_wait3A_113 = arith.constant 0 : i32
          %dma_wait3A_114 = arith.constant 0 : i32
          %dma_wait3A_115 = tpu.memref_slice %arg8[%dma_wait3A_113, %dma_wait3A_114] : memref<80x128xf32, #tpu.memory_space<vmem>> -> memref<80x128xf32, #tpu.memory_space<vmem>>
          tpu.wait_dma2 semaphore(%run_scoped3A : memref<!tpu.dma_semaphore, #tpu.memory_space<semaphore_mem>>) src(%dma_wait3A_115 : memref<80x128xf32, #tpu.memory_space<vmem>>) dst(%dma_wait3A_112 : memref<80x128xf32, #tpu.memory_space<hbm>>)
          tpu.yield
        }) : () -> ()
      } else {
      }
      %scan3A_89 = arith.constant 0 : i32
      scf.yield %scan3A_89 : i32
    }
    %scan3A_81 = arith.constant 8 : i32
    return
  }
}

module attributes {stable_mosaic.version = 14 : i64} {
  func.func @_dense1_body(%arg0: i32, %arg1: memref<1x32x2048xf32, #tpu.memory_space<vmem>>, %arg2: memref<2048x128xf32, #tpu.memory_space<vmem>>, %arg3: memref<2048x128xf32, #tpu.memory_space<vmem>>) attributes {dimension_semantics = [#tpu.dimension_semantics<arbitrary>], iteration_bounds = array<i64: 5>, scalar_prefetch = 0 : i64, scratch_operands = 0 : i64, tpu.core_type = #tpu.core_type<tc>, window_params = [{transform_indices = @transform_0, window_bounds = array<i64: 1, 32, 2048>}, {transform_indices = @transform_1, window_bounds = array<i64: 2048, 128>}, {transform_indices = @transform_2, window_bounds = array<i64: 2048, 128>}]} {
    %get3A = arith.constant 0 : index
    %get3A_0 = arith.constant 0 : index
    %get3A_1 = arith.constant 0 : index
    %get3A_2 = vector.load %arg1[%get3A, %get3A_0, %get3A_1] : memref<1x32x2048xf32, #tpu.memory_space<vmem>>, vector<1x32x2048xf32>
    %get3A_3 = vector.shape_cast %get3A_2 : vector<1x32x2048xf32> to vector<32x2048xf32>
    %reduce_sum3A = arith.constant dense<0.000000e+00> : vector<2048xf32>
    %reduce_sum3A_4 = vector.multi_reduction <add>, %get3A_3, %reduce_sum3A [0] : vector<32x2048xf32> to vector<2048xf32>
    %get3A_5 = arith.constant 0 : index
    %get3A_6 = arith.constant 0 : index
    %get3A_7 = vector.load %arg2[%get3A_5, %get3A_6] : memref<2048x128xf32, #tpu.memory_space<vmem>>, vector<2048x128xf32>
    %gt3A = arith.constant 0.000000e+00 : f32
    %gt3A_8 = vector.broadcast %gt3A : f32 to vector<2048xf32>
    %gt3A_9 = arith.cmpf ogt, %reduce_sum3A_4, %gt3A_8 : vector<2048xf32>
    %rsqrt3A = math.rsqrt %reduce_sum3A_4 : vector<2048xf32>
    %jit3A = arith.constant 0.000000e+00 : f32
    %broadcast_in_dim3A = vector.broadcast %jit3A : f32 to vector<2048xf32>
    %select_n3A = arith.select %gt3A_9, %rsqrt3A, %broadcast_in_dim3A : vector<2048xi1>, vector<2048xf32>
    %broadcast_in_dim3A_10 = vector.shape_cast %select_n3A : vector<2048xf32> to vector<2048x1xf32>
    %mul3A = vector.broadcast %broadcast_in_dim3A_10 : vector<2048x1xf32> to vector<2048x128xf32>
    %mul3A_11 = arith.mulf %get3A_7, %mul3A : vector<2048x128xf32>
    %swap3A = arith.constant 0 : index
    %swap3A_12 = arith.constant 0 : index
    %swap3A_13 = vector.load %arg3[%swap3A, %swap3A_12] : memref<2048x128xf32, #tpu.memory_space<vmem>>, vector<2048x128xf32>
    tpu.vector_store %arg3[%swap3A, %swap3A_12], %mul3A_11 {strides = array<i32>} : memref<2048x128xf32, #tpu.memory_space<vmem>>, vector<2048x128xf32>,
    return
  }
  func.func @transform_0(%arg0: i32) -> (i32, i32, i32) {
    %c0_i32 = arith.constant 0 : i32
    %c0_i32_0 = arith.constant 0 : i32
    %c0_i32_1 = arith.constant 0 : i32
    return %arg0, %c0_i32, %c0_i32_0 : i32, i32, i32
  }
  func.func @transform_1(%arg0: i32) -> (i32, i32) {
    %c0_i32 = arith.constant 0 : i32
    %c0_i32_0 = arith.constant 0 : i32
    return %arg0, %c0_i32 : i32, i32
  }
  func.func @transform_2(%arg0: i32) -> (i32, i32) {
    %c0_i32 = arith.constant 0 : i32
    %c0_i32_0 = arith.constant 0 : i32
    return %arg0, %c0_i32 : i32, i32
  }
}

module attributes {stable_mosaic.version = 14 : i64} {
  func.func @_dense2_body(%arg0: i32, %arg1: memref<2x2048x128xf32, #tpu.memory_space<vmem>>, %arg2: memref<1x32x2048xf32, #tpu.memory_space<vmem>>, %arg3: memref<1x32x2048xf32, #tpu.memory_space<vmem>>, %arg4: memref<128x128xf32, #tpu.memory_space<vmem>>, %arg5: memref<1x128xf32, #tpu.memory_space<vmem>>, %arg6: memref<2048x128xf32, #tpu.memory_space<vmem>>) attributes {dimension_semantics = [#tpu.dimension_semantics<arbitrary>], iteration_bounds = array<i64: 5>, scalar_prefetch = 0 : i64, scratch_operands = 0 : i64, tpu.core_type = #tpu.core_type<tc>, window_params = [{transform_indices = @transform_0, window_bounds = array<i64: 2, 2048, 128>}, {transform_indices = @transform_1, window_bounds = array<i64: 1, 32, 2048>}, {transform_indices = @transform_2, window_bounds = array<i64: 1, 32, 2048>}, {pipeline_mode = #tpu.pipeline_mode<synchronous>, transform_indices = @transform_3, window_bounds = array<i64: 128, 128>}, {pipeline_mode = #tpu.pipeline_mode<synchronous>, transform_indices = @transform_4, window_bounds = array<i64: 1, 128>}, {transform_indices = @transform_5, window_bounds = array<i64: 2048, 128>}]} {
    %get3A = arith.constant 0 : index
    %get3A_0 = arith.constant 0 : index
    %get3A_1 = arith.constant 0 : index
    %get3A_2 = vector.load %arg1[%get3A, %get3A_0, %get3A_1] : memref<2x2048x128xf32, #tpu.memory_space<vmem>>, vector<1x2048x128xf32>
    %get3A_3 = vector.shape_cast %get3A_2 : vector<1x2048x128xf32> to vector<2048x128xf32>
    %get3A_4 = arith.constant 1 : index
    %get3A_5 = arith.constant 0 : index
    %get3A_6 = arith.constant 0 : index
    %get3A_7 = vector.load %arg1[%get3A_4, %get3A_5, %get3A_6] : memref<2x2048x128xf32, #tpu.memory_space<vmem>>, vector<1x2048x128xf32>
    %get3A_8 = vector.shape_cast %get3A_7 : vector<1x2048x128xf32> to vector<2048x128xf32>
    %add3A = arith.addf %get3A_3, %get3A_8 : vector<2048x128xf32>
    %get3A_9 = arith.constant 0 : index
    %get3A_10 = arith.constant 0 : index
    %get3A_11 = arith.constant 0 : index
    %get3A_12 = vector.load %arg2[%get3A_9, %get3A_10, %get3A_11] : memref<1x32x2048xf32, #tpu.memory_space<vmem>>, vector<1x32x2048xf32>
    %get3A_13 = vector.shape_cast %get3A_12 : vector<1x32x2048xf32> to vector<32x2048xf32>
    %reduce_sum3A = arith.constant dense<0.000000e+00> : vector<2048xf32>
    %reduce_sum3A_14 = vector.multi_reduction <add>, %get3A_13, %reduce_sum3A [0] : vector<32x2048xf32> to vector<2048xf32>
    %gt3A = arith.constant 0.000000e+00 : f32
    %gt3A_15 = vector.broadcast %gt3A : f32 to vector<2048xf32>
    %gt3A_16 = arith.cmpf ogt, %reduce_sum3A_14, %gt3A_15 : vector<2048xf32>
    %rsqrt3A = math.rsqrt %reduce_sum3A_14 : vector<2048xf32>
    %jit3A = arith.constant 0.000000e+00 : f32
    %broadcast_in_dim3A = vector.broadcast %jit3A : f32 to vector<2048xf32>
    %select_n3A = arith.select %gt3A_16, %rsqrt3A, %broadcast_in_dim3A : vector<2048xi1>, vector<2048xf32>
    %broadcast_in_dim3A_17 = vector.shape_cast %select_n3A : vector<2048xf32> to vector<2048x1xf32>
    %mul3A = vector.broadcast %broadcast_in_dim3A_17 : vector<2048x1xf32> to vector<2048x128xf32>
    %mul3A_18 = arith.mulf %add3A, %mul3A : vector<2048x128xf32>
    %get3A_19 = arith.constant 0 : index
    %get3A_20 = arith.constant 0 : index
    %get3A_21 = vector.load %arg4[%get3A_19, %get3A_20] : memref<128x128xf32, #tpu.memory_space<vmem>>, vector<128x128xf32>
    %dot_general3A = arith.constant dense<0.000000e+00> : vector<2048x128xf32>
    %dot_general3A_22 = tpu.matmul %mul3A_18, %get3A_21, %dot_general3A {dimension_numbers = #tpu.dot_dimension_numbers<[1], [0], [0], [1], [0, 0, 1, 1], [], []>, transpose_lhs_hint = false} : vector<2048x128xf32>, vector<128x128xf32>, vector<2048x128xf32> -> vector<2048x128xf32>
    %get3A_23 = arith.constant 0 : index
    %get3A_24 = arith.constant 0 : index
    %get3A_25 = vector.load %arg5[%get3A_23, %get3A_24] : memref<1x128xf32, #tpu.memory_space<vmem>>, vector<1x128xf32>
    %add3A_26 = vector.broadcast %get3A_25 : vector<1x128xf32> to vector<2048x128xf32>
    %add3A_27 = arith.addf %dot_general3A_22, %add3A_26 : vector<2048x128xf32>
    %max3A = arith.constant 0.000000e+00 : f32
    %max3A_28 = vector.broadcast %max3A : f32 to vector<2048x128xf32>
    %max3A_29 = arith.maximumf %add3A_27, %max3A_28 : vector<2048x128xf32>
    %get3A_30 = arith.constant 0 : index
    %get3A_31 = arith.constant 0 : index
    %get3A_32 = arith.constant 0 : index
    %get3A_33 = vector.load %arg3[%get3A_30, %get3A_31, %get3A_32] : memref<1x32x2048xf32, #tpu.memory_space<vmem>>, vector<1x32x2048xf32>
    %get3A_34 = vector.shape_cast %get3A_33 : vector<1x32x2048xf32> to vector<32x2048xf32>
    %reduce_sum3A_35 = arith.constant dense<0.000000e+00> : vector<2048xf32>
    %reduce_sum3A_36 = vector.multi_reduction <add>, %get3A_34, %reduce_sum3A_35 [0] : vector<32x2048xf32> to vector<2048xf32>
    %gt3A_37 = arith.constant 0.000000e+00 : f32
    %gt3A_38 = vector.broadcast %gt3A_37 : f32 to vector<2048xf32>
    %gt3A_39 = arith.cmpf ogt, %reduce_sum3A_36, %gt3A_38 : vector<2048xf32>
    %rsqrt3A_40 = math.rsqrt %reduce_sum3A_36 : vector<2048xf32>
    %jit3A_41 = arith.constant 0.000000e+00 : f32
    %broadcast_in_dim3A_42 = vector.broadcast %jit3A_41 : f32 to vector<2048xf32>
    %select_n3A_43 = arith.select %gt3A_39, %rsqrt3A_40, %broadcast_in_dim3A_42 : vector<2048xi1>, vector<2048xf32>
    %broadcast_in_dim3A_44 = vector.shape_cast %select_n3A_43 : vector<2048xf32> to vector<2048x1xf32>
    %mul3A_45 = vector.broadcast %broadcast_in_dim3A_44 : vector<2048x1xf32> to vector<2048x128xf32>
    %mul3A_46 = arith.mulf %max3A_29, %mul3A_45 : vector<2048x128xf32>
    %swap3A = arith.constant 0 : index
    %swap3A_47 = arith.constant 0 : index
    %swap3A_48 = vector.load %arg6[%swap3A, %swap3A_47] : memref<2048x128xf32, #tpu.memory_space<vmem>>, vector<2048x128xf32>
    tpu.vector_store %arg6[%swap3A, %swap3A_47], %mul3A_46 {strides = array<i32>} : memref<2048x128xf32, #tpu.memory_space<vmem>>, vector<2048x128xf32>,
    return
  }
  func.func @transform_0(%arg0: i32) -> (i32, i32, i32) {
    %c0_i32 = arith.constant 0 : i32
    %c0_i32_0 = arith.constant 0 : i32
    %c0_i32_1 = arith.constant 0 : i32
    return %c0_i32, %arg0, %c0_i32_0 : i32, i32, i32
  }
  func.func @transform_1(%arg0: i32) -> (i32, i32, i32) {
    %c0_i32 = arith.constant 0 : i32
    %c0_i32_0 = arith.constant 0 : i32
    %c0_i32_1 = arith.constant 0 : i32
    return %arg0, %c0_i32, %c0_i32_0 : i32, i32, i32
  }
  func.func @transform_2(%arg0: i32) -> (i32, i32, i32) {
    %c0_i32 = arith.constant 0 : i32
    %c0_i32_0 = arith.constant 0 : i32
    %c0_i32_1 = arith.constant 0 : i32
    return %arg0, %c0_i32, %c0_i32_0 : i32, i32, i32
  }
  func.func @transform_3(%arg0: i32) -> (i32, i32) {
    %c0_i32 = arith.constant 0 : i32
    %c0_i32_0 = arith.constant 0 : i32
    %c0_i32_1 = arith.constant 0 : i32
    return %c0_i32, %c0_i32_0 : i32, i32
  }
  func.func @transform_4(%arg0: i32) -> (i32, i32) {
    %c0_i32 = arith.constant 0 : i32
    %c0_i32_0 = arith.constant 0 : i32
    %c0_i32_1 = arith.constant 0 : i32
    return %c0_i32, %c0_i32_0 : i32, i32
  }
  func.func @transform_5(%arg0: i32) -> (i32, i32) {
    %c0_i32 = arith.constant 0 : i32
    %c0_i32_0 = arith.constant 0 : i32
    return %arg0, %c0_i32 : i32, i32
  }
}

module attributes {stable_mosaic.version = 14 : i64} {
  func.func @_dense3_body(%arg0: i32, %arg1: memref<2x2048x128xf32, #tpu.memory_space<vmem>>, %arg2: memref<1x32x2048xf32, #tpu.memory_space<vmem>>, %arg3: memref<128x128xf32, #tpu.memory_space<vmem>>, %arg4: memref<1x128xf32, #tpu.memory_space<vmem>>, %arg5: memref<2048x128xf32, #tpu.memory_space<vmem>>) attributes {dimension_semantics = [#tpu.dimension_semantics<arbitrary>], iteration_bounds = array<i64: 5>, scalar_prefetch = 0 : i64, scratch_operands = 0 : i64, tpu.core_type = #tpu.core_type<tc>, window_params = [{transform_indices = @transform_0, window_bounds = array<i64: 2, 2048, 128>}, {transform_indices = @transform_1, window_bounds = array<i64: 1, 32, 2048>}, {pipeline_mode = #tpu.pipeline_mode<synchronous>, transform_indices = @transform_2, window_bounds = array<i64: 128, 128>}, {pipeline_mode = #tpu.pipeline_mode<synchronous>, transform_indices = @transform_3, window_bounds = array<i64: 1, 128>}, {transform_indices = @transform_4, window_bounds = array<i64: 2048, 128>}]} {
    %get3A = arith.constant 0 : index
    %get3A_0 = arith.constant 0 : index
    %get3A_1 = arith.constant 0 : index
    %get3A_2 = vector.load %arg1[%get3A, %get3A_0, %get3A_1] : memref<2x2048x128xf32, #tpu.memory_space<vmem>>, vector<1x2048x128xf32>
    %get3A_3 = vector.shape_cast %get3A_2 : vector<1x2048x128xf32> to vector<2048x128xf32>
    %get3A_4 = arith.constant 1 : index
    %get3A_5 = arith.constant 0 : index
    %get3A_6 = arith.constant 0 : index
    %get3A_7 = vector.load %arg1[%get3A_4, %get3A_5, %get3A_6] : memref<2x2048x128xf32, #tpu.memory_space<vmem>>, vector<1x2048x128xf32>
    %get3A_8 = vector.shape_cast %get3A_7 : vector<1x2048x128xf32> to vector<2048x128xf32>
    %add3A = arith.addf %get3A_3, %get3A_8 : vector<2048x128xf32>
    %get3A_9 = arith.constant 0 : index
    %get3A_10 = arith.constant 0 : index
    %get3A_11 = arith.constant 0 : index
    %get3A_12 = vector.load %arg2[%get3A_9, %get3A_10, %get3A_11] : memref<1x32x2048xf32, #tpu.memory_space<vmem>>, vector<1x32x2048xf32>
    %get3A_13 = vector.shape_cast %get3A_12 : vector<1x32x2048xf32> to vector<32x2048xf32>
    %reduce_sum3A = arith.constant dense<0.000000e+00> : vector<2048xf32>
    %reduce_sum3A_14 = vector.multi_reduction <add>, %get3A_13, %reduce_sum3A [0] : vector<32x2048xf32> to vector<2048xf32>
    %gt3A = arith.constant 0.000000e+00 : f32
    %gt3A_15 = vector.broadcast %gt3A : f32 to vector<2048xf32>
    %gt3A_16 = arith.cmpf ogt, %reduce_sum3A_14, %gt3A_15 : vector<2048xf32>
    %rsqrt3A = math.rsqrt %reduce_sum3A_14 : vector<2048xf32>
    %jit3A = arith.constant 0.000000e+00 : f32
    %broadcast_in_dim3A = vector.broadcast %jit3A : f32 to vector<2048xf32>
    %select_n3A = arith.select %gt3A_16, %rsqrt3A, %broadcast_in_dim3A : vector<2048xi1>, vector<2048xf32>
    %broadcast_in_dim3A_17 = vector.shape_cast %select_n3A : vector<2048xf32> to vector<2048x1xf32>
    %mul3A = vector.broadcast %broadcast_in_dim3A_17 : vector<2048x1xf32> to vector<2048x128xf32>
    %mul3A_18 = arith.mulf %add3A, %mul3A : vector<2048x128xf32>
    %get3A_19 = arith.constant 0 : index
    %get3A_20 = arith.constant 0 : index
    %get3A_21 = vector.load %arg3[%get3A_19, %get3A_20] : memref<128x128xf32, #tpu.memory_space<vmem>>, vector<128x128xf32>
    %dot_general3A = arith.constant dense<0.000000e+00> : vector<2048x128xf32>
    %dot_general3A_22 = tpu.matmul %mul3A_18, %get3A_21, %dot_general3A {dimension_numbers = #tpu.dot_dimension_numbers<[1], [0], [0], [1], [0, 0, 1, 1], [], []>, transpose_lhs_hint = false} : vector<2048x128xf32>, vector<128x128xf32>, vector<2048x128xf32> -> vector<2048x128xf32>
    %get3A_23 = arith.constant 0 : index
    %get3A_24 = arith.constant 0 : index
    %get3A_25 = vector.load %arg4[%get3A_23, %get3A_24] : memref<1x128xf32, #tpu.memory_space<vmem>>, vector<1x128xf32>
    %add3A_26 = vector.broadcast %get3A_25 : vector<1x128xf32> to vector<2048x128xf32>
    %add3A_27 = arith.addf %dot_general3A_22, %add3A_26 : vector<2048x128xf32>
    %max3A = arith.constant 0.000000e+00 : f32
    %max3A_28 = vector.broadcast %max3A : f32 to vector<2048x128xf32>
    %max3A_29 = arith.maximumf %add3A_27, %max3A_28 : vector<2048x128xf32>
    %swap3A = arith.constant 0 : index
    %swap3A_30 = arith.constant 0 : index
    %swap3A_31 = vector.load %arg5[%swap3A, %swap3A_30] : memref<2048x128xf32, #tpu.memory_space<vmem>>, vector<2048x128xf32>
    tpu.vector_store %arg5[%swap3A, %swap3A_30], %max3A_29 {strides = array<i32>} : memref<2048x128xf32, #tpu.memory_space<vmem>>, vector<2048x128xf32>,
    return
  }
  func.func @transform_0(%arg0: i32) -> (i32, i32, i32) {
    %c0_i32 = arith.constant 0 : i32
    %c0_i32_0 = arith.constant 0 : i32
    %c0_i32_1 = arith.constant 0 : i32
    return %c0_i32, %arg0, %c0_i32_0 : i32, i32, i32
  }
  func.func @transform_1(%arg0: i32) -> (i32, i32, i32) {
    %c0_i32 = arith.constant 0 : i32
    %c0_i32_0 = arith.constant 0 : i32
    %c0_i32_1 = arith.constant 0 : i32
    return %arg0, %c0_i32, %c0_i32_0 : i32, i32, i32
  }
  func.func @transform_2(%arg0: i32) -> (i32, i32) {
    %c0_i32 = arith.constant 0 : i32
    %c0_i32_0 = arith.constant 0 : i32
    %c0_i32_1 = arith.constant 0 : i32
    return %c0_i32, %c0_i32_0 : i32, i32
  }
  func.func @transform_3(%arg0: i32) -> (i32, i32) {
    %c0_i32 = arith.constant 0 : i32
    %c0_i32_0 = arith.constant 0 : i32
    %c0_i32_1 = arith.constant 0 : i32
    return %c0_i32, %c0_i32_0 : i32, i32
  }
  func.func @transform_4(%arg0: i32) -> (i32, i32) {
    %c0_i32 = arith.constant 0 : i32
    %c0_i32_0 = arith.constant 0 : i32
    return %arg0, %c0_i32 : i32, i32
  }
}

</mosaic_0001>

<sc_bundles>
// kernel: kernel.11.cloned.1.call-start
scs
__scs_entry_jumppad:
0x0: {  	(pc) =	sbr.rel $0x88, $3  }
0x1: {  	(tag) =	ssettag $0x0;
	lr =	simm.s32 $0x1  }
0x2: {  	[smem:$0x3F9B] =	sst lr;
	_ =	strace $0xD0000000  }
0x3: {  	_ = 	snop  }
0x4: {  	_ = 	snop  }
0x5: {  	_ = 	snop  }
0x6: {  	_ = 	snop  }
0x7: {  	_ = 	snop  }
__scs_overlays_trampoline_lowered:
0x8: {  	[smem:$0x3FAA] =	sst s0  }
0x9: {  	[smem:$0x3FAB] =	sst s1  }
0xa: {  	[smem:$0x3FAC] =	sst s2  }
0xb: {  	[smem:$0x3FAD] =	sst s3  }
0xc: {  	[smem:$0x3FAE] =	sst s4  }
0xd: {  	[smem:$0x3FAF] =	sst s5  }
0xe: {  	[smem:$0x3FB0] =	sst s6  }
0xf: {  	[smem:$0x3FB1] =	sst s7  }
0x10: {  	[smem:$0x3FB2] =	sst s8  }
0x11: {  	[smem:$0x3FB3] =	sst s9;
	s0 =	simm.s32 @!p0 $0x0  }
0x12: {  	s1 =	sld [smem:$0x3F99];
	s0 =	simm.s32 @p0 $0x1  }
0x13: {  	[smem:$0x3FB4] =	sst s0;
	s0 =	simm.s32 @!p1 $0x0  }
0x14: {  	s2 =	sld [smem:$0x3F98];
	s0 =	simm.s32 @p1 $0x1  }
0x15: {  	[smem:$0x3FB5] =	sst s0;
	s0 =	simm.s32 @!p2 $0x0  }
0x16: {  	s3 =	sld [smem:$0x3FDB];
	s0 =	simm.s32 @p2 $0x1  }
0x17: {  	s4 =	simm.s32 $0x1BF5;
	[smem:$0x3FB7] =	sst s0  }
0x18: {  	s0 =	sld [smem:$0x3F9A];
	_ =	swait.ge [sflag:s4], $0x0  }
0x19: {  	s7 =	sld [smem:$0x3F9B]  }
0x1a: {  	s8 =	sadd.s32 $0xFFFFE003, lr  }
0x1b: {  	s9 =	sadd.s32 $0xFFFFFEF7, lr;
	s5 =	simm.s32 $0xFFFFFFFF;
	p2 =	slt.u32 s8, $0xFFFFF086  }
0x1c: {  	p1 =	slt.u32 s9, $0xF7A;
	s5 =	simm.s32 @!p2 $0x0  }
0x1d: {  	s5 =	simm.s32 @p1 $0x1;
	p0 =	seq.s32 s7, s2  }
0x1e: {  	s7 =	smul.u32 @!p0 $0xF7A, s2;
	p2 =	seq.s32 @!p0 s5, $0x0  }
0x1f: {  	s9 =	smul.u32 $0xF7A, s1;
	s8 =	simm.s32 @!p0 $0x1BF5;
	p2 =	por !p2, p0  }
0x20: {  	[sflag:s8] =	ssyncset.s32 @!p0 $0xFFFFF086;
	s6 =	sadd.s32 @!p0 s3, s7;
	s7 =	simm.s32 @!p0 $0x108  }
0x21: {  	s3 =	sadd.s32 s3, s9;
	s6 =	sadd.s32 @!p0 $0x88, s6;
	s7 =	simm.s32 @p2 $0x1082  }
0x22: {  	[simem:s7], [sflag:s8] =	dma.local @!p0 [hbm:s6], $0xF7A  }
0x23: {  	s9 =	sor.u32 $0xD0000000, s2;
	s6 =	simm.s32 $0x108;
	_ =	swait.ge @!p0 [sflag:s8], $0x0  }
0x24: {  	s3 =	sadd.s32 $0x88, s3;
	s6 =	simm.s32 @!p1 $0x1082;
	[sflag:s4] =	ssyncset.s32 $0xFFFFF086  }
0x25: {  	[simem:s6], [sflag:s4] =	dma.local [hbm:s3], $0xF7A  }
0x26: {  	[smem:$0x3F9B] =	sst s1;
	(tag) =	ssettag s2;
	_ =	strace s9  }
0x27: {  	s1 =	sld [smem:$0x3FAB]  }
0x28: {  	s2 =	sld [smem:$0x3FAC]  }
0x29: {  	s4 =	sld [smem:$0x3FAE]  }
0x2a: {  	p0 =	seq.s32 s5, $0x0;
	s5 =	sld [smem:$0x3FAF]  }
0x2b: {  	s6 =	sld [smem:$0x3FB0]  }
0x2c: {  	s7 =	sld [smem:$0x3FB1]  }
0x2d: {  	s3 =	simm.s32 $0x108;
	s8 =	sld [smem:$0x3FB2]  }
0x2e: {  	s3 =	simm.s32 @!p0 $0x1082;
	s9 =	sld [smem:$0x3FB3]  }
0x2f: {  	lr =	sadd.s32 s0, s3;
	s0 =	sld [smem:$0x3FAA]  }
0x30: {  	s3 =	sld [smem:$0x3FAD]  }
0x31: {  	[smem:$0x3FB6] =	sst s10  }
0x32: {  	s10 =	sld [smem:$0x3FB4];
	_ =	sdelay $0x3  }
0x33: {  	p0 =	seq.s32 s10, $0x1;
	s10 =	sld [smem:$0x3FB6];
	_ =	sdelay $0x3  }
0x34: {  	[smem:$0x3FB6] =	sst s10  }
0x35: {  	s10 =	sld [smem:$0x3FB5];
	_ =	sdelay $0x3  }
0x36: {  	p1 =	seq.s32 s10, $0x1;
	s10 =	sld [smem:$0x3FB6];
	_ =	sdelay $0x3  }
0x37: {  	[smem:$0x3FB6] =	sst s10  }
0x38: {  	s10 =	sld [smem:$0x3FB7]  }
0x39: {  	_ = 	snop;
	(pc) =	sbr.ind lr, $3  }
0x3a: {  	_ = 	snop  }
0x3b: {  	_ = 	snop  }
0x3c: {  	p2 =	seq.s32 s10, $0x1;
	s10 =	sld [smem:$0x3FB6]  }
0x3d: {  	_ =	shalt  }
0x3e: {  	_ =	shalt  }
0x3f: {  	_ =	shalt  }
0x40: {  	_ =	shalt  }
0x41: {  	_ =	shalt  }
0x42: {  	_ =	shalt  }
0x43: {  	_ =	shalt  }
0x44: {  	_ =	shalt  }
0x45: {  	_ =	shalt  }
0x46: {  	_ =	shalt  }
0x47: {  	_ =	shalt  }
0x48: {  	_ =	shalt  }
0x49: {  	_ =	shalt  }
0x4a: {  	_ =	shalt  }
0x4b: {  	_ =	shalt  }
0x4c: {  	_ =	shalt  }
0x4d: {  	_ =	shalt  }
0x4e: {  	_ =	shalt  }
0x4f: {  	_ =	shalt  }
0x50: {  	_ =	shalt  }
0x51: {  	_ =	shalt  }
0x52: {  	_ =	shalt  }
0x53: {  	_ =	shalt  }
0x54: {  	_ =	shalt  }
0x55: {  	_ =	shalt  }
0x56: {  	_ =	shalt  }
0x57: {  	_ =	shalt  }
0x58: {  	_ =	shalt  }
0x59: {  	_ =	shalt  }
0x5a: {  	_ =	shalt  }
0x5b: {  	_ =	shalt  }
0x5c: {  	_ =	shalt  }
0x5d: {  	_ =	shalt  }
0x5e: {  	_ =	shalt  }
0x5f: {  	_ =	shalt  }
0x60: {  	_ =	shalt  }
0x61: {  	_ =	shalt  }
0x62: {  	_ =	shalt  }
0x63: {  	_ =	shalt  }
0x64: {  	_ =	shalt  }
0x65: {  	_ =	shalt  }
0x66: {  	_ =	shalt  }
0x67: {  	_ =	shalt  }
0x68: {  	_ =	shalt  }
0x69: {  	_ =	shalt  }
0x6a: {  	_ =	shalt  }
0x6b: {  	_ =	shalt  }
0x6c: {  	_ =	shalt  }
0x6d: {  	_ =	shalt  }
0x6e: {  	_ =	shalt  }
0x6f: {  	_ =	shalt  }
0x70: {  	_ =	shalt  }
0x71: {  	_ =	shalt  }
0x72: {  	_ =	shalt  }
0x73: {  	_ =	shalt  }
0x74: {  	_ =	shalt  }
0x75: {  	_ =	shalt  }
0x76: {  	_ =	shalt  }
0x77: {  	_ =	shalt  }
0x78: {  	_ =	shalt  }
0x79: {  	_ =	shalt  }
0x7a: {  	_ =	shalt  }
0x7b: {  	_ =	shalt  }
0x7c: {  	_ =	shalt  }
0x7d: {  	_ =	shalt  }
0x7e: {  	_ =	shalt  }
0x7f: {  	_ =	shalt  }
0x80: {  	_ =	shalt  }
0x81: {  	_ =	shalt  }
0x82: {  	_ =	shalt  }
0x83: {  	_ =	shalt  }
0x84: {  	_ =	shalt  }
0x85: {  	_ =	shalt  }
0x86: {  	_ =	shalt  }
0x87: {  	_ =	shalt  }
.Lfunc_end0:
.L_simem_size_0:
called_computation.1_lowered:
.L_overlay_start_0:
0x88: {  	s2 =	sld [smem:$0x3FD9]  }
0x89: {  	s3 =	sld [smem:$0x3FFE];
	_ =	sdelay $0x1  }
0x8a: {  	s1 =	srdreg.scid  }
0x8b: {  	s0 =	sand.u32 $0x1, s1  }
0x8c: {  	s17 =	sshll.u32 s0, $0xA;
	s2 =	sadd.s32 s3, s2  }
0x8d: {  	s2 =	sadd.s32 s2, s17  }
0x8e: {  	[smem:$0x3FC2] =	sst s2  }
0x8f: {  	_ = 	snop  }
0x90: {  	s2 =	sld [smem:$0x3FD0];
	(tm) =	ssettm $0x1  }
0x91: {  	s18 =	sld [smem:$0x3FFB];
	_ =	sdelay $0x3  }
0x92: {  	_ =	strace s18  }
0x93: {  	s3 =	sld [smem:$0x3FFC];
	_ =	sdelay $0x3  }
0x94: {  	_ =	strace s3  }
0x95: {  	s3 =	sld [smem:$0x3FFD];
	_ =	sdelay $0x3  }
0x96: {  	_ =	strace s3  }
0x97: {  	_ =	strace $0x8FFFFFFF  }
0x98: {  	s19 =	sld [smem:$0x3FDB];
	_ =	sdelay $0x1  }
0x99: {  	s4 =	simm.s32 $_scs_section_size  }
0x9a: {  	s5 =	simm.s32 $_size__tile_overlayer_lowered;
	s6 =	simm.s32 $_tile_overlayer_lowered  }
0x9b: {  	s22 =	simm.s32 $0x1BFF;
	s21 =	sshll.u32 s6, $0x1;
	s3 =	sadd.s32 s4, s19  }
0x9c: {  	s7 =	simm.s32 $0x0;
	s20 =	sshll.u32 s5, $0x1;
	s5 =	sadd.s32 s21, s3  }
0x9d: {  	[timem:s7], [sflag:s22] =	dma.local [hbm:s5], s20  }
0x9e: {  	_ =	swait.ge [sflag:s22], s20  }
0x9f: {  	s4 =	ssub.s32 $0x0, s20;
	[sflag:s22] =	ssyncset.done $0x0  }
0xa0: {  	[sflag:s22] =	ssyncadd.s32 s4;
	_ =	sdelay $0x1  }
0xa1: {  	s23 =	simm.s32 $0x1B8B  }
0xa2: {  	_ =	swait.ge [sflag:s23], $0x1  }
0xa3: {  	[sflag:s23] =	ssyncset.done $0x0  }
0xa4: {  	s25 =	simm.s32 $0x1B8E;
	s24 =	sld [smem:$0x3FFE];
	[sflag:s23] =	ssyncadd.s32 $0xFFFFFFFF  }
0xa5: {  	s26 =	simm.s32 $execute0_lowered;
	[smem:$0x3FD2] =	sst s25  }
0xa6: {  	s5 =	sshll.u32 s26, $0x1;
	_ =	strace $0x80000049;
	[dreg:$0x1] =	wrdreg $0xFFFFFFFF  }
0xa7: {  	s28 =	simm.s32 $_size_execute0_lowered;
	s3 =	sadd.s32 s3, s5;
	[dreg:$0x0] =	wrdreg $0x0  }
0xa8: {  	s5 =	sshll.u32 s28, $0x1;
	[dreg:$0x2] =	wrdreg s3  }
0xa9: {  	[dreg:$0x3] =	wrdreg s5  }
0xaa: {  	[dreg:$0x4] =	wrdreg $0xC0  }
0xab: {  	_ =	task [dreg:s7], $0x5FFFF  }
0xac: {  	[dreg:$0x1] =	wrdreg $0xFFFFFFFF  }
0xad: {  	[dreg:$0x0] =	wrdreg $0x60  }
0xae: {  	[dreg:$0x2] =	wrdreg s2  }
0xaf: {  	[dreg:$0x3] =	wrdreg s24  }
0xb0: {  	[dreg:$0x4] =	wrdreg $0xB7800  }
0xb1: {  	[dreg:$0x5] =	wrdreg $0x9  }
0xb2: {  	_ =	task.clear_ibuf [dreg:s7], $0x6FFFF;
	_ =	strace $0x90000049  }
0xb3: {  	s29 =	simm.s32 $0x9;
	_ =	strace $0x8000004B  }
0xb4: {  	_ =	swait.ge [sflag:s29], $0x1  }
0xb5: {  	[sflag:s29] =	ssyncadd.s32 $0xFFFFFFFF  }
0xb6: {  	_ =	strace $0x9000004B  }
0xb7: {  	_ =	sfence  }
0xb8: {  	s30 =	sld [smem:$0x0];
	_ =	sdelay $0x2  }
0xb9: {  	s31 =	sshll.u32 s1, $0xD;
	s1 =	sshrl.u32 s1, $0x2  }
0xba: {  	s3 =	sand.u32 $0x4000, s31;
	s1 =	sadd.s32 s1, s30  }
0xbb: {  	s0 =	sor.u32 s3, s0;
	s1 =	sshll.u32 s1, $0x11  }
0xbc: {  	s0 =	sor.u32 s1, s0  }
0xbd: {  	s0 =	sadd.s32 $0x8F2B, s0  }
0xbe: {  	[sflag:s0] =	ssyncadd.remote.s32 $0x1  }
0xbf: {  	_ =	sfence.sel $0xFFFF  }
0xc0: {  	[dreg:$0x0] =	wrdreg $0xFFFFFFFF;
	(pc) =	sbr.abs _section_cstart, $3  }
0xc1: {  	[dreg:$0x1] =	wrdreg $0xFFFFFFFF  }
0xc2: {  	_ =	task.clear_ibuf [dreg:s7], $0x2FFFF;
	_ =	strace $0x9FFFFFFF  }
0xc3: {  	(tm) =	ssettm $0x7FFFFFFF  }
tec
execute0_lowered:
.L_overlay_start_1:
0x0: {  	(tag) =	ssettag $0x1  }
0x1: {  	s22 =	stileid.u32  }
0x2: {  	s0 =	srdreg.scid;
	s8 =	smul.u32 $0xA000, s22  }
0x3: {  	s0 =	sand.u32 $0x1, s0;
	s24 =	smul.u32 $0x2800, s22  }
0x4: {  	s9 =	sor.u32 $0x10, s22;
	s7 =	smul.u32 $0x138800, s0  }
0x5: {  	s11 =	sor.u32 $0x20, s22;
	s10 =	smul.u32 $0xA000, s9  }
0x6: {  	s13 =	sor.u32 $0x30, s22;
	s12 =	smul.u32 $0xA000, s11  }
0x7: {  	s15 =	sor.u32 $0x40, s22;
	s14 =	smul.u32 $0xA000, s13  }
0x8: {  	s17 =	sor.u32 $0x50, s22;
	s16 =	smul.u32 $0xA000, s15  }
0x9: {  	s1 =	rddreg [dreg:$0x0];
	s19 =	smul.u32 $0xA000, s17  }
0xa: {  	s2 =	rddreg [dreg:$0x1];
	s26 =	smul.u32 $0x2800, s9  }
0xb: {  	s3 =	rddreg [dreg:$0x2];
	s28 =	simm.s32 $0x28;
	s21 =	smul.u32 $0x2800, s11  }
0xc: {  	s29 =	simm.s32 $0x7B80;
	s30 =	simm.s32 $0x1;
	s13 =	smul.u32 $0x2800, s13  }
0xd: {  	s31 =	simm.s32 $0x2;
	s4 =	sshll.u32 s22, $0x1;
	s15 =	smul.u32 $0x2800, s15  }
0xe: {  	s20 =	sor.u32 $0x60, s22;
	s5 =	sor.u32 s0, s4;
	s23 =	smul.u32 $0x2800, s17  }
0xf: {  	s4 =	simm.s32 $0x0;
	s0 =	ssub.s32 $0x2, s0;
	s6 =	smul.u32 $0x4E2, s5  }
0x10: {  	[smem:$0x7FF] =	sst s4;
	s5 =	sshll.u32 s5, $0xB;
	s18 =	sshrl.u32 s0, $0x1  }
0x11: {  	s25 =	sshrl.u32 s8, $0x2;
	_ =	strace $0x8000004A;
	s5 =	sadd.s32 s5, s2  }
0x12: {  	s0 =	ssub.s32 s0, s18;
	s18 =	smul.u32 $0xA000, s20;
	s8 =	sadd.s32 s25, s3  }
0x13: {  	s10 =	sshrl.u32 s10, $0x2;
	s12 =	sshrl.u32 s12, $0x2;
	s14 =	sshrl.u32 s14, $0x2  }
0x14: {  	s17 =	sadd.s32 s7, s21;
	s21 =	sadd.s32 s7, s13;
	s23 =	sadd.s32 s7, s23  }
0x15: {  	s6 =	sadd.s32 s6, s2;
	s2 =	sadd.s32 $0x30200, s2;
	s5 =	sadd.s32 $0x20200, s5  }
0x16: {  	s0 =	smax.u32 s0, $0x1;
	s9 =	sadd.s32 s10, s3;
	s10 =	sadd.s32 s12, s3  }
0x17: {  	s11 =	sadd.s32 s14, s3;
	s23 =	sshrl.u32 s23, $0x3;
	[dreg:$0x5] =	wrdreg s5  }
0x18: {  	s6 =	sadd.s32 $0xC400, s6;
	[dreg:$0x6] =	wrdreg s0;
	s0 =	sshrl.u32 s16, $0x2  }
0x19: {  	s16 =	sor.u32 $0x70, s22;
	s5 =	sadd.s32 s7, s24;
	s24 =	smul.u32 $0x2800, s20  }
0x1a: {  	s22 =	sadd.s32 s7, s15;
	s20 =	sshrl.u32 s19, $0x2;
	s19 =	sshrl.u32 s17, $0x3  }
0x1b: {  	s17 =	simm.s32 $0x6;
	[dreg:$0x4] =	wrdreg s6;
	s25 =	smul.u32 $0x2800, s16  }
0x1c: {  	s6 =	sadd.s32 s7, s26;
	s26 =	smul.u32 $0xA000, s16;
	s12 =	sadd.s32 s0, s3  }
0x1d: {  	s13 =	sadd.s32 s20, s3;
	s5 =	sshrl.u32 s5, $0x3;
	s20 =	sshrl.u32 s21, $0x3  }
0x1e: {  	s21 =	sshrl.u32 s22, $0x3;
	p0 =	sgt.u32 s16, $0x7C;
	s16 =	simm.s32 $0x5  }
0x1f: {  	s24 =	sadd.s32 s7, s24;
	s6 =	sshrl.u32 s6, $0x3;
	s0 =	sadd.s32 s2, s5  }
0x20: {  	s22 =	sadd.s32 s2, s21;
	s5 =	simm.s32 $0xA380;
	s7 =	sadd.s32 s7, s25  }
0x21: {  	s25 =	sshrl.u32 s18, $0x2;
	s26 =	sshrl.u32 s26, $0x2;
	[dreg:$0x7] =	wrdreg s0  }
0x22: {  	s18 =	sadd.s32 s2, s6;
	s0 =	sadd.s32 s2, s19;
	[dreg:$0xb] =	wrdreg s22  }
0x23: {  	s6 =	simm.s32 $0x3;
	s19 =	simm.s32 $0x0;
	[dreg:$0x8] =	wrdreg s18  }
0x24: {  	s14 =	sadd.s32 s25, s3;
	s15 =	sadd.s32 s26, s3;
	[dreg:$0x9] =	wrdreg s0  }
0x25: {  	s0 =	sadd.s32 s2, s20;
	s25 =	sshrl.u32 s24, $0x3;
	s26 =	sshrl.u32 s7, $0x3  }
0x26: {  	s24 =	simm.s32 $0x7;
	s7 =	simm.s32 $0x4;
	s18 =	simm.s32 $0x8  }
0x27: {  	[dreg:$0xa] =	wrdreg s0;
	s0 =	sadd.s32 s2, s23;
	s23 =	sadd.s32 s2, s26  }
0x28: {  	s26 =	simm.s32 $0x6780;
	[dreg:$0xc] =	wrdreg s0;
	s0 =	sadd.s32 s2, s25  }
0x29: {  	v0 =	vimm.f32 $0.0e+00;
	s2 =	simm.s32 $0x50;
	[dreg:$0xd] =	wrdreg s0;
	s0 =	simm.s32 $0x8F80  }
.LBB2_1:
0x2a: {  	s20 =	rddreg [dreg:$0x4]  }
0x2b: {  	[tilespmem:s4], [sflag:$0x7] =	stream.linear.gather [hbm4b:s20+s4], $0x2710, $0x38;
	[tilespmem:$0x1F000] =	vst v63  }
0x2c: {  	_ =	swait.ge [sflag:s24], $0x2710  }
0x2d: {  	[sflag:s24] =	ssyncset.done $0x0  }
0x2e: {  	s21 =	simm.s32 $0x2780;
	s25 =	rddreg [dreg:$0x5];
	[sflag:s24] =	ssyncadd.s32 $0xFFFFD8F0  }
0x2f: {  	[tilespmem:s21], [sflag:$0x7] =	stream.linear.gather [hbm4b:s25+s4], $0x3E80, $0x38;
	[tilespmem:$0x1F000] =	vst v63  }
0x30: {  	s22 =	sand.u32 $0x70, s4;
	s21 =	sand.u32 $0xFE00, s4;
	_ =	swait.ge [sflag:s24], $0x3E80  }
0x31: {  	s20 =	simm.s32 $0x40;
	s25 =	sshrl.u32 s21, $0x2;
	[sflag:s24] =	ssyncset.done $0x0  }
0x32: {  	s21 =	simm.s32 $0x0;
	s25 =	sor.u32 s22, s25;
	[sflag:s24] =	ssyncadd.s32 $0xFFFFC180  }
.LBB2_2:
0x33: {  	p1 =	sne.s32 s20, $0x9FC0  }
0x34: {  	[tilespmem:s25+$0x6780] =	vst v0;
	s21 =	sadd.s32 $0x10, s21;
	s25 =	smov.u32 s20;
	s20 =	sadd.s32 $0x40, s20  }
.Ltmp0:
0x35: {  	(pc) =	sbr.rel @p1 .LBB2_2-.Ltmp0, $4  }
0x36: {  	_ = 	snop  }
0x37: {  	s25 =	sand.u32 $0xFE00, s25  }
0x38: {  	s22 =	sand.u32 $0x70, s21;
	s25 =	sshrl.u32 s25, $0x2  }
0x39: {  	s25 =	sor.u32 s22, s25  }
0x3a: {  	[tilespmem:s25+$0x6780] =	vst v0  }
0x3b: {  	[spmem:s8] =	stream.linear.scatter [tilespmem:s26], [sflag:$0x7], $0x2800, $0x38;
	[tilespmem:$0x1F000] =	vst v63  }
0x3c: {  	_ =	swait.ge [sflag:s24], $0x2800  }
0x3d: {  	[sflag:s24] =	ssyncset.done $0x0  }
0x3e: {  	[sflag:s24] =	ssyncadd.s32 $0xFFFFD800  }
0x3f: {  	[spmem:s9] =	stream.linear.scatter [tilespmem:s26], [sflag:$0x7], $0x2800, $0x38;
	[tilespmem:$0x1F000] =	vst v63  }
0x40: {  	_ =	swait.ge [sflag:s24], $0x2800  }
0x41: {  	[sflag:s24] =	ssyncset.done $0x0  }
0x42: {  	[sflag:s24] =	ssyncadd.s32 $0xFFFFD800  }
0x43: {  	[spmem:s10] =	stream.linear.scatter [tilespmem:s26], [sflag:$0x7], $0x2800, $0x38;
	[tilespmem:$0x1F000] =	vst v63  }
0x44: {  	_ =	swait.ge [sflag:s24], $0x2800  }
0x45: {  	[sflag:s24] =	ssyncset.done $0x0  }
0x46: {  	[sflag:s24] =	ssyncadd.s32 $0xFFFFD800  }
0x47: {  	[spmem:s11] =	stream.linear.scatter [tilespmem:s26], [sflag:$0x7], $0x2800, $0x38;
	[tilespmem:$0x1F000] =	vst v63  }
0x48: {  	_ =	swait.ge [sflag:s24], $0x2800  }
0x49: {  	[sflag:s24] =	ssyncset.done $0x0  }
0x4a: {  	[sflag:s24] =	ssyncadd.s32 $0xFFFFD800  }
0x4b: {  	[spmem:s12] =	stream.linear.scatter [tilespmem:s26], [sflag:$0x7], $0x2800, $0x38;
	[tilespmem:$0x1F000] =	vst v63  }
0x4c: {  	_ =	swait.ge [sflag:s24], $0x2800  }
0x4d: {  	[sflag:s24] =	ssyncset.done $0x0  }
0x4e: {  	[sflag:s24] =	ssyncadd.s32 $0xFFFFD800  }
0x4f: {  	[spmem:s13] =	stream.linear.scatter [tilespmem:s26], [sflag:$0x7], $0x2800, $0x38;
	[tilespmem:$0x1F000] =	vst v63  }
0x50: {  	_ =	swait.ge [sflag:s24], $0x2800  }
0x51: {  	[sflag:s24] =	ssyncset.done $0x0  }
0x52: {  	[sflag:s24] =	ssyncadd.s32 $0xFFFFD800  }
0x53: {  	[spmem:s14] =	stream.linear.scatter [tilespmem:s26], [sflag:$0x7], $0x2800, $0x38;
	[tilespmem:$0x1F000] =	vst v63  }
0x54: {  	_ =	swait.ge [sflag:s24], $0x2800  }
0x55: {  	[sflag:s24] =	ssyncset.done $0x0  }
0x56: {  	s20 =	simm.s32 @!p0 $0x6780;
	[sflag:s24] =	ssyncadd.s32 $0xFFFFD800  }
0x57: {  	[spmem:s15] =	stream.linear.scatter @!p0 [tilespmem:s20], [sflag:$0x7], $0x2800, $0x38;
	[tilespmem:$0x1F000] =	vst v63  }
0x58: {  	s20 =	simm.s32 @!p0 $0x7  }
0x59: {  	_ =	swait.ge @!p0 [sflag:s20], $0x2800  }
0x5a: {  	[sflag:s20] =	ssyncset.done @!p0 $0x0  }
0x5b: {  	[sflag:s20] =	ssyncadd.s32 @!p0 $0xFFFFD800  }
0x5c: {  	s22 =	simm.s32 $0x0;
	[bflag:$0x0] =	sbarrier.arrive $0xFFFF  }
0x5d: {  	[tilespmem:s26], [sflag:$0x1] =	stream.indirect.gather [hbm4b:s1+s28], $0x80, s22, s28, $0xb8;
	[tilespmem:$0x1F000] =	vst v63  }
0x5e: {  	_ = 	snop  }
0x5f: {  	[tilespmem:s29], [sflag:$0x2] =	stream.indirect.gather [hbm4b:s1+s28], $0x80, s28, s28, $0xb8;
	[tilespmem:$0x1F000] =	vst v63  }
0x60: {  	_ =	swait.ge [sflag:s30], $0x1400  }
0x61: {  	[sflag:s30] =	ssyncset.done $0x0  }
0x62: {  	[sflag:s30] =	ssyncadd.s32 $0xFFFFEC00  }
0x63: {  	_ =	swait.ge [sflag:s31], $0x1400  }
0x64: {  	[sflag:s31] =	ssyncset.done $0x0  }
0x65: {  	s25 =	simm.s32 $0x2780;
	[sflag:s31] =	ssyncadd.s32 $0xFFFFEC00  }
0x66: {  	[spmem:s3] =	stream.indirect.scatter.add.f32 [tilespmem:s26], [sflag:$0x5], $0x80, s25, s2, $0xb8;
	[tilespmem:$0x1F000] =	vst v63  }
0x67: {  	_ = 	snop  }
0x68: {  	[tilespmem:s0], [sflag:$0x3] =	stream.indirect.gather [hbm4b:s1+s28], $0x80, s2, s28, $0xb8;
	[tilespmem:$0x1F000] =	vst v63  }
0x69: {  	s21 =	simm.s32 $0x78  }
0x6a: {  	[tilespmem:s5], [sflag:$0x4] =	stream.indirect.gather [hbm4b:s1+s28], $0x80, s21, s28, $0xb8;
	[tilespmem:$0x1F000] =	vst v63  }
0x6b: {  	_ =	swait.ge [sflag:s6], $0x1400  }
0x6c: {  	[sflag:s6] =	ssyncset.done $0x0  }
0x6d: {  	[sflag:s6] =	ssyncadd.s32 $0xFFFFEC00  }
0x6e: {  	_ =	swait.ge [sflag:s7], $0x1400  }
0x6f: {  	[sflag:s7] =	ssyncset.done $0x0  }
0x70: {  	s22 =	simm.s32 $0x2800;
	[sflag:s7] =	ssyncadd.s32 $0xFFFFEC00  }
0x71: {  	[spmem:s3] =	stream.indirect.scatter.add.f32 [tilespmem:s0], [sflag:$0x6], $0x80, s22, s2, $0xb8;
	[tilespmem:$0x1F000] =	vst v63  }
0x72: {  	_ =	swait.ge [sflag:s16], $0x2800  }
0x73: {  	[sflag:s16] =	ssyncset.done $0x0  }
0x74: {  	s25 =	simm.s32 $0xA0;
	[sflag:s16] =	ssyncadd.s32 $0xFFFFD800  }
0x75: {  	[tilespmem:s26], [sflag:$0x1] =	stream.indirect.gather [hbm4b:s1+s28], $0x80, s25, s28, $0xb8;
	[tilespmem:$0x1F000] =	vst v63  }
0x76: {  	s21 =	simm.s32 $0xC8  }
0x77: {  	[tilespmem:s29], [sflag:$0x2] =	stream.indirect.gather [hbm4b:s1+s28], $0x80, s21, s28, $0xb8;
	[tilespmem:$0x1F000] =	vst v63  }
0x78: {  	_ =	swait.ge [sflag:s30], $0x1400  }
0x79: {  	[sflag:s30] =	ssyncset.done $0x0  }
0x7a: {  	[sflag:s30] =	ssyncadd.s32 $0xFFFFEC00  }
0x7b: {  	_ =	swait.ge [sflag:s31], $0x1400  }
0x7c: {  	[sflag:s31] =	ssyncset.done $0x0  }
0x7d: {  	s22 =	simm.s32 $0x2880;
	[sflag:s31] =	ssyncadd.s32 $0xFFFFEC00  }
0x7e: {  	[spmem:s3] =	stream.indirect.scatter.add.f32 [tilespmem:s26], [sflag:$0x5], $0x80, s22, s2, $0xb8;
	[tilespmem:$0x1F000] =	vst v63  }
0x7f: {  	_ =	swait.ge [sflag:s17], $0x2800  }
0x80: {  	[sflag:s17] =	ssyncset.done $0x0  }
0x81: {  	s25 =	simm.s32 $0xF0;
	[sflag:s17] =	ssyncadd.s32 $0xFFFFD800  }
0x82: {  	[tilespmem:s0], [sflag:$0x3] =	stream.indirect.gather [hbm4b:s1+s28], $0x80, s25, s28, $0xb8;
	[tilespmem:$0x1F000] =	vst v63  }
0x83: {  	s21 =	simm.s32 $0x118  }
0x84: {  	[tilespmem:s5], [sflag:$0x4] =	stream.indirect.gather [hbm4b:s1+s28], $0x80, s21, s28, $0xb8;
	[tilespmem:$0x1F000] =	vst v63  }
0x85: {  	_ =	swait.ge [sflag:s6], $0x1400  }
0x86: {  	[sflag:s6] =	ssyncset.done $0x0  }
0x87: {  	[sflag:s6] =	ssyncadd.s32 $0xFFFFEC00  }
0x88: {  	_ =	swait.ge [sflag:s7], $0x1400  }
0x89: {  	[sflag:s7] =	ssyncset.done $0x0  }
0x8a: {  	s22 =	simm.s32 $0x2900;
	[sflag:s7] =	ssyncadd.s32 $0xFFFFEC00  }
0x8b: {  	[spmem:s3] =	stream.indirect.scatter.add.f32 [tilespmem:s0], [sflag:$0x6], $0x80, s22, s2, $0xb8;
	[tilespmem:$0x1F000] =	vst v63  }
0x8c: {  	_ =	swait.ge [sflag:s16], $0x2800  }
0x8d: {  	[sflag:s16] =	ssyncset.done $0x0  }
0x8e: {  	s25 =	simm.s32 $0x140;
	[sflag:s16] =	ssyncadd.s32 $0xFFFFD800  }
0x8f: {  	[tilespmem:s26], [sflag:$0x1] =	stream.indirect.gather [hbm4b:s1+s28], $0x80, s25, s28, $0xb8;
	[tilespmem:$0x1F000] =	vst v63  }
0x90: {  	s20 =	simm.s32 $0x280;
	s21 =	simm.s32 $0x2980;
	s25 =	simm.s32 $0x168  }
.LBB2_4:
0x91: {  	[tilespmem:s29], [sflag:$0x2] =	stream.indirect.gather [hbm4b:s1+s28], $0x80, s25, s28, $0xb8;
	[tilespmem:$0x1F000] =	vst v63  }
0x92: {  	s22 =	smov.u32 s20  }
0x93: {  	p1 =	sne.s32 s20, $0x9600;
	s20 =	sadd.s32 $0x280, s20;
	_ =	swait.ge [sflag:s30], $0x1400  }
0x94: {  	[sflag:s30] =	ssyncset.done $0x0  }
0x95: {  	[sflag:s30] =	ssyncadd.s32 $0xFFFFEC00  }
0x96: {  	_ =	swait.ge [sflag:s31], $0x1400  }
0x97: {  	[sflag:s31] =	ssyncset.done $0x0  }
0x98: {  	[sflag:s31] =	ssyncadd.s32 $0xFFFFEC00  }
0x99: {  	[spmem:s3] =	stream.indirect.scatter.add.f32 [tilespmem:s26], [sflag:$0x5], $0x80, s21, s2, $0xb8;
	[tilespmem:$0x1F000] =	vst v63  }
0x9a: {  	_ =	swait.ge [sflag:s17], $0x2800  }
0x9b: {  	s22 =	sshra.s32 s22, $0x2;
	[sflag:s17] =	ssyncset.done $0x0  }
0x9c: {  	s25 =	sadd.s32 $0xF0, s22;
	[sflag:s17] =	ssyncadd.s32 $0xFFFFD800  }
0x9d: {  	[tilespmem:s0], [sflag:$0x3] =	stream.indirect.gather [hbm4b:s1+s28], $0x80, s25, s28, $0xb8;
	[tilespmem:$0x1F000] =	vst v63  }
0x9e: {  	s25 =	sadd.s32 $0x118, s22  }
0x9f: {  	[tilespmem:s5], [sflag:$0x4] =	stream.indirect.gather [hbm4b:s1+s28], $0x80, s25, s28, $0xb8;
	[tilespmem:$0x1F000] =	vst v63  }
0xa0: {  	_ =	swait.ge [sflag:s6], $0x1400  }
0xa1: {  	[sflag:s6] =	ssyncset.done $0x0  }
0xa2: {  	[sflag:s6] =	ssyncadd.s32 $0xFFFFEC00  }
0xa3: {  	_ =	swait.ge [sflag:s7], $0x1400  }
0xa4: {  	[sflag:s7] =	ssyncset.done $0x0  }
0xa5: {  	s25 =	sadd.s32 $0x80, s21;
	[sflag:s7] =	ssyncadd.s32 $0xFFFFEC00  }
0xa6: {  	[spmem:s3] =	stream.indirect.scatter.add.f32 [tilespmem:s0], [sflag:$0x6], $0x80, s25, s2, $0xb8;
	[tilespmem:$0x1F000] =	vst v63  }
.Ltmp1:
0xa7: {  	_ =	swait.ge [sflag:s16], $0x2800;
	(pc) =	sbr.rel @p1 .LBB2_4-.Ltmp1, $4  }
0xa8: {  	[sflag:s16] =	ssyncset.done $0x0  }
0xa9: {  	s25 =	sadd.s32 $0x140, s22;
	[sflag:s16] =	ssyncadd.s32 $0xFFFFD800  }
0xaa: {  	[tilespmem:s26], [sflag:$0x1] =	stream.indirect.gather [hbm4b:s1+s28], $0x80, s25, s28, $0xb8;
	[tilespmem:$0x1F000] =	vst v63  }
0xab: {  	s21 =	sadd.s32 $0x100, s21;
	s25 =	sadd.s32 $0x168, s22  }
0xac: {  	[tilespmem:s29], [sflag:$0x2] =	stream.indirect.gather [hbm4b:s1+s28], $0x80, s25, s28, $0xb8;
	[tilespmem:$0x1F000] =	vst v63  }
0xad: {  	_ =	swait.ge [sflag:s30], $0x1400  }
0xae: {  	[sflag:s30] =	ssyncset.done $0x0  }
0xaf: {  	[sflag:s30] =	ssyncadd.s32 $0xFFFFEC00  }
0xb0: {  	_ =	swait.ge [sflag:s31], $0x1400  }
0xb1: {  	[sflag:s31] =	ssyncset.done $0x0  }
0xb2: {  	s20 =	simm.s32 $0x6580;
	[sflag:s31] =	ssyncadd.s32 $0xFFFFEC00  }
0xb3: {  	[spmem:s3] =	stream.indirect.scatter.add.f32 [tilespmem:s26], [sflag:$0x5], $0x80, s20, s2, $0xb8;
	[tilespmem:$0x1F000] =	vst v63  }
0xb4: {  	_ =	swait.ge [sflag:s16], $0x2800  }
0xb5: {  	[sflag:s16] =	ssyncset.done $0x0  }
0xb6: {  	[sflag:s16] =	ssyncadd.s32 $0xFFFFD800  }
0xb7: {  	_ =	swait.ge [sflag:s17], $0x2800  }
0xb8: {  	[sflag:s17] =	ssyncset.done $0x0  }
0xb9: {  	[sflag:s17] =	ssyncadd.s32 $0xFFFFD800  }
0xba: {  	[bflag:$0x0] =	sbarrier.arrive $0xFFFF  }
0xbb: {  	[tilespmem:s26], [sflag:$0x8] =	stream.linear.gather [spmem:s8], $0x2800, $0x38;
	[tilespmem:$0x1F000] =	vst v63  }
0xbc: {  	_ =	swait.ge [sflag:s18], $0x2800  }
0xbd: {  	[sflag:s18] =	ssyncset.done $0x0  }
0xbe: {  	s22 =	rddreg [dreg:$0x7];
	[sflag:s18] =	ssyncadd.s32 $0xFFFFD800  }
0xbf: {  	[hbm4b:s22+s4] =	stream.linear.scatter [tilespmem:s26], [sflag:$0x7], $0x2800, $0x38;
	[tilespmem:$0x1F000] =	vst v63  }
0xc0: {  	_ =	swait.ge [sflag:s24], $0x2800  }
0xc1: {  	[sflag:s24] =	ssyncset.done $0x0  }
0xc2: {  	[sflag:s24] =	ssyncadd.s32 $0xFFFFD800  }
0xc3: {  	[tilespmem:s26], [sflag:$0x8] =	stream.linear.gather [spmem:s9], $0x2800, $0x38;
	[tilespmem:$0x1F000] =	vst v63  }
0xc4: {  	_ =	swait.ge [sflag:s18], $0x2800  }
0xc5: {  	[sflag:s18] =	ssyncset.done $0x0  }
0xc6: {  	s25 =	rddreg [dreg:$0x8];
	[sflag:s18] =	ssyncadd.s32 $0xFFFFD800  }
0xc7: {  	[hbm4b:s25+s4] =	stream.linear.scatter [tilespmem:s26], [sflag:$0x7], $0x2800, $0x38;
	[tilespmem:$0x1F000] =	vst v63  }
0xc8: {  	_ =	swait.ge [sflag:s24], $0x2800  }
0xc9: {  	[sflag:s24] =	ssyncset.done $0x0  }
0xca: {  	[sflag:s24] =	ssyncadd.s32 $0xFFFFD800  }
0xcb: {  	[tilespmem:s26], [sflag:$0x8] =	stream.linear.gather [spmem:s10], $0x2800, $0x38;
	[tilespmem:$0x1F000] =	vst v63  }
0xcc: {  	_ =	swait.ge [sflag:s18], $0x2800  }
0xcd: {  	[sflag:s18] =	ssyncset.done $0x0  }
0xce: {  	s21 =	rddreg [dreg:$0x9];
	[sflag:s18] =	ssyncadd.s32 $0xFFFFD800  }
0xcf: {  	[hbm4b:s21+s4] =	stream.linear.scatter [tilespmem:s26], [sflag:$0x7], $0x2800, $0x38;
	[tilespmem:$0x1F000] =	vst v63  }
0xd0: {  	_ =	swait.ge [sflag:s24], $0x2800  }
0xd1: {  	[sflag:s24] =	ssyncset.done $0x0  }
0xd2: {  	[sflag:s24] =	ssyncadd.s32 $0xFFFFD800  }
0xd3: {  	[tilespmem:s26], [sflag:$0x8] =	stream.linear.gather [spmem:s11], $0x2800, $0x38;
	[tilespmem:$0x1F000] =	vst v63  }
0xd4: {  	_ =	swait.ge [sflag:s18], $0x2800  }
0xd5: {  	[sflag:s18] =	ssyncset.done $0x0  }
0xd6: {  	s22 =	rddreg [dreg:$0xa];
	[sflag:s18] =	ssyncadd.s32 $0xFFFFD800  }
0xd7: {  	[hbm4b:s22+s4] =	stream.linear.scatter [tilespmem:s26], [sflag:$0x7], $0x2800, $0x38;
	[tilespmem:$0x1F000] =	vst v63  }
0xd8: {  	_ =	swait.ge [sflag:s24], $0x2800  }
0xd9: {  	[sflag:s24] =	ssyncset.done $0x0  }
0xda: {  	[sflag:s24] =	ssyncadd.s32 $0xFFFFD800  }
0xdb: {  	[tilespmem:s26], [sflag:$0x8] =	stream.linear.gather [spmem:s12], $0x2800, $0x38;
	[tilespmem:$0x1F000] =	vst v63  }
0xdc: {  	_ =	swait.ge [sflag:s18], $0x2800  }
0xdd: {  	[sflag:s18] =	ssyncset.done $0x0  }
0xde: {  	s25 =	rddreg [dreg:$0xb];
	[sflag:s18] =	ssyncadd.s32 $0xFFFFD800  }
0xdf: {  	[hbm4b:s25+s4] =	stream.linear.scatter [tilespmem:s26], [sflag:$0x7], $0x2800, $0x38;
	[tilespmem:$0x1F000] =	vst v63  }
0xe0: {  	_ =	swait.ge [sflag:s24], $0x2800  }
0xe1: {  	[sflag:s24] =	ssyncset.done $0x0  }
0xe2: {  	[sflag:s24] =	ssyncadd.s32 $0xFFFFD800  }
0xe3: {  	[tilespmem:s26], [sflag:$0x8] =	stream.linear.gather [spmem:s13], $0x2800, $0x38;
	[tilespmem:$0x1F000] =	vst v63  }
0xe4: {  	_ =	swait.ge [sflag:s18], $0x2800  }
0xe5: {  	[sflag:s18] =	ssyncset.done $0x0  }
0xe6: {  	s21 =	rddreg [dreg:$0xc];
	[sflag:s18] =	ssyncadd.s32 $0xFFFFD800  }
0xe7: {  	[hbm4b:s21+s4] =	stream.linear.scatter [tilespmem:s26], [sflag:$0x7], $0x2800, $0x38;
	[tilespmem:$0x1F000] =	vst v63  }
0xe8: {  	_ =	swait.ge [sflag:s24], $0x2800  }
0xe9: {  	[sflag:s24] =	ssyncset.done $0x0  }
0xea: {  	[sflag:s24] =	ssyncadd.s32 $0xFFFFD800  }
0xeb: {  	[tilespmem:s26], [sflag:$0x8] =	stream.linear.gather [spmem:s14], $0x2800, $0x38;
	[tilespmem:$0x1F000] =	vst v63  }
0xec: {  	_ =	swait.ge [sflag:s18], $0x2800  }
0xed: {  	[sflag:s18] =	ssyncset.done $0x0  }
0xee: {  	s22 =	rddreg [dreg:$0xd];
	[sflag:s18] =	ssyncadd.s32 $0xFFFFD800  }
0xef: {  	[hbm4b:s22+s4] =	stream.linear.scatter [tilespmem:s26], [sflag:$0x7], $0x2800, $0x38;
	[tilespmem:$0x1F000] =	vst v63  }
0xf0: {  	_ =	swait.ge [sflag:s24], $0x2800  }
0xf1: {  	[sflag:s24] =	ssyncset.done $0x0  }
0xf2: {  	s20 =	simm.s32 @!p0 $0x6780;
	s21 =	simm.s32 @!p0 $0x8;
	[sflag:s24] =	ssyncadd.s32 $0xFFFFD800  }
0xf3: {  	[tilespmem:s20], [sflag:$0x8] =	stream.linear.gather @!p0 [spmem:s15], $0x2800, $0x38;
	[tilespmem:$0x1F000] =	vst v63  }
0xf4: {  	_ =	swait.ge @!p0 [sflag:s21], $0x2800  }
0xf5: {  	[sflag:s21] =	ssyncset.done @!p0 $0x0  }
0xf6: {  	[sflag:s21] =	ssyncadd.s32 @!p0 $0xFFFFD800;
	s21 =	simm.s32 @!p0 $0x0  }
0xf7: {  	[hbm4b:s23+s21] =	stream.linear.scatter @!p0 [tilespmem:s20], [sflag:$0x7], $0x2800, $0x38;
	[tilespmem:$0x1F000] =	vst v63  }
0xf8: {  	s20 =	simm.s32 @!p0 $0x7  }
0xf9: {  	_ =	swait.ge @!p0 [sflag:s20], $0x2800  }
0xfa: {  	s19 =	sadd.s32 $0x1, s19;
	s25 =	rddreg [dreg:$0x6]  }
0xfb: {  	p1 =	sne.s32 s19, s25  }
.Ltmp2:
0xfc: {  	_ = 	snop;
	(pc) =	sbr.rel @p1 .LBB2_1-.Ltmp2, $3  }
0xfd: {  	_ =	sdelay $0x1  }
0xfe: {  	[sflag:s20] =	ssyncset.done @!p0 $0x0  }
0xff: {  	[sflag:s20] =	ssyncadd.s32 @!p0 $0xFFFFD800  }
0x100: {  	_ =	sfence.sel $0x180000  }
0x101: {  	[bflag:$0x0] =	sbarrier.arrive $0xFFFF  }
0x102: {  	_ =	strace $0x9000004A  }
0x103: {  	s0 =	stileid.u32;
	[bflag:$0x2] =	sbarrier.arrive $0xFFFF  }
0x104: {  	p0 =	sne.s32 s0, $0x0;
	s0 =	rddreg [dreg:$0x3]  }
0x105: {  	s0 =	sadd.s32 @!p0 $0x100000, s0  }
0x106: {  	[sflag:s0] =	ssyncadd.tile.s32 @!p0 $0x1;
	_ =	shalt  }
.Lfunc_end2:
_tile_overlayer_lowered:
.L_overlay_start_2:
0x107: {  	(tag) =	ssettag $0x2  }
0x108: {  	s0 =	rddreg [dreg:$0x0];
	s2 =	stileid.u32  }
0x109: {  	s1 =	rddreg [dreg:$0x1];
	p0 =	sne.s32 s2, $0x0  }
0x10a: {  	s3 =	rddreg [dreg:$0x2];
	[bflag:$0x3] =	sbarrier.arrive $0xFFFF;
	s2 =	simm.s32 @!p0 $0x1C07  }
0x10b: {  	[timem:s3], [sflag:s2] =	dma.local @!p0 [hbm:s0], s1  }
0x10c: {  	s0 =	simm.s32 @!p0 $0x7  }
0x10d: {  	_ =	swait.ge @!p0 [sflag:s0], s1  }
0x10e: {  	s1 =	ssub.s32 @!p0 $0x0, s1;
	[sflag:s0] =	ssyncset.done @!p0 $0x0  }
0x10f: {  	[sflag:s0] =	ssyncadd.s32 @!p0 s1  }
0x110: {  	[bflag:$0x3] =	sbarrier.arrive $0xFFFF  }
0x111: {  	_ =	shalt  }

// kernel: kernel.14.cloned.1.call-start
scs
__scs_entry_jumppad:
0x0: {  	(pc) =	sbr.rel $0x88, $3  }
0x1: {  	(tag) =	ssettag $0x0;
	lr =	simm.s32 $0x1  }
0x2: {  	[smem:$0x3F9B] =	sst lr;
	_ =	strace $0xD0000000  }
0x3: {  	_ = 	snop  }
0x4: {  	_ = 	snop  }
0x5: {  	_ = 	snop  }
0x6: {  	_ = 	snop  }
0x7: {  	_ = 	snop  }
__scs_overlays_trampoline_lowered:
0x8: {  	[smem:$0x3FAA] =	sst s0  }
0x9: {  	[smem:$0x3FAB] =	sst s1  }
0xa: {  	[smem:$0x3FAC] =	sst s2  }
0xb: {  	[smem:$0x3FAD] =	sst s3  }
0xc: {  	[smem:$0x3FAE] =	sst s4  }
0xd: {  	[smem:$0x3FAF] =	sst s5  }
0xe: {  	[smem:$0x3FB0] =	sst s6  }
0xf: {  	[smem:$0x3FB1] =	sst s7  }
0x10: {  	[smem:$0x3FB2] =	sst s8  }
0x11: {  	[smem:$0x3FB3] =	sst s9;
	s0 =	simm.s32 @!p0 $0x0  }
0x12: {  	s1 =	sld [smem:$0x3F99];
	s0 =	simm.s32 @p0 $0x1  }
0x13: {  	[smem:$0x3FB4] =	sst s0;
	s0 =	simm.s32 @!p1 $0x0  }
0x14: {  	s2 =	sld [smem:$0x3F98];
	s0 =	simm.s32 @p1 $0x1  }
0x15: {  	[smem:$0x3FB5] =	sst s0;
	s0 =	simm.s32 @!p2 $0x0  }
0x16: {  	s3 =	sld [smem:$0x3FDB];
	s0 =	simm.s32 @p2 $0x1  }
0x17: {  	s4 =	simm.s32 $0x1BF5;
	[smem:$0x3FB7] =	sst s0  }
0x18: {  	s0 =	sld [smem:$0x3F9A];
	_ =	swait.ge [sflag:s4], $0x0  }
0x19: {  	s7 =	sld [smem:$0x3F9B]  }
0x1a: {  	s8 =	sadd.s32 $0xFFFFE003, lr  }
0x1b: {  	s9 =	sadd.s32 $0xFFFFFEF7, lr;
	s5 =	simm.s32 $0xFFFFFFFF;
	p2 =	slt.u32 s8, $0xFFFFF086  }
0x1c: {  	p1 =	slt.u32 s9, $0xF7A;
	s5 =	simm.s32 @!p2 $0x0  }
0x1d: {  	s5 =	simm.s32 @p1 $0x1;
	p0 =	seq.s32 s7, s2  }
0x1e: {  	s7 =	smul.u32 @!p0 $0xF7A, s2;
	p2 =	seq.s32 @!p0 s5, $0x0  }
0x1f: {  	s9 =	smul.u32 $0xF7A, s1;
	s8 =	simm.s32 @!p0 $0x1BF5;
	p2 =	por !p2, p0  }
0x20: {  	[sflag:s8] =	ssyncset.s32 @!p0 $0xFFFFF086;
	s6 =	sadd.s32 @!p0 s3, s7;
	s7 =	simm.s32 @!p0 $0x108  }
0x21: {  	s3 =	sadd.s32 s3, s9;
	s6 =	sadd.s32 @!p0 $0x88, s6;
	s7 =	simm.s32 @p2 $0x1082  }
0x22: {  	[simem:s7], [sflag:s8] =	dma.local @!p0 [hbm:s6], $0xF7A  }
0x23: {  	s9 =	sor.u32 $0xD0000000, s2;
	s6 =	simm.s32 $0x108;
	_ =	swait.ge @!p0 [sflag:s8], $0x0  }
0x24: {  	s3 =	sadd.s32 $0x88, s3;
	s6 =	simm.s32 @!p1 $0x1082;
	[sflag:s4] =	ssyncset.s32 $0xFFFFF086  }
0x25: {  	[simem:s6], [sflag:s4] =	dma.local [hbm:s3], $0xF7A  }
0x26: {  	[smem:$0x3F9B] =	sst s1;
	(tag) =	ssettag s2;
	_ =	strace s9  }
0x27: {  	s1 =	sld [smem:$0x3FAB]  }
0x28: {  	s2 =	sld [smem:$0x3FAC]  }
0x29: {  	s4 =	sld [smem:$0x3FAE]  }
0x2a: {  	p0 =	seq.s32 s5, $0x0;
	s5 =	sld [smem:$0x3FAF]  }
0x2b: {  	s6 =	sld [smem:$0x3FB0]  }
0x2c: {  	s7 =	sld [smem:$0x3FB1]  }
0x2d: {  	s3 =	simm.s32 $0x108;
	s8 =	sld [smem:$0x3FB2]  }
0x2e: {  	s3 =	simm.s32 @!p0 $0x1082;
	s9 =	sld [smem:$0x3FB3]  }
0x2f: {  	lr =	sadd.s32 s0, s3;
	s0 =	sld [smem:$0x3FAA]  }
0x30: {  	s3 =	sld [smem:$0x3FAD]  }
0x31: {  	[smem:$0x3FB6] =	sst s10  }
0x32: {  	s10 =	sld [smem:$0x3FB4];
	_ =	sdelay $0x3  }
0x33: {  	p0 =	seq.s32 s10, $0x1;
	s10 =	sld [smem:$0x3FB6];
	_ =	sdelay $0x3  }
0x34: {  	[smem:$0x3FB6] =	sst s10  }
0x35: {  	s10 =	sld [smem:$0x3FB5];
	_ =	sdelay $0x3  }
0x36: {  	p1 =	seq.s32 s10, $0x1;
	s10 =	sld [smem:$0x3FB6];
	_ =	sdelay $0x3  }
0x37: {  	[smem:$0x3FB6] =	sst s10  }
0x38: {  	s10 =	sld [smem:$0x3FB7]  }
0x39: {  	_ = 	snop;
	(pc) =	sbr.ind lr, $3  }
0x3a: {  	_ = 	snop  }
0x3b: {  	_ = 	snop  }
0x3c: {  	p2 =	seq.s32 s10, $0x1;
	s10 =	sld [smem:$0x3FB6]  }
0x3d: {  	_ =	shalt  }
0x3e: {  	_ =	shalt  }
0x3f: {  	_ =	shalt  }
0x40: {  	_ =	shalt  }
0x41: {  	_ =	shalt  }
0x42: {  	_ =	shalt  }
0x43: {  	_ =	shalt  }
0x44: {  	_ =	shalt  }
0x45: {  	_ =	shalt  }
0x46: {  	_ =	shalt  }
0x47: {  	_ =	shalt  }
0x48: {  	_ =	shalt  }
0x49: {  	_ =	shalt  }
0x4a: {  	_ =	shalt  }
0x4b: {  	_ =	shalt  }
0x4c: {  	_ =	shalt  }
0x4d: {  	_ =	shalt  }
0x4e: {  	_ =	shalt  }
0x4f: {  	_ =	shalt  }
0x50: {  	_ =	shalt  }
0x51: {  	_ =	shalt  }
0x52: {  	_ =	shalt  }
0x53: {  	_ =	shalt  }
0x54: {  	_ =	shalt  }
0x55: {  	_ =	shalt  }
0x56: {  	_ =	shalt  }
0x57: {  	_ =	shalt  }
0x58: {  	_ =	shalt  }
0x59: {  	_ =	shalt  }
0x5a: {  	_ =	shalt  }
0x5b: {  	_ =	shalt  }
0x5c: {  	_ =	shalt  }
0x5d: {  	_ =	shalt  }
0x5e: {  	_ =	shalt  }
0x5f: {  	_ =	shalt  }
0x60: {  	_ =	shalt  }
0x61: {  	_ =	shalt  }
0x62: {  	_ =	shalt  }
0x63: {  	_ =	shalt  }
0x64: {  	_ =	shalt  }
0x65: {  	_ =	shalt  }
0x66: {  	_ =	shalt  }
0x67: {  	_ =	shalt  }
0x68: {  	_ =	shalt  }
0x69: {  	_ =	shalt  }
0x6a: {  	_ =	shalt  }
0x6b: {  	_ =	shalt  }
0x6c: {  	_ =	shalt  }
0x6d: {  	_ =	shalt  }
0x6e: {  	_ =	shalt  }
0x6f: {  	_ =	shalt  }
0x70: {  	_ =	shalt  }
0x71: {  	_ =	shalt  }
0x72: {  	_ =	shalt  }
0x73: {  	_ =	shalt  }
0x74: {  	_ =	shalt  }
0x75: {  	_ =	shalt  }
0x76: {  	_ =	shalt  }
0x77: {  	_ =	shalt  }
0x78: {  	_ =	shalt  }
0x79: {  	_ =	shalt  }
0x7a: {  	_ =	shalt  }
0x7b: {  	_ =	shalt  }
0x7c: {  	_ =	shalt  }
0x7d: {  	_ =	shalt  }
0x7e: {  	_ =	shalt  }
0x7f: {  	_ =	shalt  }
0x80: {  	_ =	shalt  }
0x81: {  	_ =	shalt  }
0x82: {  	_ =	shalt  }
0x83: {  	_ =	shalt  }
0x84: {  	_ =	shalt  }
0x85: {  	_ =	shalt  }
0x86: {  	_ =	shalt  }
0x87: {  	_ =	shalt  }
.Lfunc_end0:
.L_simem_size_0:
called_computation.2_lowered:
.L_overlay_start_0:
0x88: {  	s2 =	sld [smem:$0x3FD9]  }
0x89: {  	s3 =	sld [smem:$0x3FFE];
	_ =	sdelay $0x1  }
0x8a: {  	s1 =	srdreg.scid  }
0x8b: {  	s0 =	sand.u32 $0x1, s1  }
0x8c: {  	s17 =	sshll.u32 s0, $0xA;
	s2 =	sadd.s32 s3, s2  }
0x8d: {  	s2 =	sadd.s32 s2, s17  }
0x8e: {  	[smem:$0x3FC2] =	sst s2  }
0x8f: {  	_ = 	snop  }
0x90: {  	s2 =	sld [smem:$0x3FD0];
	(tm) =	ssettm $0x1  }
0x91: {  	s18 =	sld [smem:$0x3FFB];
	_ =	sdelay $0x3  }
0x92: {  	_ =	strace s18  }
0x93: {  	s3 =	sld [smem:$0x3FFC];
	_ =	sdelay $0x3  }
0x94: {  	_ =	strace s3  }
0x95: {  	s3 =	sld [smem:$0x3FFD];
	_ =	sdelay $0x3  }
0x96: {  	_ =	strace s3  }
0x97: {  	_ =	strace $0x8FFFFFFF  }
0x98: {  	s19 =	sld [smem:$0x3FDB];
	_ =	sdelay $0x1  }
0x99: {  	s4 =	simm.s32 $_scs_section_size  }
0x9a: {  	s5 =	simm.s32 $_size__tile_overlayer_lowered;
	s6 =	simm.s32 $_tile_overlayer_lowered  }
0x9b: {  	s22 =	simm.s32 $0x1BFF;
	s21 =	sshll.u32 s6, $0x1;
	s3 =	sadd.s32 s4, s19  }
0x9c: {  	s7 =	simm.s32 $0x0;
	s20 =	sshll.u32 s5, $0x1;
	s5 =	sadd.s32 s21, s3  }
0x9d: {  	[timem:s7], [sflag:s22] =	dma.local [hbm:s5], s20  }
0x9e: {  	_ =	swait.ge [sflag:s22], s20  }
0x9f: {  	s4 =	ssub.s32 $0x0, s20;
	[sflag:s22] =	ssyncset.done $0x0  }
0xa0: {  	[sflag:s22] =	ssyncadd.s32 s4;
	_ =	sdelay $0x1  }
0xa1: {  	s23 =	simm.s32 $0x1B8B  }
0xa2: {  	_ =	swait.ge [sflag:s23], $0x1  }
0xa3: {  	[sflag:s23] =	ssyncset.done $0x0  }
0xa4: {  	s25 =	simm.s32 $0x1B8E;
	s24 =	sld [smem:$0x3FFE];
	[sflag:s23] =	ssyncadd.s32 $0xFFFFFFFF  }
0xa5: {  	s26 =	simm.s32 $execute0_lowered;
	[smem:$0x3FD2] =	sst s25  }
0xa6: {  	s5 =	sshll.u32 s26, $0x1;
	_ =	strace $0x8000004C;
	[dreg:$0x1] =	wrdreg $0xFFFFFFFF  }
0xa7: {  	s28 =	simm.s32 $_size_execute0_lowered;
	s3 =	sadd.s32 s3, s5;
	[dreg:$0x0] =	wrdreg $0x0  }
0xa8: {  	s5 =	sshll.u32 s28, $0x1;
	[dreg:$0x2] =	wrdreg s3  }
0xa9: {  	[dreg:$0x3] =	wrdreg s5  }
0xaa: {  	[dreg:$0x4] =	wrdreg $0xC0  }
0xab: {  	_ =	task [dreg:s7], $0x5FFFF  }
0xac: {  	[dreg:$0x1] =	wrdreg $0xFFFFFFFF  }
0xad: {  	[dreg:$0x0] =	wrdreg $0x60  }
0xae: {  	[dreg:$0x2] =	wrdreg s2  }
0xaf: {  	[dreg:$0x3] =	wrdreg s24  }
0xb0: {  	[dreg:$0x4] =	wrdreg $0xB7800  }
0xb1: {  	[dreg:$0x5] =	wrdreg $0x9  }
0xb2: {  	_ =	task.clear_ibuf [dreg:s7], $0x6FFFF;
	_ =	strace $0x9000004C  }
0xb3: {  	s29 =	simm.s32 $0x9;
	_ =	strace $0x8000004E  }
0xb4: {  	_ =	swait.ge [sflag:s29], $0x1  }
0xb5: {  	[sflag:s29] =	ssyncadd.s32 $0xFFFFFFFF  }
0xb6: {  	_ =	strace $0x9000004E  }
0xb7: {  	_ =	sfence  }
0xb8: {  	s30 =	sld [smem:$0x0];
	_ =	sdelay $0x2  }
0xb9: {  	s31 =	sshll.u32 s1, $0xD;
	s1 =	sshrl.u32 s1, $0x2  }
0xba: {  	s3 =	sand.u32 $0x4000, s31;
	s1 =	sadd.s32 s1, s30  }
0xbb: {  	s0 =	sor.u32 s3, s0;
	s1 =	sshll.u32 s1, $0x11  }
0xbc: {  	s0 =	sor.u32 s1, s0  }
0xbd: {  	s0 =	sadd.s32 $0x8F2B, s0  }
0xbe: {  	[sflag:s0] =	ssyncadd.remote.s32 $0x1  }
0xbf: {  	_ =	sfence.sel $0xFFFF  }
0xc0: {  	[dreg:$0x0] =	wrdreg $0xFFFFFFFF;
	(pc) =	sbr.abs _section_cstart, $3  }
0xc1: {  	[dreg:$0x1] =	wrdreg $0xFFFFFFFF  }
0xc2: {  	_ =	task.clear_ibuf [dreg:s7], $0x2FFFF;
	_ =	strace $0x9FFFFFFF  }
0xc3: {  	(tm) =	ssettm $0x7FFFFFFF  }
tec
execute0_lowered:
.L_overlay_start_1:
0x0: {  	(tag) =	ssettag $0x1  }
0x1: {  	s22 =	stileid.u32  }
0x2: {  	s0 =	srdreg.scid;
	s8 =	smul.u32 $0xA000, s22  }
0x3: {  	s0 =	sand.u32 $0x1, s0;
	s24 =	smul.u32 $0x2800, s22  }
0x4: {  	s9 =	sor.u32 $0x10, s22;
	s7 =	smul.u32 $0x138800, s0  }
0x5: {  	s11 =	sor.u32 $0x20, s22;
	s10 =	smul.u32 $0xA000, s9  }
0x6: {  	s13 =	sor.u32 $0x30, s22;
	s12 =	smul.u32 $0xA000, s11  }
0x7: {  	s15 =	sor.u32 $0x40, s22;
	s14 =	smul.u32 $0xA000, s13  }
0x8: {  	s17 =	sor.u32 $0x50, s22;
	s16 =	smul.u32 $0xA000, s15  }
0x9: {  	s1 =	rddreg [dreg:$0x0];
	s19 =	smul.u32 $0xA000, s17  }
0xa: {  	s2 =	rddreg [dreg:$0x1];
	s26 =	smul.u32 $0x2800, s9  }
0xb: {  	s3 =	rddreg [dreg:$0x2];
	s28 =	simm.s32 $0x28;
	s21 =	smul.u32 $0x2800, s11  }
0xc: {  	s29 =	simm.s32 $0x7B80;
	s30 =	simm.s32 $0x1;
	s13 =	smul.u32 $0x2800, s13  }
0xd: {  	s31 =	simm.s32 $0x2;
	s4 =	sshll.u32 s22, $0x1;
	s15 =	smul.u32 $0x2800, s15  }
0xe: {  	s20 =	sor.u32 $0x60, s22;
	s5 =	sor.u32 s0, s4;
	s23 =	smul.u32 $0x2800, s17  }
0xf: {  	s4 =	simm.s32 $0x0;
	s0 =	ssub.s32 $0x2, s0;
	s6 =	smul.u32 $0x4E2, s5  }
0x10: {  	[smem:$0x7FF] =	sst s4;
	s5 =	sshll.u32 s5, $0xB;
	s18 =	sshrl.u32 s0, $0x1  }
0x11: {  	s25 =	sshrl.u32 s8, $0x2;
	_ =	strace $0x8000004D;
	s5 =	sadd.s32 s5, s2  }
0x12: {  	s0 =	ssub.s32 s0, s18;
	s18 =	smul.u32 $0xA000, s20;
	s8 =	sadd.s32 s25, s3  }
0x13: {  	s10 =	sshrl.u32 s10, $0x2;
	s12 =	sshrl.u32 s12, $0x2;
	s14 =	sshrl.u32 s14, $0x2  }
0x14: {  	s17 =	sadd.s32 s7, s21;
	s21 =	sadd.s32 s7, s13;
	s23 =	sadd.s32 s7, s23  }
0x15: {  	s6 =	sadd.s32 s6, s2;
	s2 =	sadd.s32 $0x30200, s2;
	s5 =	sadd.s32 $0x20200, s5  }
0x16: {  	s0 =	smax.u32 s0, $0x1;
	s9 =	sadd.s32 s10, s3;
	s10 =	sadd.s32 s12, s3  }
0x17: {  	s11 =	sadd.s32 s14, s3;
	s23 =	sshrl.u32 s23, $0x3;
	[dreg:$0x5] =	wrdreg s5  }
0x18: {  	s6 =	sadd.s32 $0xC400, s6;
	[dreg:$0x6] =	wrdreg s0;
	s0 =	sshrl.u32 s16, $0x2  }
0x19: {  	s16 =	sor.u32 $0x70, s22;
	s5 =	sadd.s32 s7, s24;
	s24 =	smul.u32 $0x2800, s20  }
0x1a: {  	s22 =	sadd.s32 s7, s15;
	s20 =	sshrl.u32 s19, $0x2;
	s19 =	sshrl.u32 s17, $0x3  }
0x1b: {  	s17 =	simm.s32 $0x6;
	[dreg:$0x4] =	wrdreg s6;
	s25 =	smul.u32 $0x2800, s16  }
0x1c: {  	s6 =	sadd.s32 s7, s26;
	s26 =	smul.u32 $0xA000, s16;
	s12 =	sadd.s32 s0, s3  }
0x1d: {  	s13 =	sadd.s32 s20, s3;
	s5 =	sshrl.u32 s5, $0x3;
	s20 =	sshrl.u32 s21, $0x3  }
0x1e: {  	s21 =	sshrl.u32 s22, $0x3;
	p0 =	sgt.u32 s16, $0x7C;
	s16 =	simm.s32 $0x5  }
0x1f: {  	s24 =	sadd.s32 s7, s24;
	s6 =	sshrl.u32 s6, $0x3;
	s0 =	sadd.s32 s2, s5  }
0x20: {  	s22 =	sadd.s32 s2, s21;
	s5 =	simm.s32 $0xA380;
	s7 =	sadd.s32 s7, s25  }
0x21: {  	s25 =	sshrl.u32 s18, $0x2;
	s26 =	sshrl.u32 s26, $0x2;
	[dreg:$0x7] =	wrdreg s0  }
0x22: {  	s18 =	sadd.s32 s2, s6;
	s0 =	sadd.s32 s2, s19;
	[dreg:$0xb] =	wrdreg s22  }
0x23: {  	s6 =	simm.s32 $0x3;
	s19 =	simm.s32 $0x0;
	[dreg:$0x8] =	wrdreg s18  }
0x24: {  	s14 =	sadd.s32 s25, s3;
	s15 =	sadd.s32 s26, s3;
	[dreg:$0x9] =	wrdreg s0  }
0x25: {  	s0 =	sadd.s32 s2, s20;
	s25 =	sshrl.u32 s24, $0x3;
	s26 =	sshrl.u32 s7, $0x3  }
0x26: {  	s24 =	simm.s32 $0x7;
	s7 =	simm.s32 $0x4;
	s18 =	simm.s32 $0x8  }
0x27: {  	[dreg:$0xa] =	wrdreg s0;
	s0 =	sadd.s32 s2, s23;
	s23 =	sadd.s32 s2, s26  }
0x28: {  	s26 =	simm.s32 $0x6780;
	[dreg:$0xc] =	wrdreg s0;
	s0 =	sadd.s32 s2, s25  }
0x29: {  	v0 =	vimm.f32 $0.0e+00;
	s2 =	simm.s32 $0x50;
	[dreg:$0xd] =	wrdreg s0;
	s0 =	simm.s32 $0x8F80  }
.LBB2_1:
0x2a: {  	s20 =	rddreg [dreg:$0x4]  }
0x2b: {  	[tilespmem:s4], [sflag:$0x7] =	stream.linear.gather [hbm4b:s20+s4], $0x2710, $0x38;
	[tilespmem:$0x1F000] =	vst v63  }
0x2c: {  	_ =	swait.ge [sflag:s24], $0x2710  }
0x2d: {  	[sflag:s24] =	ssyncset.done $0x0  }
0x2e: {  	s21 =	simm.s32 $0x2780;
	s25 =	rddreg [dreg:$0x5];
	[sflag:s24] =	ssyncadd.s32 $0xFFFFD8F0  }
0x2f: {  	[tilespmem:s21], [sflag:$0x7] =	stream.linear.gather [hbm4b:s25+s4], $0x3E80, $0x38;
	[tilespmem:$0x1F000] =	vst v63  }
0x30: {  	s22 =	sand.u32 $0x70, s4;
	s21 =	sand.u32 $0xFE00, s4;
	_ =	swait.ge [sflag:s24], $0x3E80  }
0x31: {  	s20 =	simm.s32 $0x40;
	s25 =	sshrl.u32 s21, $0x2;
	[sflag:s24] =	ssyncset.done $0x0  }
0x32: {  	s21 =	simm.s32 $0x0;
	s25 =	sor.u32 s22, s25;
	[sflag:s24] =	ssyncadd.s32 $0xFFFFC180  }
.LBB2_2:
0x33: {  	p1 =	sne.s32 s20, $0x9FC0  }
0x34: {  	[tilespmem:s25+$0x6780] =	vst v0;
	s21 =	sadd.s32 $0x10, s21;
	s25 =	smov.u32 s20;
	s20 =	sadd.s32 $0x40, s20  }
.Ltmp0:
0x35: {  	(pc) =	sbr.rel @p1 .LBB2_2-.Ltmp0, $4  }
0x36: {  	_ = 	snop  }
0x37: {  	s25 =	sand.u32 $0xFE00, s25  }
0x38: {  	s22 =	sand.u32 $0x70, s21;
	s25 =	sshrl.u32 s25, $0x2  }
0x39: {  	s25 =	sor.u32 s22, s25  }
0x3a: {  	[tilespmem:s25+$0x6780] =	vst v0  }
0x3b: {  	[spmem:s8] =	stream.linear.scatter [tilespmem:s26], [sflag:$0x7], $0x2800, $0x38;
	[tilespmem:$0x1F000] =	vst v63  }
0x3c: {  	_ =	swait.ge [sflag:s24], $0x2800  }
0x3d: {  	[sflag:s24] =	ssyncset.done $0x0  }
0x3e: {  	[sflag:s24] =	ssyncadd.s32 $0xFFFFD800  }
0x3f: {  	[spmem:s9] =	stream.linear.scatter [tilespmem:s26], [sflag:$0x7], $0x2800, $0x38;
	[tilespmem:$0x1F000] =	vst v63  }
0x40: {  	_ =	swait.ge [sflag:s24], $0x2800  }
0x41: {  	[sflag:s24] =	ssyncset.done $0x0  }
0x42: {  	[sflag:s24] =	ssyncadd.s32 $0xFFFFD800  }
0x43: {  	[spmem:s10] =	stream.linear.scatter [tilespmem:s26], [sflag:$0x7], $0x2800, $0x38;
	[tilespmem:$0x1F000] =	vst v63  }
0x44: {  	_ =	swait.ge [sflag:s24], $0x2800  }
0x45: {  	[sflag:s24] =	ssyncset.done $0x0  }
0x46: {  	[sflag:s24] =	ssyncadd.s32 $0xFFFFD800  }
0x47: {  	[spmem:s11] =	stream.linear.scatter [tilespmem:s26], [sflag:$0x7], $0x2800, $0x38;
	[tilespmem:$0x1F000] =	vst v63  }
0x48: {  	_ =	swait.ge [sflag:s24], $0x2800  }
0x49: {  	[sflag:s24] =	ssyncset.done $0x0  }
0x4a: {  	[sflag:s24] =	ssyncadd.s32 $0xFFFFD800  }
0x4b: {  	[spmem:s12] =	stream.linear.scatter [tilespmem:s26], [sflag:$0x7], $0x2800, $0x38;
	[tilespmem:$0x1F000] =	vst v63  }
0x4c: {  	_ =	swait.ge [sflag:s24], $0x2800  }
0x4d: {  	[sflag:s24] =	ssyncset.done $0x0  }
0x4e: {  	[sflag:s24] =	ssyncadd.s32 $0xFFFFD800  }
0x4f: {  	[spmem:s13] =	stream.linear.scatter [tilespmem:s26], [sflag:$0x7], $0x2800, $0x38;
	[tilespmem:$0x1F000] =	vst v63  }
0x50: {  	_ =	swait.ge [sflag:s24], $0x2800  }
0x51: {  	[sflag:s24] =	ssyncset.done $0x0  }
0x52: {  	[sflag:s24] =	ssyncadd.s32 $0xFFFFD800  }
0x53: {  	[spmem:s14] =	stream.linear.scatter [tilespmem:s26], [sflag:$0x7], $0x2800, $0x38;
	[tilespmem:$0x1F000] =	vst v63  }
0x54: {  	_ =	swait.ge [sflag:s24], $0x2800  }
0x55: {  	[sflag:s24] =	ssyncset.done $0x0  }
0x56: {  	s20 =	simm.s32 @!p0 $0x6780;
	[sflag:s24] =	ssyncadd.s32 $0xFFFFD800  }
0x57: {  	[spmem:s15] =	stream.linear.scatter @!p0 [tilespmem:s20], [sflag:$0x7], $0x2800, $0x38;
	[tilespmem:$0x1F000] =	vst v63  }
0x58: {  	s20 =	simm.s32 @!p0 $0x7  }
0x59: {  	_ =	swait.ge @!p0 [sflag:s20], $0x2800  }
0x5a: {  	[sflag:s20] =	ssyncset.done @!p0 $0x0  }
0x5b: {  	[sflag:s20] =	ssyncadd.s32 @!p0 $0xFFFFD800  }
0x5c: {  	s22 =	simm.s32 $0x0;
	[bflag:$0x0] =	sbarrier.arrive $0xFFFF  }
0x5d: {  	[tilespmem:s26], [sflag:$0x1] =	stream.indirect.gather [hbm4b:s1+s28], $0x80, s22, s28, $0xb8;
	[tilespmem:$0x1F000] =	vst v63  }
0x5e: {  	_ = 	snop  }
0x5f: {  	[tilespmem:s29], [sflag:$0x2] =	stream.indirect.gather [hbm4b:s1+s28], $0x80, s28, s28, $0xb8;
	[tilespmem:$0x1F000] =	vst v63  }
0x60: {  	_ =	swait.ge [sflag:s30], $0x1400  }
0x61: {  	[sflag:s30] =	ssyncset.done $0x0  }
0x62: {  	[sflag:s30] =	ssyncadd.s32 $0xFFFFEC00  }
0x63: {  	_ =	swait.ge [sflag:s31], $0x1400  }
0x64: {  	[sflag:s31] =	ssyncset.done $0x0  }
0x65: {  	s25 =	simm.s32 $0x2780;
	[sflag:s31] =	ssyncadd.s32 $0xFFFFEC00  }
0x66: {  	[spmem:s3] =	stream.indirect.scatter.add.f32 [tilespmem:s26], [sflag:$0x5], $0x80, s25, s2, $0xb8;
	[tilespmem:$0x1F000] =	vst v63  }
0x67: {  	_ = 	snop  }
0x68: {  	[tilespmem:s0], [sflag:$0x3] =	stream.indirect.gather [hbm4b:s1+s28], $0x80, s2, s28, $0xb8;
	[tilespmem:$0x1F000] =	vst v63  }
0x69: {  	s21 =	simm.s32 $0x78  }
0x6a: {  	[tilespmem:s5], [sflag:$0x4] =	stream.indirect.gather [hbm4b:s1+s28], $0x80, s21, s28, $0xb8;
	[tilespmem:$0x1F000] =	vst v63  }
0x6b: {  	_ =	swait.ge [sflag:s6], $0x1400  }
0x6c: {  	[sflag:s6] =	ssyncset.done $0x0  }
0x6d: {  	[sflag:s6] =	ssyncadd.s32 $0xFFFFEC00  }
0x6e: {  	_ =	swait.ge [sflag:s7], $0x1400  }
0x6f: {  	[sflag:s7] =	ssyncset.done $0x0  }
0x70: {  	s22 =	simm.s32 $0x2800;
	[sflag:s7] =	ssyncadd.s32 $0xFFFFEC00  }
0x71: {  	[spmem:s3] =	stream.indirect.scatter.add.f32 [tilespmem:s0], [sflag:$0x6], $0x80, s22, s2, $0xb8;
	[tilespmem:$0x1F000] =	vst v63  }
0x72: {  	_ =	swait.ge [sflag:s16], $0x2800  }
0x73: {  	[sflag:s16] =	ssyncset.done $0x0  }
0x74: {  	s25 =	simm.s32 $0xA0;
	[sflag:s16] =	ssyncadd.s32 $0xFFFFD800  }
0x75: {  	[tilespmem:s26], [sflag:$0x1] =	stream.indirect.gather [hbm4b:s1+s28], $0x80, s25, s28, $0xb8;
	[tilespmem:$0x1F000] =	vst v63  }
0x76: {  	s21 =	simm.s32 $0xC8  }
0x77: {  	[tilespmem:s29], [sflag:$0x2] =	stream.indirect.gather [hbm4b:s1+s28], $0x80, s21, s28, $0xb8;
	[tilespmem:$0x1F000] =	vst v63  }
0x78: {  	_ =	swait.ge [sflag:s30], $0x1400  }
0x79: {  	[sflag:s30] =	ssyncset.done $0x0  }
0x7a: {  	[sflag:s30] =	ssyncadd.s32 $0xFFFFEC00  }
0x7b: {  	_ =	swait.ge [sflag:s31], $0x1400  }
0x7c: {  	[sflag:s31] =	ssyncset.done $0x0  }
0x7d: {  	s22 =	simm.s32 $0x2880;
	[sflag:s31] =	ssyncadd.s32 $0xFFFFEC00  }
0x7e: {  	[spmem:s3] =	stream.indirect.scatter.add.f32 [tilespmem:s26], [sflag:$0x5], $0x80, s22, s2, $0xb8;
	[tilespmem:$0x1F000] =	vst v63  }
0x7f: {  	_ =	swait.ge [sflag:s17], $0x2800  }
0x80: {  	[sflag:s17] =	ssyncset.done $0x0  }
0x81: {  	s25 =	simm.s32 $0xF0;
	[sflag:s17] =	ssyncadd.s32 $0xFFFFD800  }
0x82: {  	[tilespmem:s0], [sflag:$0x3] =	stream.indirect.gather [hbm4b:s1+s28], $0x80, s25, s28, $0xb8;
	[tilespmem:$0x1F000] =	vst v63  }
0x83: {  	s21 =	simm.s32 $0x118  }
0x84: {  	[tilespmem:s5], [sflag:$0x4] =	stream.indirect.gather [hbm4b:s1+s28], $0x80, s21, s28, $0xb8;
	[tilespmem:$0x1F000] =	vst v63  }
0x85: {  	_ =	swait.ge [sflag:s6], $0x1400  }
0x86: {  	[sflag:s6] =	ssyncset.done $0x0  }
0x87: {  	[sflag:s6] =	ssyncadd.s32 $0xFFFFEC00  }
0x88: {  	_ =	swait.ge [sflag:s7], $0x1400  }
0x89: {  	[sflag:s7] =	ssyncset.done $0x0  }
0x8a: {  	s22 =	simm.s32 $0x2900;
	[sflag:s7] =	ssyncadd.s32 $0xFFFFEC00  }
0x8b: {  	[spmem:s3] =	stream.indirect.scatter.add.f32 [tilespmem:s0], [sflag:$0x6], $0x80, s22, s2, $0xb8;
	[tilespmem:$0x1F000] =	vst v63  }
0x8c: {  	_ =	swait.ge [sflag:s16], $0x2800  }
0x8d: {  	[sflag:s16] =	ssyncset.done $0x0  }
0x8e: {  	s25 =	simm.s32 $0x140;
	[sflag:s16] =	ssyncadd.s32 $0xFFFFD800  }
0x8f: {  	[tilespmem:s26], [sflag:$0x1] =	stream.indirect.gather [hbm4b:s1+s28], $0x80, s25, s28, $0xb8;
	[tilespmem:$0x1F000] =	vst v63  }
0x90: {  	s20 =	simm.s32 $0x280;
	s21 =	simm.s32 $0x2980;
	s25 =	simm.s32 $0x168  }
.LBB2_4:
0x91: {  	[tilespmem:s29], [sflag:$0x2] =	stream.indirect.gather [hbm4b:s1+s28], $0x80, s25, s28, $0xb8;
	[tilespmem:$0x1F000] =	vst v63  }
0x92: {  	s22 =	smov.u32 s20  }
0x93: {  	p1 =	sne.s32 s20, $0x9600;
	s20 =	sadd.s32 $0x280, s20;
	_ =	swait.ge [sflag:s30], $0x1400  }
0x94: {  	[sflag:s30] =	ssyncset.done $0x0  }
0x95: {  	[sflag:s30] =	ssyncadd.s32 $0xFFFFEC00  }
0x96: {  	_ =	swait.ge [sflag:s31], $0x1400  }
0x97: {  	[sflag:s31] =	ssyncset.done $0x0  }
0x98: {  	[sflag:s31] =	ssyncadd.s32 $0xFFFFEC00  }
0x99: {  	[spmem:s3] =	stream.indirect.scatter.add.f32 [tilespmem:s26], [sflag:$0x5], $0x80, s21, s2, $0xb8;
	[tilespmem:$0x1F000] =	vst v63  }
0x9a: {  	_ =	swait.ge [sflag:s17], $0x2800  }
0x9b: {  	s22 =	sshra.s32 s22, $0x2;
	[sflag:s17] =	ssyncset.done $0x0  }
0x9c: {  	s25 =	sadd.s32 $0xF0, s22;
	[sflag:s17] =	ssyncadd.s32 $0xFFFFD800  }
0x9d: {  	[tilespmem:s0], [sflag:$0x3] =	stream.indirect.gather [hbm4b:s1+s28], $0x80, s25, s28, $0xb8;
	[tilespmem:$0x1F000] =	vst v63  }
0x9e: {  	s25 =	sadd.s32 $0x118, s22  }
0x9f: {  	[tilespmem:s5], [sflag:$0x4] =	stream.indirect.gather [hbm4b:s1+s28], $0x80, s25, s28, $0xb8;
	[tilespmem:$0x1F000] =	vst v63  }
0xa0: {  	_ =	swait.ge [sflag:s6], $0x1400  }
0xa1: {  	[sflag:s6] =	ssyncset.done $0x0  }
0xa2: {  	[sflag:s6] =	ssyncadd.s32 $0xFFFFEC00  }
0xa3: {  	_ =	swait.ge [sflag:s7], $0x1400  }
0xa4: {  	[sflag:s7] =	ssyncset.done $0x0  }
0xa5: {  	s25 =	sadd.s32 $0x80, s21;
	[sflag:s7] =	ssyncadd.s32 $0xFFFFEC00  }
0xa6: {  	[spmem:s3] =	stream.indirect.scatter.add.f32 [tilespmem:s0], [sflag:$0x6], $0x80, s25, s2, $0xb8;
	[tilespmem:$0x1F000] =	vst v63  }
.Ltmp1:
0xa7: {  	_ =	swait.ge [sflag:s16], $0x2800;
	(pc) =	sbr.rel @p1 .LBB2_4-.Ltmp1, $4  }
0xa8: {  	[sflag:s16] =	ssyncset.done $0x0  }
0xa9: {  	s25 =	sadd.s32 $0x140, s22;
	[sflag:s16] =	ssyncadd.s32 $0xFFFFD800  }
0xaa: {  	[tilespmem:s26], [sflag:$0x1] =	stream.indirect.gather [hbm4b:s1+s28], $0x80, s25, s28, $0xb8;
	[tilespmem:$0x1F000] =	vst v63  }
0xab: {  	s21 =	sadd.s32 $0x100, s21;
	s25 =	sadd.s32 $0x168, s22  }
0xac: {  	[tilespmem:s29], [sflag:$0x2] =	stream.indirect.gather [hbm4b:s1+s28], $0x80, s25, s28, $0xb8;
	[tilespmem:$0x1F000] =	vst v63  }
0xad: {  	_ =	swait.ge [sflag:s30], $0x1400  }
0xae: {  	[sflag:s30] =	ssyncset.done $0x0  }
0xaf: {  	[sflag:s30] =	ssyncadd.s32 $0xFFFFEC00  }
0xb0: {  	_ =	swait.ge [sflag:s31], $0x1400  }
0xb1: {  	[sflag:s31] =	ssyncset.done $0x0  }
0xb2: {  	s20 =	simm.s32 $0x6580;
	[sflag:s31] =	ssyncadd.s32 $0xFFFFEC00  }
0xb3: {  	[spmem:s3] =	stream.indirect.scatter.add.f32 [tilespmem:s26], [sflag:$0x5], $0x80, s20, s2, $0xb8;
	[tilespmem:$0x1F000] =	vst v63  }
0xb4: {  	_ =	swait.ge [sflag:s16], $0x2800  }
0xb5: {  	[sflag:s16] =	ssyncset.done $0x0  }
0xb6: {  	[sflag:s16] =	ssyncadd.s32 $0xFFFFD800  }
0xb7: {  	_ =	swait.ge [sflag:s17], $0x2800  }
0xb8: {  	[sflag:s17] =	ssyncset.done $0x0  }
0xb9: {  	[sflag:s17] =	ssyncadd.s32 $0xFFFFD800  }
0xba: {  	[bflag:$0x0] =	sbarrier.arrive $0xFFFF  }
0xbb: {  	[tilespmem:s26], [sflag:$0x8] =	stream.linear.gather [spmem:s8], $0x2800, $0x38;
	[tilespmem:$0x1F000] =	vst v63  }
0xbc: {  	_ =	swait.ge [sflag:s18], $0x2800  }
0xbd: {  	[sflag:s18] =	ssyncset.done $0x0  }
0xbe: {  	s22 =	rddreg [dreg:$0x7];
	[sflag:s18] =	ssyncadd.s32 $0xFFFFD800  }
0xbf: {  	[hbm4b:s22+s4] =	stream.linear.scatter [tilespmem:s26], [sflag:$0x7], $0x2800, $0x38;
	[tilespmem:$0x1F000] =	vst v63  }
0xc0: {  	_ =	swait.ge [sflag:s24], $0x2800  }
0xc1: {  	[sflag:s24] =	ssyncset.done $0x0  }
0xc2: {  	[sflag:s24] =	ssyncadd.s32 $0xFFFFD800  }
0xc3: {  	[tilespmem:s26], [sflag:$0x8] =	stream.linear.gather [spmem:s9], $0x2800, $0x38;
	[tilespmem:$0x1F000] =	vst v63  }
0xc4: {  	_ =	swait.ge [sflag:s18], $0x2800  }
0xc5: {  	[sflag:s18] =	ssyncset.done $0x0  }
0xc6: {  	s25 =	rddreg [dreg:$0x8];
	[sflag:s18] =	ssyncadd.s32 $0xFFFFD800  }
0xc7: {  	[hbm4b:s25+s4] =	stream.linear.scatter [tilespmem:s26], [sflag:$0x7], $0x2800, $0x38;
	[tilespmem:$0x1F000] =	vst v63  }
0xc8: {  	_ =	swait.ge [sflag:s24], $0x2800  }
0xc9: {  	[sflag:s24] =	ssyncset.done $0x0  }
0xca: {  	[sflag:s24] =	ssyncadd.s32 $0xFFFFD800  }
0xcb: {  	[tilespmem:s26], [sflag:$0x8] =	stream.linear.gather [spmem:s10], $0x2800, $0x38;
	[tilespmem:$0x1F000] =	vst v63  }
0xcc: {  	_ =	swait.ge [sflag:s18], $0x2800  }
0xcd: {  	[sflag:s18] =	ssyncset.done $0x0  }
0xce: {  	s21 =	rddreg [dreg:$0x9];
	[sflag:s18] =	ssyncadd.s32 $0xFFFFD800  }
0xcf: {  	[hbm4b:s21+s4] =	stream.linear.scatter [tilespmem:s26], [sflag:$0x7], $0x2800, $0x38;
	[tilespmem:$0x1F000] =	vst v63  }
0xd0: {  	_ =	swait.ge [sflag:s24], $0x2800  }
0xd1: {  	[sflag:s24] =	ssyncset.done $0x0  }
0xd2: {  	[sflag:s24] =	ssyncadd.s32 $0xFFFFD800  }
0xd3: {  	[tilespmem:s26], [sflag:$0x8] =	stream.linear.gather [spmem:s11], $0x2800, $0x38;
	[tilespmem:$0x1F000] =	vst v63  }
0xd4: {  	_ =	swait.ge [sflag:s18], $0x2800  }
0xd5: {  	[sflag:s18] =	ssyncset.done $0x0  }
0xd6: {  	s22 =	rddreg [dreg:$0xa];
	[sflag:s18] =	ssyncadd.s32 $0xFFFFD800  }
0xd7: {  	[hbm4b:s22+s4] =	stream.linear.scatter [tilespmem:s26], [sflag:$0x7], $0x2800, $0x38;
	[tilespmem:$0x1F000] =	vst v63  }
0xd8: {  	_ =	swait.ge [sflag:s24], $0x2800  }
0xd9: {  	[sflag:s24] =	ssyncset.done $0x0  }
0xda: {  	[sflag:s24] =	ssyncadd.s32 $0xFFFFD800  }
0xdb: {  	[tilespmem:s26], [sflag:$0x8] =	stream.linear.gather [spmem:s12], $0x2800, $0x38;
	[tilespmem:$0x1F000] =	vst v63  }
0xdc: {  	_ =	swait.ge [sflag:s18], $0x2800  }
0xdd: {  	[sflag:s18] =	ssyncset.done $0x0  }
0xde: {  	s25 =	rddreg [dreg:$0xb];
	[sflag:s18] =	ssyncadd.s32 $0xFFFFD800  }
0xdf: {  	[hbm4b:s25+s4] =	stream.linear.scatter [tilespmem:s26], [sflag:$0x7], $0x2800, $0x38;
	[tilespmem:$0x1F000] =	vst v63  }
0xe0: {  	_ =	swait.ge [sflag:s24], $0x2800  }
0xe1: {  	[sflag:s24] =	ssyncset.done $0x0  }
0xe2: {  	[sflag:s24] =	ssyncadd.s32 $0xFFFFD800  }
0xe3: {  	[tilespmem:s26], [sflag:$0x8] =	stream.linear.gather [spmem:s13], $0x2800, $0x38;
	[tilespmem:$0x1F000] =	vst v63  }
0xe4: {  	_ =	swait.ge [sflag:s18], $0x2800  }
0xe5: {  	[sflag:s18] =	ssyncset.done $0x0  }
0xe6: {  	s21 =	rddreg [dreg:$0xc];
	[sflag:s18] =	ssyncadd.s32 $0xFFFFD800  }
0xe7: {  	[hbm4b:s21+s4] =	stream.linear.scatter [tilespmem:s26], [sflag:$0x7], $0x2800, $0x38;
	[tilespmem:$0x1F000] =	vst v63  }
0xe8: {  	_ =	swait.ge [sflag:s24], $0x2800  }
0xe9: {  	[sflag:s24] =	ssyncset.done $0x0  }
0xea: {  	[sflag:s24] =	ssyncadd.s32 $0xFFFFD800  }
0xeb: {  	[tilespmem:s26], [sflag:$0x8] =	stream.linear.gather [spmem:s14], $0x2800, $0x38;
	[tilespmem:$0x1F000] =	vst v63  }
0xec: {  	_ =	swait.ge [sflag:s18], $0x2800  }
0xed: {  	[sflag:s18] =	ssyncset.done $0x0  }
0xee: {  	s22 =	rddreg [dreg:$0xd];
	[sflag:s18] =	ssyncadd.s32 $0xFFFFD800  }
0xef: {  	[hbm4b:s22+s4] =	stream.linear.scatter [tilespmem:s26], [sflag:$0x7], $0x2800, $0x38;
	[tilespmem:$0x1F000] =	vst v63  }
0xf0: {  	_ =	swait.ge [sflag:s24], $0x2800  }
0xf1: {  	[sflag:s24] =	ssyncset.done $0x0  }
0xf2: {  	s20 =	simm.s32 @!p0 $0x6780;
	s21 =	simm.s32 @!p0 $0x8;
	[sflag:s24] =	ssyncadd.s32 $0xFFFFD800  }
0xf3: {  	[tilespmem:s20], [sflag:$0x8] =	stream.linear.gather @!p0 [spmem:s15], $0x2800, $0x38;
	[tilespmem:$0x1F000] =	vst v63  }
0xf4: {  	_ =	swait.ge @!p0 [sflag:s21], $0x2800  }
0xf5: {  	[sflag:s21] =	ssyncset.done @!p0 $0x0  }
0xf6: {  	[sflag:s21] =	ssyncadd.s32 @!p0 $0xFFFFD800;
	s21 =	simm.s32 @!p0 $0x0  }
0xf7: {  	[hbm4b:s23+s21] =	stream.linear.scatter @!p0 [tilespmem:s20], [sflag:$0x7], $0x2800, $0x38;
	[tilespmem:$0x1F000] =	vst v63  }
0xf8: {  	s20 =	simm.s32 @!p0 $0x7  }
0xf9: {  	_ =	swait.ge @!p0 [sflag:s20], $0x2800  }
0xfa: {  	s19 =	sadd.s32 $0x1, s19;
	s25 =	rddreg [dreg:$0x6]  }
0xfb: {  	p1 =	sne.s32 s19, s25  }
.Ltmp2:
0xfc: {  	_ = 	snop;
	(pc) =	sbr.rel @p1 .LBB2_1-.Ltmp2, $3  }
0xfd: {  	_ =	sdelay $0x1  }
0xfe: {  	[sflag:s20] =	ssyncset.done @!p0 $0x0  }
0xff: {  	[sflag:s20] =	ssyncadd.s32 @!p0 $0xFFFFD800  }
0x100: {  	_ =	sfence.sel $0x180000  }
0x101: {  	[bflag:$0x0] =	sbarrier.arrive $0xFFFF  }
0x102: {  	_ =	strace $0x9000004D  }
0x103: {  	s0 =	stileid.u32;
	[bflag:$0x2] =	sbarrier.arrive $0xFFFF  }
0x104: {  	p0 =	sne.s32 s0, $0x0;
	s0 =	rddreg [dreg:$0x3]  }
0x105: {  	s0 =	sadd.s32 @!p0 $0x100000, s0  }
0x106: {  	[sflag:s0] =	ssyncadd.tile.s32 @!p0 $0x1;
	_ =	shalt  }
.Lfunc_end2:
_tile_overlayer_lowered:
.L_overlay_start_2:
0x107: {  	(tag) =	ssettag $0x2  }
0x108: {  	s0 =	rddreg [dreg:$0x0];
	s2 =	stileid.u32  }
0x109: {  	s1 =	rddreg [dreg:$0x1];
	p0 =	sne.s32 s2, $0x0  }
0x10a: {  	s3 =	rddreg [dreg:$0x2];
	[bflag:$0x3] =	sbarrier.arrive $0xFFFF;
	s2 =	simm.s32 @!p0 $0x1C07  }
0x10b: {  	[timem:s3], [sflag:s2] =	dma.local @!p0 [hbm:s0], s1  }
0x10c: {  	s0 =	simm.s32 @!p0 $0x7  }
0x10d: {  	_ =	swait.ge @!p0 [sflag:s0], s1  }
0x10e: {  	s1 =	ssub.s32 @!p0 $0x0, s1;
	[sflag:s0] =	ssyncset.done @!p0 $0x0  }
0x10f: {  	[sflag:s0] =	ssyncadd.s32 @!p0 s1  }
0x110: {  	[bflag:$0x3] =	sbarrier.arrive $0xFFFF  }
0x111: {  	_ =	shalt  }

// kernel: kernel.8.cloned.1.call-start
scs
__scs_entry_jumppad:
0x0: {  	(pc) =	sbr.rel $0x88, $3  }
0x1: {  	(tag) =	ssettag $0x0;
	lr =	simm.s32 $0x1  }
0x2: {  	[smem:$0x3F9B] =	sst lr;
	_ =	strace $0xD0000000  }
0x3: {  	_ = 	snop  }
0x4: {  	_ = 	snop  }
0x5: {  	_ = 	snop  }
0x6: {  	_ = 	snop  }
0x7: {  	_ = 	snop  }
__scs_overlays_trampoline_lowered:
0x8: {  	[smem:$0x3FAA] =	sst s0  }
0x9: {  	[smem:$0x3FAB] =	sst s1  }
0xa: {  	[smem:$0x3FAC] =	sst s2  }
0xb: {  	[smem:$0x3FAD] =	sst s3  }
0xc: {  	[smem:$0x3FAE] =	sst s4  }
0xd: {  	[smem:$0x3FAF] =	sst s5  }
0xe: {  	[smem:$0x3FB0] =	sst s6  }
0xf: {  	[smem:$0x3FB1] =	sst s7  }
0x10: {  	[smem:$0x3FB2] =	sst s8  }
0x11: {  	[smem:$0x3FB3] =	sst s9;
	s0 =	simm.s32 @!p0 $0x0  }
0x12: {  	s1 =	sld [smem:$0x3F99];
	s0 =	simm.s32 @p0 $0x1  }
0x13: {  	[smem:$0x3FB4] =	sst s0;
	s0 =	simm.s32 @!p1 $0x0  }
0x14: {  	s2 =	sld [smem:$0x3F98];
	s0 =	simm.s32 @p1 $0x1  }
0x15: {  	[smem:$0x3FB5] =	sst s0;
	s0 =	simm.s32 @!p2 $0x0  }
0x16: {  	s3 =	sld [smem:$0x3FDB];
	s0 =	simm.s32 @p2 $0x1  }
0x17: {  	s4 =	simm.s32 $0x1BF5;
	[smem:$0x3FB7] =	sst s0  }
0x18: {  	s0 =	sld [smem:$0x3F9A];
	_ =	swait.ge [sflag:s4], $0x0  }
0x19: {  	s7 =	sld [smem:$0x3F9B]  }
0x1a: {  	s8 =	sadd.s32 $0xFFFFE003, lr  }
0x1b: {  	s9 =	sadd.s32 $0xFFFFFEF7, lr;
	s5 =	simm.s32 $0xFFFFFFFF;
	p2 =	slt.u32 s8, $0xFFFFF086  }
0x1c: {  	p1 =	slt.u32 s9, $0xF7A;
	s5 =	simm.s32 @!p2 $0x0  }
0x1d: {  	s5 =	simm.s32 @p1 $0x1;
	p0 =	seq.s32 s7, s2  }
0x1e: {  	s7 =	smul.u32 @!p0 $0xF7A, s2;
	p2 =	seq.s32 @!p0 s5, $0x0  }
0x1f: {  	s9 =	smul.u32 $0xF7A, s1;
	s8 =	simm.s32 @!p0 $0x1BF5;
	p2 =	por !p2, p0  }
0x20: {  	[sflag:s8] =	ssyncset.s32 @!p0 $0xFFFFF086;
	s6 =	sadd.s32 @!p0 s3, s7;
	s7 =	simm.s32 @!p0 $0x108  }
0x21: {  	s3 =	sadd.s32 s3, s9;
	s6 =	sadd.s32 @!p0 $0x88, s6;
	s7 =	simm.s32 @p2 $0x1082  }
0x22: {  	[simem:s7], [sflag:s8] =	dma.local @!p0 [hbm:s6], $0xF7A  }
0x23: {  	s9 =	sor.u32 $0xD0000000, s2;
	s6 =	simm.s32 $0x108;
	_ =	swait.ge @!p0 [sflag:s8], $0x0  }
0x24: {  	s3 =	sadd.s32 $0x88, s3;
	s6 =	simm.s32 @!p1 $0x1082;
	[sflag:s4] =	ssyncset.s32 $0xFFFFF086  }
0x25: {  	[simem:s6], [sflag:s4] =	dma.local [hbm:s3], $0xF7A  }
0x26: {  	[smem:$0x3F9B] =	sst s1;
	(tag) =	ssettag s2;
	_ =	strace s9  }
0x27: {  	s1 =	sld [smem:$0x3FAB]  }
0x28: {  	s2 =	sld [smem:$0x3FAC]  }
0x29: {  	s4 =	sld [smem:$0x3FAE]  }
0x2a: {  	p0 =	seq.s32 s5, $0x0;
	s5 =	sld [smem:$0x3FAF]  }
0x2b: {  	s6 =	sld [smem:$0x3FB0]  }
0x2c: {  	s7 =	sld [smem:$0x3FB1]  }
0x2d: {  	s3 =	simm.s32 $0x108;
	s8 =	sld [smem:$0x3FB2]  }
0x2e: {  	s3 =	simm.s32 @!p0 $0x1082;
	s9 =	sld [smem:$0x3FB3]  }
0x2f: {  	lr =	sadd.s32 s0, s3;
	s0 =	sld [smem:$0x3FAA]  }
0x30: {  	s3 =	sld [smem:$0x3FAD]  }
0x31: {  	[smem:$0x3FB6] =	sst s10  }
0x32: {  	s10 =	sld [smem:$0x3FB4];
	_ =	sdelay $0x3  }
0x33: {  	p0 =	seq.s32 s10, $0x1;
	s10 =	sld [smem:$0x3FB6];
	_ =	sdelay $0x3  }
0x34: {  	[smem:$0x3FB6] =	sst s10  }
0x35: {  	s10 =	sld [smem:$0x3FB5];
	_ =	sdelay $0x3  }
0x36: {  	p1 =	seq.s32 s10, $0x1;
	s10 =	sld [smem:$0x3FB6];
	_ =	sdelay $0x3  }
0x37: {  	[smem:$0x3FB6] =	sst s10  }
0x38: {  	s10 =	sld [smem:$0x3FB7]  }
0x39: {  	_ = 	snop;
	(pc) =	sbr.ind lr, $3  }
0x3a: {  	_ = 	snop  }
0x3b: {  	_ = 	snop  }
0x3c: {  	p2 =	seq.s32 s10, $0x1;
	s10 =	sld [smem:$0x3FB6]  }
0x3d: {  	_ =	shalt  }
0x3e: {  	_ =	shalt  }
0x3f: {  	_ =	shalt  }
0x40: {  	_ =	shalt  }
0x41: {  	_ =	shalt  }
0x42: {  	_ =	shalt  }
0x43: {  	_ =	shalt  }
0x44: {  	_ =	shalt  }
0x45: {  	_ =	shalt  }
0x46: {  	_ =	shalt  }
0x47: {  	_ =	shalt  }
0x48: {  	_ =	shalt  }
0x49: {  	_ =	shalt  }
0x4a: {  	_ =	shalt  }
0x4b: {  	_ =	shalt  }
0x4c: {  	_ =	shalt  }
0x4d: {  	_ =	shalt  }
0x4e: {  	_ =	shalt  }
0x4f: {  	_ =	shalt  }
0x50: {  	_ =	shalt  }
0x51: {  	_ =	shalt  }
0x52: {  	_ =	shalt  }
0x53: {  	_ =	shalt  }
0x54: {  	_ =	shalt  }
0x55: {  	_ =	shalt  }
0x56: {  	_ =	shalt  }
0x57: {  	_ =	shalt  }
0x58: {  	_ =	shalt  }
0x59: {  	_ =	shalt  }
0x5a: {  	_ =	shalt  }
0x5b: {  	_ =	shalt  }
0x5c: {  	_ =	shalt  }
0x5d: {  	_ =	shalt  }
0x5e: {  	_ =	shalt  }
0x5f: {  	_ =	shalt  }
0x60: {  	_ =	shalt  }
0x61: {  	_ =	shalt  }
0x62: {  	_ =	shalt  }
0x63: {  	_ =	shalt  }
0x64: {  	_ =	shalt  }
0x65: {  	_ =	shalt  }
0x66: {  	_ =	shalt  }
0x67: {  	_ =	shalt  }
0x68: {  	_ =	shalt  }
0x69: {  	_ =	shalt  }
0x6a: {  	_ =	shalt  }
0x6b: {  	_ =	shalt  }
0x6c: {  	_ =	shalt  }
0x6d: {  	_ =	shalt  }
0x6e: {  	_ =	shalt  }
0x6f: {  	_ =	shalt  }
0x70: {  	_ =	shalt  }
0x71: {  	_ =	shalt  }
0x72: {  	_ =	shalt  }
0x73: {  	_ =	shalt  }
0x74: {  	_ =	shalt  }
0x75: {  	_ =	shalt  }
0x76: {  	_ =	shalt  }
0x77: {  	_ =	shalt  }
0x78: {  	_ =	shalt  }
0x79: {  	_ =	shalt  }
0x7a: {  	_ =	shalt  }
0x7b: {  	_ =	shalt  }
0x7c: {  	_ =	shalt  }
0x7d: {  	_ =	shalt  }
0x7e: {  	_ =	shalt  }
0x7f: {  	_ =	shalt  }
0x80: {  	_ =	shalt  }
0x81: {  	_ =	shalt  }
0x82: {  	_ =	shalt  }
0x83: {  	_ =	shalt  }
0x84: {  	_ =	shalt  }
0x85: {  	_ =	shalt  }
0x86: {  	_ =	shalt  }
0x87: {  	_ =	shalt  }
.Lfunc_end0:
.L_simem_size_0:
called_computation_lowered:
.L_overlay_start_0:
0x88: {  	s2 =	sld [smem:$0x3FD9]  }
0x89: {  	s3 =	sld [smem:$0x3FFE];
	_ =	sdelay $0x1  }
0x8a: {  	s1 =	srdreg.scid  }
0x8b: {  	s0 =	sand.u32 $0x1, s1  }
0x8c: {  	s17 =	sshll.u32 s0, $0xA;
	s2 =	sadd.s32 s3, s2  }
0x8d: {  	s2 =	sadd.s32 s2, s17  }
0x8e: {  	[smem:$0x3FC2] =	sst s2  }
0x8f: {  	_ = 	snop  }
0x90: {  	s2 =	sld [smem:$0x3FD0];
	(tm) =	ssettm $0x1  }
0x91: {  	s18 =	sld [smem:$0x3FFB];
	_ =	sdelay $0x3  }
0x92: {  	_ =	strace s18  }
0x93: {  	s3 =	sld [smem:$0x3FFC];
	_ =	sdelay $0x3  }
0x94: {  	_ =	strace s3  }
0x95: {  	s3 =	sld [smem:$0x3FFD];
	_ =	sdelay $0x3  }
0x96: {  	_ =	strace s3  }
0x97: {  	_ =	strace $0x8FFFFFFF  }
0x98: {  	s19 =	sld [smem:$0x3FDB];
	_ =	sdelay $0x1  }
0x99: {  	s4 =	simm.s32 $_scs_section_size  }
0x9a: {  	s5 =	simm.s32 $_size__tile_overlayer_lowered;
	s6 =	simm.s32 $_tile_overlayer_lowered  }
0x9b: {  	s22 =	simm.s32 $0x1BFF;
	s21 =	sshll.u32 s6, $0x1;
	s3 =	sadd.s32 s4, s19  }
0x9c: {  	s7 =	simm.s32 $0x0;
	s20 =	sshll.u32 s5, $0x1;
	s5 =	sadd.s32 s21, s3  }
0x9d: {  	[timem:s7], [sflag:s22] =	dma.local [hbm:s5], s20  }
0x9e: {  	_ =	swait.ge [sflag:s22], s20  }
0x9f: {  	s4 =	ssub.s32 $0x0, s20;
	[sflag:s22] =	ssyncset.done $0x0  }
0xa0: {  	[sflag:s22] =	ssyncadd.s32 s4;
	_ =	sdelay $0x1  }
0xa1: {  	s23 =	simm.s32 $0x1B8B  }
0xa2: {  	_ =	swait.ge [sflag:s23], $0x1  }
0xa3: {  	[sflag:s23] =	ssyncset.done $0x0  }
0xa4: {  	s25 =	simm.s32 $0x1B8E;
	s24 =	sld [smem:$0x3FFE];
	[sflag:s23] =	ssyncadd.s32 $0xFFFFFFFF  }
0xa5: {  	s26 =	simm.s32 $execute0_lowered;
	[smem:$0x3FD2] =	sst s25  }
0xa6: {  	s5 =	sshll.u32 s26, $0x1;
	_ =	strace $0x80000046;
	[dreg:$0x1] =	wrdreg $0xFFFFFFFF  }
0xa7: {  	s28 =	simm.s32 $_size_execute0_lowered;
	s3 =	sadd.s32 s3, s5;
	[dreg:$0x0] =	wrdreg $0x0  }
0xa8: {  	s5 =	sshll.u32 s28, $0x1;
	[dreg:$0x2] =	wrdreg s3  }
0xa9: {  	[dreg:$0x3] =	wrdreg s5  }
0xaa: {  	[dreg:$0x4] =	wrdreg $0xC0  }
0xab: {  	_ =	task [dreg:s7], $0x5FFFF  }
0xac: {  	[dreg:$0x1] =	wrdreg $0xFFFFFFFF  }
0xad: {  	[dreg:$0x0] =	wrdreg $0x60  }
0xae: {  	[dreg:$0x2] =	wrdreg s24  }
0xaf: {  	[dreg:$0x3] =	wrdreg s2  }
0xb0: {  	[dreg:$0x4] =	wrdreg $0x9  }
0xb1: {  	_ =	task.clear_ibuf [dreg:s7], $0x5FFFF;
	_ =	strace $0x90000046  }
0xb2: {  	s29 =	simm.s32 $0x9;
	_ =	strace $0x80000048  }
0xb3: {  	_ =	swait.ge [sflag:s29], $0x1  }
0xb4: {  	[sflag:s29] =	ssyncadd.s32 $0xFFFFFFFF  }
0xb5: {  	_ =	strace $0x90000048  }
0xb6: {  	_ =	sfence  }
0xb7: {  	s30 =	sld [smem:$0x0];
	_ =	sdelay $0x2  }
0xb8: {  	s31 =	sshll.u32 s1, $0xD;
	s1 =	sshrl.u32 s1, $0x2  }
0xb9: {  	s3 =	sand.u32 $0x4000, s31;
	s1 =	sadd.s32 s1, s30  }
0xba: {  	s0 =	sor.u32 s3, s0;
	s1 =	sshll.u32 s1, $0x11  }
0xbb: {  	s0 =	sor.u32 s1, s0  }
0xbc: {  	s0 =	sadd.s32 $0x8F2B, s0  }
0xbd: {  	[sflag:s0] =	ssyncadd.remote.s32 $0x1  }
0xbe: {  	_ =	sfence.sel $0xFFFF  }
0xbf: {  	[dreg:$0x0] =	wrdreg $0xFFFFFFFF;
	(pc) =	sbr.abs _section_cstart, $3  }
0xc0: {  	[dreg:$0x1] =	wrdreg $0xFFFFFFFF  }
0xc1: {  	_ =	task.clear_ibuf [dreg:s7], $0x2FFFF;
	_ =	strace $0x9FFFFFFF  }
0xc2: {  	(tm) =	ssettm $0x7FFFFFFF  }
0xc3: {  	_ =	shalt  }
tec
execute0_lowered:
.L_overlay_start_1:
0x0: {  	(tag) =	ssettag $0x1  }
0x1: {  	s0 =	srdreg.scid;
	s1 =	rddreg [dreg:$0x0]  }
0x2: {  	s6 =	stileid.u32;
	s13 =	rddreg [dreg:$0x1]  }
0x3: {  	s16 =	simm.s32 $0x1;
	s17 =	simm.s32 $0x2780;
	s18 =	simm.s32 $0x4F00  }
0x4: {  	s19 =	simm.s32 $0x7700;
	s20 =	simm.s32 $0x80;
	s21 =	simm.s32 $0x400  }
0x5: {  	s22 =	simm.s32 $0x5700;
	s23 =	simm.s32 $0x7F00;
	s24 =	simm.s32 $0x5F00  }
0x6: {  	s25 =	simm.s32 $0x8700;
	s28 =	simm.s32 $0x8F00;
	s29 =	simm.s32 $0x6F00  }
0x7: {  	s30 =	simm.s32 $0x9700;
	s0 =	sand.u32 $0x1, s0;
	s2 =	sshll.u32 s6, $0x1  }
0x8: {  	s31 =	simm.s32 $0x0;
	s6 =	sshll.u32 s6, $0x9;
	s3 =	sor.u32 s0, s2  }
0x9: {  	s2 =	simm.s32 $0x0;
	s0 =	ssub.s32 $0x2, s0;
	s4 =	smul.u32 $0x4E2, s3  }
0xa: {  	[smem:$0x7FF] =	sst s2;
	s5 =	sshrl.u32 s0, $0x1;
	s3 =	sshll.u32 s3, $0x4  }
0xb: {  	_ =	strace $0x80000047;
	s0 =	ssub.s32 s0, s5;
	s26 =	sor.u32 s6, s3  }
0xc: {  	s4 =	sadd.s32 s4, s1;
	s1 =	sadd.s32 $0x16200, s1;
	s14 =	sand.u32 $0x1870, s26  }
0xd: {  	s15 =	smax.u32 s0, $0x1;
	s26 =	simm.s32 $0x6700;
	s3 =	sadd.s32 $0xC400, s4  }
0xe: {  	s4 =	sadd.s32 $0x2600, s4;
	s5 =	sadd.s32 s13, s14;
	s6 =	sadd.s32 s1, s14  }
0xf: {  	s8 =	sor.u32 $0x2000, s14;
	s10 =	sor.u32 $0x4000, s14;
	s12 =	sor.u32 $0x6000, s14  }
0x10: {  	s14 =	sor.u32 $0x8000, s14;
	s7 =	sadd.s32 s13, s8;
	s8 =	sadd.s32 s1, s8  }
0x11: {  	s9 =	sadd.s32 s13, s10;
	s10 =	sadd.s32 s1, s10;
	s11 =	sadd.s32 s13, s12  }
0x12: {  	v0 =	vimm.f32 $0.0e+00;
	s12 =	sadd.s32 s1, s12;
	s13 =	sadd.s32 s13, s14;
	s14 =	sadd.s32 s1, s14  }
.LBB2_1:
0x13: {  	[tilespmem:s2], [sflag:$0x1] =	stream.linear.gather [hbm4b:s3+s2], $0x2710, $0x38;
	[tilespmem:$0x9F00] =	vst v63  }
0x14: {  	_ =	swait.ge [sflag:s16], $0x2710  }
0x15: {  	[sflag:s16] =	ssyncset.done $0x0  }
0x16: {  	[sflag:s16] =	ssyncadd.s32 $0xFFFFD8F0  }
0x17: {  	[tilespmem:s17], [sflag:$0x1] =	stream.linear.gather [hbm4b:s4+s2], $0x2710, $0x38;
	[tilespmem:$0x9F00] =	vst v63  }
0x18: {  	_ =	swait.ge [sflag:s16], $0x2710  }
0x19: {  	[sflag:s16] =	ssyncset.done $0x0  }
0x1a: {  	s0 =	simm.s32 $0x0;
	[sflag:s16] =	ssyncadd.s32 $0xFFFFD8F0  }
.LBB2_2:
0x1b: {  	p0 =	sne.s32 s0, $0x9FC0  }
.Ltmp0:
0x1c: {  	_ = 	snop;
	(pc) =	sbr.rel @p0 .LBB2_2-.Ltmp0, $4  }
0x1d: {  	_ = 	snop  }
0x1e: {  	s1 =	sshra.s32 s0, $0x2  }
0x1f: {  	[tilespmem:s1+$0x4F00] =	vst v0  }
0x20: {  	s0 =	sadd.s32 $0x40, s0;
	[tilespmem:s1+$0x7700] =	vst v0  }
0x21: {  	s0 =	simm.s32 $0x0;
	s1 =	simm.s32 $0x40  }
.LBB2_4:
0x22: {  	p0 =	sne.s32 s1, $0x9C00;
	v1 =	vld [tilespmem:s0+$0x0];
	_ =	sdelay $0x4  }
0x23: {  	(xrf1) =	vunique.msk.u32 $0xffff, v1;
	_ =	sdelay $0xd  }
0x24: {  	_, v2, vm0 =	vpop (xrf1);
	_ =	sdelay $0x3  }
0x25: {  	v2 =	vcvt.s32.f32 v2;
	_ =	sdelay $0x1  }
0x26: {  	[tilespmem:v1+s18+$0x0] =	vst.idx.add.f32.msk vm0, v2  }
0x27: {  	v1 =	vld [tilespmem:s0+$0x2780];
	_ =	sdelay $0x4  }
0x28: {  	(xrf1) =	vunique.msk.u32 $0xffff, v1;
	_ =	sdelay $0xd  }
0x29: {  	_, v2, vm0 =	vpop (xrf1);
	_ =	sdelay $0x1  }
.Ltmp1:
0x2a: {  	(pc) =	sbr.rel @p0 .LBB2_4-.Ltmp1, $3  }
0x2b: {  	_ = 	snop  }
0x2c: {  	v2 =	vcvt.s32.f32 v2;
	_ =	sdelay $0x1  }
0x2d: {  	s0 =	sshra.s32 s1, $0x2;
	s1 =	sadd.s32 $0x40, s1;
	[tilespmem:v1+s19+$0x0] =	vst.idx.add.f32.msk vm0, v2  }
0x2e: {  	v1 =	vld [tilespmem:s0+$0x0];
	_ =	sdelay $0x4  }
0x2f: {  	(xrf1) =	vunique.msk.u32 $0xffff, v1;
	_ =	sdelay $0xd  }
0x30: {  	_, v2, vm0 =	vpop (xrf1);
	_ =	sdelay $0x3  }
0x31: {  	v2 =	vcvt.s32.f32 v2;
	_ =	sdelay $0x1  }
0x32: {  	[tilespmem:v1+s18+$0x0] =	vst.idx.add.f32.msk vm0, v2  }
0x33: {  	v1 =	vld [tilespmem:s0+$0x2780];
	_ =	sdelay $0x4  }
0x34: {  	(xrf1) =	vunique.msk.u32 $0xffff, v1;
	_ =	sdelay $0xd  }
0x35: {  	_, v2, vm0 =	vpop (xrf1);
	_ =	sdelay $0x3  }
0x36: {  	v2 =	vcvt.s32.f32 v2;
	_ =	sdelay $0x1  }
0x37: {  	[tilespmem:v1+s19+$0x0] =	vst.idx.add.f32.msk vm0, v2  }
0x38: {  	[hbm4b:s5+s20] =	stream.strided.scatter [tilespmem:s18], [sflag:$0x1], $0x800, s21, s20, $0x38;
	[tilespmem:$0x9F00] =	vst v63  }
0x39: {  	_ =	swait.ge [sflag:s16], $0x800  }
0x3a: {  	[sflag:s16] =	ssyncset.done $0x0  }
0x3b: {  	[sflag:s16] =	ssyncadd.s32 $0xFFFFF800  }
0x3c: {  	[hbm4b:s6+s20] =	stream.strided.scatter [tilespmem:s19], [sflag:$0x1], $0x800, s21, s20, $0x38;
	[tilespmem:$0x9F00] =	vst v63  }
0x3d: {  	_ =	swait.ge [sflag:s16], $0x800  }
0x3e: {  	[sflag:s16] =	ssyncset.done $0x0  }
0x3f: {  	[sflag:s16] =	ssyncadd.s32 $0xFFFFF800  }
0x40: {  	[hbm4b:s7+s20] =	stream.strided.scatter [tilespmem:s22], [sflag:$0x1], $0x800, s21, s20, $0x38;
	[tilespmem:$0x9F00] =	vst v63  }
0x41: {  	_ =	swait.ge [sflag:s16], $0x800  }
0x42: {  	[sflag:s16] =	ssyncset.done $0x0  }
0x43: {  	[sflag:s16] =	ssyncadd.s32 $0xFFFFF800  }
0x44: {  	[hbm4b:s8+s20] =	stream.strided.scatter [tilespmem:s23], [sflag:$0x1], $0x800, s21, s20, $0x38;
	[tilespmem:$0x9F00] =	vst v63  }
0x45: {  	_ =	swait.ge [sflag:s16], $0x800  }
0x46: {  	[sflag:s16] =	ssyncset.done $0x0  }
0x47: {  	[sflag:s16] =	ssyncadd.s32 $0xFFFFF800  }
0x48: {  	[hbm4b:s9+s20] =	stream.strided.scatter [tilespmem:s24], [sflag:$0x1], $0x800, s21, s20, $0x38;
	[tilespmem:$0x9F00] =	vst v63  }
0x49: {  	_ =	swait.ge [sflag:s16], $0x800  }
0x4a: {  	[sflag:s16] =	ssyncset.done $0x0  }
0x4b: {  	[sflag:s16] =	ssyncadd.s32 $0xFFFFF800  }
0x4c: {  	[hbm4b:s10+s20] =	stream.strided.scatter [tilespmem:s25], [sflag:$0x1], $0x800, s21, s20, $0x38;
	[tilespmem:$0x9F00] =	vst v63  }
0x4d: {  	_ =	swait.ge [sflag:s16], $0x800  }
0x4e: {  	[sflag:s16] =	ssyncset.done $0x0  }
0x4f: {  	[sflag:s16] =	ssyncadd.s32 $0xFFFFF800  }
0x50: {  	[hbm4b:s11+s20] =	stream.strided.scatter [tilespmem:s26], [sflag:$0x1], $0x800, s21, s20, $0x38;
	[tilespmem:$0x9F00] =	vst v63  }
0x51: {  	_ =	swait.ge [sflag:s16], $0x800  }
0x52: {  	[sflag:s16] =	ssyncset.done $0x0  }
0x53: {  	[sflag:s16] =	ssyncadd.s32 $0xFFFFF800  }
0x54: {  	[hbm4b:s12+s20] =	stream.strided.scatter [tilespmem:s28], [sflag:$0x1], $0x800, s21, s20, $0x38;
	[tilespmem:$0x9F00] =	vst v63  }
0x55: {  	_ =	swait.ge [sflag:s16], $0x800  }
0x56: {  	[sflag:s16] =	ssyncset.done $0x0  }
0x57: {  	[sflag:s16] =	ssyncadd.s32 $0xFFFFF800  }
0x58: {  	[hbm4b:s13+s20] =	stream.strided.scatter [tilespmem:s29], [sflag:$0x1], $0x800, s21, s20, $0x38;
	[tilespmem:$0x9F00] =	vst v63  }
0x59: {  	s31 =	sadd.s32 $0x1, s31;
	_ =	swait.ge [sflag:s16], $0x800  }
0x5a: {  	p0 =	sne.s32 s31, s15;
	[sflag:s16] =	ssyncset.done $0x0  }
.Ltmp2:
0x5b: {  	[sflag:s16] =	ssyncadd.s32 $0xFFFFF800;
	(pc) =	sbr.rel @p0 .LBB2_1-.Ltmp2, $4  }
0x5c: {  	[hbm4b:s14+s20] =	stream.strided.scatter [tilespmem:s30], [sflag:$0x1], $0x800, s21, s20, $0x38;
	[tilespmem:$0x9F00] =	vst v63  }
0x5d: {  	_ =	swait.ge [sflag:s16], $0x800  }
0x5e: {  	[sflag:s16] =	ssyncset.done $0x0  }
0x5f: {  	[sflag:s16] =	ssyncadd.s32 $0xFFFFF800  }
0x60: {  	_ =	sfence.sel $0x180000  }
0x61: {  	[bflag:$0x0] =	sbarrier.arrive $0xFFFF  }
0x62: {  	_ =	strace $0x90000047  }
0x63: {  	s0 =	stileid.u32;
	[bflag:$0x2] =	sbarrier.arrive $0xFFFF  }
0x64: {  	p0 =	sne.s32 s0, $0x0;
	s0 =	rddreg [dreg:$0x2]  }
0x65: {  	s0 =	sadd.s32 @!p0 $0x100000, s0  }
0x66: {  	[sflag:s0] =	ssyncadd.tile.s32 @!p0 $0x1;
	_ =	shalt  }
.Lfunc_end2:
_tile_overlayer_lowered:
.L_overlay_start_2:
0x67: {  	(tag) =	ssettag $0x2  }
0x68: {  	s0 =	rddreg [dreg:$0x0];
	s2 =	stileid.u32  }
0x69: {  	s1 =	rddreg [dreg:$0x1];
	p0 =	sne.s32 s2, $0x0  }
0x6a: {  	s3 =	rddreg [dreg:$0x2];
	[bflag:$0x3] =	sbarrier.arrive $0xFFFF;
	s2 =	simm.s32 @!p0 $0x1C01  }
0x6b: {  	[timem:s3], [sflag:s2] =	dma.local @!p0 [hbm:s0], s1  }
0x6c: {  	s0 =	simm.s32 @!p0 $0x1  }
0x6d: {  	_ =	swait.ge @!p0 [sflag:s0], s1  }
0x6e: {  	s1 =	ssub.s32 @!p0 $0x0, s1;
	[sflag:s0] =	ssyncset.done @!p0 $0x0  }
0x6f: {  	[sflag:s0] =	ssyncadd.s32 @!p0 s1  }
0x70: {  	[bflag:$0x3] =	sbarrier.arrive $0xFFFF  }
0x71: {  	_ =	shalt  }

</sc_bundles>
